<compile_context>
chip_gen: v7x
topology: tpu7x:2x2x1
jax: 0.10.2.dev20260603
libtpu: 0.0.44.dev20260713+nightly
codegen_flags: <defaults>
</compile_context>

<pallas_src>
import functools

import jax
import jax.numpy as jnp
from jax import lax
from jax.experimental import pallas as pl
from jax.experimental.pallas import tpu as pltpu
from jax.experimental.pallas import tpu_sc as plsc

_NC = 2
_NS = 16
_NW = _NC * _NS

_GCH = 80
_SCH = 40
_CCH = 80
_NPAD = 10240


def _gather_rows(xw_pad, row, E, D):
    per_w = E // _NW
    nch = per_w // _GCH
    rpt = _NPAD // _NS
    mesh = plsc.VectorSubcoreMesh(core_axis_name="c", subcore_axis_name="s")

    @functools.partial(
        pl.kernel,
        mesh=mesh,
        out_type=jax.ShapeDtypeStruct((E, D), jnp.float32),
        scratch_types=[
            pltpu.VMEM((_GCH,), jnp.int32),
            pltpu.VMEM((_GCH,), jnp.int32),
            pltpu.VMEM((_GCH, D), jnp.float32),
            pltpu.VMEM((_GCH, D), jnp.float32),
            pltpu.VMEM_SHARED((_NPAD, D), jnp.float32),
            pltpu.SemaphoreType.DMA,
            pltpu.SemaphoreType.DMA,
            pltpu.SemaphoreType.DMA,
        ],
    )
    def k(xw_hbm, row_hbm, out_hbm, idx0, idx1, r0, r1, xw_sh,
          semg, semw0, semw1):
        c = lax.axis_index("c")
        s = lax.axis_index("s")
        wid = s * _NC + c

        pltpu.sync_copy(xw_hbm.at[pl.ds(s * rpt, rpt)],
                        xw_sh.at[pl.ds(s * rpt, rpt)])
        plsc.subcore_barrier()

        base = wid * per_w
        idxs = (idx0, idx1)
        rows = (r0, r1)
        semws = (semw0, semw1)

        def do_chunk(kk, b):
            off = base + kk * _GCH
            pltpu.sync_copy(row_hbm.at[pl.ds(off, _GCH)], idxs[b])
            pltpu.async_copy(xw_sh.at[idxs[b]], rows[b], semg).wait()
            pltpu.async_copy(rows[b], out_hbm.at[pl.ds(off, _GCH)], semws[b])

        def wb_wait(b):
            pltpu.make_async_copy(rows[b], out_hbm.at[pl.ds(base, _GCH)],
                                  semws[b]).wait()

        do_chunk(0, 0)
        do_chunk(1, 1)

        def body(j, carry):
            wb_wait(0)
            do_chunk(2 * j, 0)
            wb_wait(1)
            do_chunk(2 * j + 1, 1)
            return carry

        lax.fori_loop(1, nch // 2, body, 0)
        wb_wait(0)
        do_chunk(nch - 1, 0)
        wb_wait(1)
        wb_wait(0)

    return k(xw_pad, row)


def _scatter_sums(h, col2, E, D):
    per_w = E // _NW
    nch = per_w // _SCH
    rpt = _NPAD // _NS
    mesh = plsc.VectorSubcoreMesh(core_axis_name="c", subcore_axis_name="s")

    @functools.partial(
        pl.kernel,
        mesh=mesh,
        out_type=jax.ShapeDtypeStruct((_NC, _NPAD, D), jnp.float32),
        scratch_types=[
            pltpu.VMEM((nch, _SCH), jnp.int32),
            pltpu.VMEM((_SCH, D), jnp.float32),
            pltpu.VMEM((_SCH, D), jnp.float32),
            pltpu.VMEM_SHARED((_NPAD, D), jnp.float32),
            pltpu.SemaphoreType.DMA,
            pltpu.SemaphoreType.DMA,
            pltpu.SemaphoreType.DMA,
            pltpu.SemaphoreType.DMA,
        ],
    )
    def k(h_hbm, col_hbm, sums_out, idx_all, r0, r1, sums_sh,
          semh0, semh1, sema0, sema1):
        c = lax.axis_index("c")
        s = lax.axis_index("s")
        wid = s * _NC + c
        zeros16 = jnp.zeros((16,), jnp.float32)
        rows = (r0, r1)
        semas = (sema0, sema1)

        pltpu.sync_copy(col_hbm.at[wid], idx_all)

        def fill_zero(i, carry):
            for j in range(D // 16):
                r0[i, pl.ds(j * 16, 16)] = zeros16
            return carry

        lax.fori_loop(0, _SCH, fill_zero, 0)

        nbase = s * rpt
        for z in range(rpt // _SCH):
            pltpu.sync_copy(r0, sums_sh.at[pl.ds(nbase + z * _SCH, _SCH)])
        plsc.subcore_barrier()

        base = wid * per_w
        semhs = (semh0, semh1)

        def h_load(kk, b):
            off = base + kk * _SCH
            pltpu.async_copy(h_hbm.at[pl.ds(off, _SCH)], rows[b], semhs[b])

        def h_wait(b):
            pltpu.make_async_copy(h_hbm.at[pl.ds(base, _SCH)], rows[b],
                                  semhs[b]).wait()

        def add_issue(kk, b):
            pltpu.async_copy(rows[b], sums_sh.at[idx_all.at[kk]],
                             semas[b], add=True)

        def add_wait(b):
            pltpu.make_async_copy(rows[b], sums_sh.at[idx_all.at[0]],
                                  semas[b]).wait()

        h_load(0, 0)
        h_wait(0)
        add_issue(0, 0)
        h_load(1, 1)
        h_wait(1)
        add_issue(1, 1)
        add_wait(0)
        h_load(2, 0)

        def body(j, carry):
            h_wait(0)
            add_issue(2 * j, 0)
            add_wait(1)
            h_load(2 * j + 1, 1)
            h_wait(1)
            add_issue(2 * j + 1, 1)
            add_wait(0)
            h_load(2 * j + 2, 0)
            return carry

        lax.fori_loop(1, nch // 2 - 1, body, 0)
        h_wait(0)
        add_issue(nch - 2, 0)
        add_wait(1)
        h_load(nch - 1, 1)
        h_wait(1)
        add_issue(nch - 1, 1)
        add_wait(0)
        add_wait(1)
        plsc.subcore_barrier()
        pltpu.sync_copy(sums_sh.at[pl.ds(nbase, rpt)],
                        sums_out.at[c, pl.ds(nbase, rpt)])

    return k(h, col2)


def _scatter_counts(col, E, D):
    per_w = E // _NW
    nch = per_w // _CCH
    rpt = _NPAD // _NS
    mesh = plsc.VectorSubcoreMesh(core_axis_name="c", subcore_axis_name="s")

    @functools.partial(
        pl.kernel,
        mesh=mesh,
        out_type=jax.ShapeDtypeStruct((_NC, _NPAD, D), jnp.float32),
        scratch_types=[
            pltpu.VMEM((nch, _CCH), jnp.int32),
            pltpu.VMEM((_CCH, D), jnp.float32),
            pltpu.VMEM_SHARED((_NPAD, D), jnp.float32),
            pltpu.SemaphoreType.DMA,
            pltpu.SemaphoreType.DMA,
        ],
    )
    def k(col_hbm, cnt_out, idx_all, ones_v, cnt_sh, sema0, sema1):
        c = lax.axis_index("c")
        s = lax.axis_index("s")
        wid = s * _NC + c
        zeros16 = jnp.zeros((16,), jnp.float32)
        ones16 = jnp.ones((16,), jnp.float32)
        semas = (sema0, sema1)

        pltpu.sync_copy(col_hbm.at[wid], idx_all)

        def fill_zero(i, carry):
            for j in range(D // 16):
                ones_v[i, pl.ds(j * 16, 16)] = zeros16
            return carry

        lax.fori_loop(0, _CCH, fill_zero, 0)

        nbase = s * rpt
        for z in range(rpt // _CCH):
            pltpu.sync_copy(ones_v, cnt_sh.at[pl.ds(nbase + z * _CCH, _CCH)])

        def fill_ones(i, carry):
            for j in range(D // 16):
                ones_v[i, pl.ds(j * 16, 16)] = ones16
            return carry

        lax.fori_loop(0, _CCH, fill_ones, 0)
        plsc.subcore_barrier()

        def do_chunk(kk, b):
            pltpu.async_copy(ones_v, cnt_sh.at[idx_all.at[kk]],
                             semas[b], add=True)

        def add_wait(b):
            pltpu.make_async_copy(ones_v, cnt_sh.at[idx_all.at[0]],
                                  semas[b]).wait()

        do_chunk(0, 0)
        do_chunk(1, 1)

        def body(j, carry):
            add_wait(0)
            do_chunk(2 * j, 0)
            add_wait(1)
            do_chunk(2 * j + 1, 1)
            return carry

        lax.fori_loop(1, nch // 2, body, 0)
        add_wait(0)
        do_chunk(nch - 1, 0)
        add_wait(1)
        add_wait(0)
        plsc.subcore_barrier()
        pltpu.sync_copy(cnt_sh.at[pl.ds(nbase, rpt)],
                        cnt_out.at[c, pl.ds(nbase, rpt)])

    return k(col)


def _mm_body(x_ref, w_ref, o_ref):
    o_ref[...] = jnp.dot(x_ref[...], w_ref[...],
                         preferred_element_type=jnp.float32)


def _edge_mlp_body(xg_ref, ea_ref, w1e_ref, b1a_ref, w1b_ref, b1b_ref, o_ref):
    h1 = xg_ref[...] + jnp.dot(ea_ref[...], w1e_ref[...],
                               preferred_element_type=jnp.float32)
    h1 = jnp.maximum(h1 + b1a_ref[...], 0.0)
    h2 = jnp.dot(h1, w1b_ref[...], preferred_element_type=jnp.float32)
    o_ref[...] = jnp.maximum(h2 + b1b_ref[...], 0.0)


def _node_mlp_body(x_ref, p0_ref, p1_ref, c0_ref, c1_ref, w2x_ref, w2a_ref,
                   b2a_ref, w2b_ref, b2b_ref, o_ref):
    cnt = c0_ref[0, :, 0:1] + c1_ref[0, :, 0:1]
    agg = (p0_ref[0] + p1_ref[0]) / jnp.maximum(cnt, 1.0)
    hid = jnp.dot(x_ref[...], w2x_ref[...], preferred_element_type=jnp.float32)
    hid = hid + jnp.dot(agg, w2a_ref[...], preferred_element_type=jnp.float32)
    hid = jnp.maximum(hid + b2a_ref[...], 0.0)
    out = jnp.dot(hid, w2b_ref[...], preferred_element_type=jnp.float32)
    o_ref[...] = out + b2b_ref[...]


def kernel(x, edge_index, edge_attr, W1a, b1a, W1b, b1b, W2a, b2a, W2b, b2b):
    N, D = x.shape
    E = edge_index.shape[1]
    DE = edge_attr.shape[1]
    row = edge_index[0].astype(jnp.int32)
    col = edge_index[1].astype(jnp.int32)

    W1a_x = W1a[:D]
    W1a_e = W1a[D:]
    W2a_x = W2a[:D]
    W2a_a = W2a[D:]
    b1a2 = b1a.reshape(1, -1)
    b1b2 = b1b.reshape(1, -1)
    b2a2 = b2a.reshape(1, -1)
    b2b2 = b2b.reshape(1, -1)

    col_c = col.reshape(_NW, E // _NW // _CCH, _CCH)
    col_s = col.reshape(_NW, E // _NW // _SCH, _SCH)

    x_pad = jnp.concatenate(
        [x, jnp.zeros((_NPAD - N, D), jnp.float32)], axis=0)
    PB = _NPAD // 8
    xw = pl.pallas_call(
        _mm_body,
        grid=(8,),
        in_specs=[
            pl.BlockSpec((PB, D), lambda i: (i, 0)),
            pl.BlockSpec((D, D), lambda i: (0, 0)),
        ],
        out_specs=pl.BlockSpec((PB, D), lambda i: (i, 0)),
        out_shape=jax.ShapeDtypeStruct((_NPAD, D), jnp.float32),
    )(x_pad, W1a_x)

    xg = _gather_rows(xw, row, E, D)

    EB = 2560
    h = pl.pallas_call(
        _edge_mlp_body,
        grid=(E // EB,),
        in_specs=[
            pl.BlockSpec((EB, D), lambda i: (i, 0)),
            pl.BlockSpec((EB, DE), lambda i: (i, 0)),
            pl.BlockSpec((DE, D), lambda i: (0, 0)),
            pl.BlockSpec((1, D), lambda i: (0, 0)),
            pl.BlockSpec((D, D), lambda i: (0, 0)),
            pl.BlockSpec((1, D), lambda i: (0, 0)),
        ],
        out_specs=pl.BlockSpec((EB, D), lambda i: (i, 0)),
        out_shape=jax.ShapeDtypeStruct((E, D), jnp.float32),
    )(xg, edge_attr, W1a_e, b1a2, W1b, b1b2)

    cnt = _scatter_counts(col_c, E, D)

    sums = _scatter_sums(h, col_s, E, D)

    NB = 2000
    out = pl.pallas_call(
        _node_mlp_body,
        grid=(N // NB,),
        in_specs=[
            pl.BlockSpec((NB, D), lambda i: (i, 0)),
            pl.BlockSpec((1, NB, D), lambda i: (0, i, 0)),
            pl.BlockSpec((1, NB, D), lambda i: (1, i, 0)),
            pl.BlockSpec((1, NB, D), lambda i: (0, i, 0)),
            pl.BlockSpec((1, NB, D), lambda i: (1, i, 0)),
            pl.BlockSpec((D, D), lambda i: (0, 0)),
            pl.BlockSpec((D, D), lambda i: (0, 0)),
            pl.BlockSpec((1, D), lambda i: (0, 0)),
            pl.BlockSpec((D, D), lambda i: (0, 0)),
            pl.BlockSpec((1, D), lambda i: (0, 0)),
        ],
        out_specs=pl.BlockSpec((NB, D), lambda i: (i, 0)),
        out_shape=jax.ShapeDtypeStruct((N, D), jnp.float32),
    )(x, sums, sums, cnt, cnt, W2a_x, W2a_a, b2a2, W2b, b2b2)
    return out

# --- scband reference (transcript-rebuilt; emitter-appended) ---
"""Pipeline reference for scband-node-model-88923002897017 (READ-ONLY COPY).

The authoritative reference and input builder live on the scoring server;
editing this copy changes nothing except your own understanding.
"""

import jax, jax.numpy as jnp
import numpy as np

N_NODES = 10000
N_EDGES = 320000
D_NODE = 128
D_EDGE = 16
H1 = 128
H2 = 128
H3 = 128
D_OUT = 128


def _glorot(key, shape):
    fan_in, fan_out = shape[0], shape[1]
    lim = jnp.sqrt(6.0 / (fan_in + fan_out))
    return jax.random.uniform(key, shape, jnp.float32, -lim, lim)


def setup_inputs(seed: int = 0) -> dict:
    key = jax.random.key(seed)
    ks = jax.random.split(key, 12)
    x = jax.random.normal(ks[0], (N_NODES, D_NODE), dtype=jnp.float32)
    edge_index = jax.random.randint(ks[1], (2, N_EDGES), 0, N_NODES, dtype=jnp.int64)
    edge_attr = jax.random.normal(ks[2], (N_EDGES, D_EDGE), dtype=jnp.float32)
    # node_mlp_1: Linear(144 -> 128), ReLU, Linear(128 -> 128), ReLU
    W1a = _glorot(ks[3], (D_NODE + D_EDGE, H1))
    b1a = jnp.zeros((H1,), dtype=jnp.float32)
    W1b = _glorot(ks[4], (H1, H2))
    b1b = jnp.zeros((H2,), dtype=jnp.float32)
    # node_mlp_2: Linear(256 -> 128), ReLU, Linear(128 -> 128)
    W2a = _glorot(ks[5], (D_NODE + H2, H3))
    b2a = jnp.zeros((H3,), dtype=jnp.float32)
    W2b = _glorot(ks[6], (H3, D_OUT))
    b2b = jnp.zeros((D_OUT,), dtype=jnp.float32)
    return {"x": x, "edge_index": edge_index, "edge_attr": edge_attr,
            "W1a": W1a, "b1a": b1a, "W1b": W1b, "b1b": b1b,
            "W2a": W2a, "b2a": b2a, "W2b": W2b, "b2b": b2b}


def reference(x, edge_index, edge_attr, W1a, b1a, W1b, b1b, W2a, b2a, W2b, b2b):
    row = edge_index[0]
    col = edge_index[1]
    # per-edge MLP on [x[src] || edge_attr]
    srcnode_edge = jnp.concatenate([jnp.take(x, row, axis=0), edge_attr], axis=1)
    h = jax.nn.relu(srcnode_edge @ W1a + b1a)
    h = jax.nn.relu(h @ W1b + b1b)
    # scatter_mean over destination nodes
    sums = jax.ops.segment_sum(h, col, num_segments=N_NODES)
    cnt = jax.ops.segment_sum(jnp.ones((h.shape[0], 1), dtype=h.dtype), col, num_segments=N_NODES)
    per_node_aggs = sums / jnp.maximum(cnt, 1.0)
    node_agg_u = jnp.concatenate([x, per_node_aggs], axis=1)
    out = jax.nn.relu(node_agg_u @ W2a + b2a)
    out = out @ W2b + b2b
    return out

if __name__ == "__main__":
    import jax
    _d = setup_inputs()
    print(jax.jit(kernel)(*tuple(_d.values())))

</pallas_src>

<mosaic_0001>
#map = affine_map<(d0, d1) -> (0, 0)>
#map1 = affine_map<(d0, d1) -> (0)>
module attributes {stable_mosaic.version = 14 : i64} {
  func.func @k(%arg0: i32, %arg1: i32, %arg2: memref<10240x128xf32, #tpu.memory_space<hbm>>, %arg3: memref<320000xi32, #tpu.memory_space<hbm>>, %arg4: memref<320000x128xf32, #tpu.memory_space<hbm>>, %arg5: memref<80xi32, #tpu.memory_space<vmem>>, %arg6: memref<80xi32, #tpu.memory_space<vmem>>, %arg7: memref<80x128xf32, #tpu.memory_space<vmem>>, %arg8: memref<80x128xf32, #tpu.memory_space<vmem>>, %arg9: memref<10240x128xf32, #tpu.memory_space<vmem_shared>>, %arg10: memref<!tpu.dma_semaphore, #tpu.memory_space<semaphore_mem>>, %arg11: memref<!tpu.dma_semaphore, #tpu.memory_space<semaphore_mem>>, %arg12: memref<!tpu.dma_semaphore, #tpu.memory_space<semaphore_mem>>) attributes {dimension_semantics = [#tpu.dimension_semantics<core_parallel>, #tpu.dimension_semantics<subcore_parallel>], iteration_bounds = array<i64: 2, 16>, scalar_prefetch = 0 : i64, scratch_operands = 8 : i64, tpu.core_type = #tpu.core_type<sc_vector_subcore>, window_params = [{transform_indices = #map}, {transform_indices = #map1}, {transform_indices = #map}]} {
    %mul3A = arith.constant 2 : i32
    %mul3A_0 = arith.muli %arg1, %mul3A : i32
    %add3A = arith.addi %mul3A_0, %arg0 : i32
    %mul3A_1 = arith.constant 640 : i32
    %mul3A_2 = arith.muli %arg1, %mul3A_1 : i32
    %mul3A_3 = arith.constant 640 : i32
    %mul3A_4 = arith.muli %arg1, %mul3A_3 : i32
    "tpu.region"() ({
      %run_scoped3A = tpu.sem_alloc : memref<!tpu.dma_semaphore, #tpu.memory_space<semaphore_mem>>
      %dma_start3A_58 = arith.constant 0 : i32
      %dma_start3A_59 = tpu.memref_slice %arg9[%mul3A_4, %dma_start3A_58] : memref<10240x128xf32, #tpu.memory_space<vmem_shared>> -> memref<640x128xf32, #tpu.memory_space<vmem_shared>>
      %dma_start3A_60 = arith.constant 0 : i32
      %dma_start3A_61 = tpu.memref_slice %arg2[%mul3A_2, %dma_start3A_60] : memref<10240x128xf32, #tpu.memory_space<hbm>> -> memref<640x128xf32, #tpu.memory_space<hbm>>
      tpu.enqueue_dma source(%dma_start3A_61 : memref<640x128xf32, #tpu.memory_space<hbm>>) target(%dma_start3A_59 : memref<640x128xf32, #tpu.memory_space<vmem_shared>>) target_semaphore(%run_scoped3A : memref<!tpu.dma_semaphore, #tpu.memory_space<semaphore_mem>>)
      %dma_wait3A_62 = arith.constant 0 : i32
      %dma_wait3A_63 = tpu.memref_slice %arg9[%mul3A_4, %dma_wait3A_62] : memref<10240x128xf32, #tpu.memory_space<vmem_shared>> -> memref<640x128xf32, #tpu.memory_space<vmem_shared>>
      %dma_wait3A_64 = arith.constant 0 : i32
      %dma_wait3A_65 = tpu.memref_slice %arg2[%mul3A_2, %dma_wait3A_64] : memref<10240x128xf32, #tpu.memory_space<hbm>> -> memref<640x128xf32, #tpu.memory_space<hbm>>
      tpu.wait_dma2 semaphore(%run_scoped3A : memref<!tpu.dma_semaphore, #tpu.memory_space<semaphore_mem>>) src(%dma_wait3A_65 : memref<640x128xf32, #tpu.memory_space<hbm>>) dst(%dma_wait3A_63 : memref<640x128xf32, #tpu.memory_space<vmem_shared>>)
      tpu.yield
    }) : () -> ()
    %barrier3A = arith.constant 0 : index
    tpu.barrier barrier_id(%barrier3A)
    %mul3A_5 = arith.constant 10000 : i32
    %mul3A_6 = arith.muli %add3A, %mul3A_5 : i32
    %add3A_7 = arith.constant 0 : i32
    %add3A_8 = arith.addi %mul3A_6, %add3A_7 : i32
    "tpu.region"() ({
      %run_scoped3A = tpu.sem_alloc : memref<!tpu.dma_semaphore, #tpu.memory_space<semaphore_mem>>
      %dma_start3A_58 = tpu.memref_slice %arg3[%add3A_8] : memref<320000xi32, #tpu.memory_space<hbm>> -> memref<80xi32, #tpu.memory_space<hbm>>
      %dma_start3A_59 = tpu.memref_slice %arg3[%add3A_8] : memref<320000xi32, #tpu.memory_space<hbm>> -> memref<80xi32, #tpu.memory_space<hbm>>
      tpu.enqueue_dma source(%dma_start3A_59 : memref<80xi32, #tpu.memory_space<hbm>>) target(%arg5 : memref<80xi32, #tpu.memory_space<vmem>>) target_semaphore(%run_scoped3A : memref<!tpu.dma_semaphore, #tpu.memory_space<semaphore_mem>>)
      %dma_wait3A_60 = tpu.memref_slice %arg3[%add3A_8] : memref<320000xi32, #tpu.memory_space<hbm>> -> memref<80xi32, #tpu.memory_space<hbm>>
      %dma_wait3A_61 = tpu.memref_slice %arg3[%add3A_8] : memref<320000xi32, #tpu.memory_space<hbm>> -> memref<80xi32, #tpu.memory_space<hbm>>
      tpu.wait_dma2 semaphore(%run_scoped3A : memref<!tpu.dma_semaphore, #tpu.memory_space<semaphore_mem>>) src(%dma_wait3A_61 : memref<80xi32, #tpu.memory_space<hbm>>) dst(%arg5 : memref<80xi32, #tpu.memory_space<vmem>>)
      tpu.yield
    }) : () -> ()
    %dma_start3A = arith.constant 0 : i32
    %dma_start3A_9 = arith.constant 0 : i32
    %dma_start3A_10 = tpu.memref_slice %arg9[%dma_start3A, %dma_start3A_9] : memref<10240x128xf32, #tpu.memory_space<vmem_shared>> -> memref<10240x128xf32, #tpu.memory_space<vmem_shared>>
    tpu.enqueue_indirect_dma source(%dma_start3A_10 : memref<10240x128xf32, #tpu.memory_space<vmem_shared>>) target(%arg7 : memref<80x128xf32, #tpu.memory_space<vmem>>) offsets(%arg5 : memref<80xi32, #tpu.memory_space<vmem>>) semaphore(%arg10 : memref<!tpu.dma_semaphore, #tpu.memory_space<semaphore_mem>>)
    %dma_wait3A = arith.constant 0 : i32
    %dma_wait3A_11 = arith.constant 0 : i32
    %dma_wait3A_12 = tpu.memref_slice %arg9[%dma_wait3A, %dma_wait3A_11] : memref<10240x128xf32, #tpu.memory_space<vmem_shared>> -> memref<10240x128xf32, #tpu.memory_space<vmem_shared>>
    tpu.wait_indirect_dma semaphore(%arg10 : memref<!tpu.dma_semaphore, #tpu.memory_space<semaphore_mem>>) src(%dma_wait3A_12 : memref<10240x128xf32, #tpu.memory_space<vmem_shared>>) dst(%arg7 : memref<80x128xf32, #tpu.memory_space<vmem>>)
    %dma_start3A_13 = arith.constant 0 : i32
    %dma_start3A_14 = tpu.memref_slice %arg4[%add3A_8, %dma_start3A_13] : memref<320000x128xf32, #tpu.memory_space<hbm>> -> memref<80x128xf32, #tpu.memory_space<hbm>>
    %dma_start3A_15 = arith.constant 0 : i32
    %dma_start3A_16 = tpu.memref_slice %arg4[%add3A_8, %dma_start3A_15] : memref<320000x128xf32, #tpu.memory_space<hbm>> -> memref<80x128xf32, #tpu.memory_space<hbm>>
    tpu.enqueue_dma source(%arg7 : memref<80x128xf32, #tpu.memory_space<vmem>>) target(%dma_start3A_16 : memref<80x128xf32, #tpu.memory_space<hbm>>) target_semaphore(%arg11 : memref<!tpu.dma_semaphore, #tpu.memory_space<semaphore_mem>>)
    %add3A_17 = arith.constant 80 : i32
    %add3A_18 = arith.addi %mul3A_6, %add3A_17 : i32
    "tpu.region"() ({
      %run_scoped3A = tpu.sem_alloc : memref<!tpu.dma_semaphore, #tpu.memory_space<semaphore_mem>>
      %dma_start3A_58 = tpu.memref_slice %arg3[%add3A_18] : memref<320000xi32, #tpu.memory_space<hbm>> -> memref<80xi32, #tpu.memory_space<hbm>>
      %dma_start3A_59 = tpu.memref_slice %arg3[%add3A_18] : memref<320000xi32, #tpu.memory_space<hbm>> -> memref<80xi32, #tpu.memory_space<hbm>>
      tpu.enqueue_dma source(%dma_start3A_59 : memref<80xi32, #tpu.memory_space<hbm>>) target(%arg6 : memref<80xi32, #tpu.memory_space<vmem>>) target_semaphore(%run_scoped3A : memref<!tpu.dma_semaphore, #tpu.memory_space<semaphore_mem>>)
      %dma_wait3A_60 = tpu.memref_slice %arg3[%add3A_18] : memref<320000xi32, #tpu.memory_space<hbm>> -> memref<80xi32, #tpu.memory_space<hbm>>
      %dma_wait3A_61 = tpu.memref_slice %arg3[%add3A_18] : memref<320000xi32, #tpu.memory_space<hbm>> -> memref<80xi32, #tpu.memory_space<hbm>>
      tpu.wait_dma2 semaphore(%run_scoped3A : memref<!tpu.dma_semaphore, #tpu.memory_space<semaphore_mem>>) src(%dma_wait3A_61 : memref<80xi32, #tpu.memory_space<hbm>>) dst(%arg6 : memref<80xi32, #tpu.memory_space<vmem>>)
      tpu.yield
    }) : () -> ()
    %dma_start3A_19 = arith.constant 0 : i32
    %dma_start3A_20 = arith.constant 0 : i32
    %dma_start3A_21 = tpu.memref_slice %arg9[%dma_start3A_19, %dma_start3A_20] : memref<10240x128xf32, #tpu.memory_space<vmem_shared>> -> memref<10240x128xf32, #tpu.memory_space<vmem_shared>>
    tpu.enqueue_indirect_dma source(%dma_start3A_21 : memref<10240x128xf32, #tpu.memory_space<vmem_shared>>) target(%arg8 : memref<80x128xf32, #tpu.memory_space<vmem>>) offsets(%arg6 : memref<80xi32, #tpu.memory_space<vmem>>) semaphore(%arg10 : memref<!tpu.dma_semaphore, #tpu.memory_space<semaphore_mem>>)
    %dma_wait3A_22 = arith.constant 0 : i32
    %dma_wait3A_23 = arith.constant 0 : i32
    %dma_wait3A_24 = tpu.memref_slice %arg9[%dma_wait3A_22, %dma_wait3A_23] : memref<10240x128xf32, #tpu.memory_space<vmem_shared>> -> memref<10240x128xf32, #tpu.memory_space<vmem_shared>>
    tpu.wait_indirect_dma semaphore(%arg10 : memref<!tpu.dma_semaphore, #tpu.memory_space<semaphore_mem>>) src(%dma_wait3A_24 : memref<10240x128xf32, #tpu.memory_space<vmem_shared>>) dst(%arg8 : memref<80x128xf32, #tpu.memory_space<vmem>>)
    %dma_start3A_25 = arith.constant 0 : i32
    %dma_start3A_26 = tpu.memref_slice %arg4[%add3A_18, %dma_start3A_25] : memref<320000x128xf32, #tpu.memory_space<hbm>> -> memref<80x128xf32, #tpu.memory_space<hbm>>
    %dma_start3A_27 = arith.constant 0 : i32
    %dma_start3A_28 = tpu.memref_slice %arg4[%add3A_18, %dma_start3A_27] : memref<320000x128xf32, #tpu.memory_space<hbm>> -> memref<80x128xf32, #tpu.memory_space<hbm>>
    tpu.enqueue_dma source(%arg8 : memref<80x128xf32, #tpu.memory_space<vmem>>) target(%dma_start3A_28 : memref<80x128xf32, #tpu.memory_space<hbm>>) target_semaphore(%arg12 : memref<!tpu.dma_semaphore, #tpu.memory_space<semaphore_mem>>)
    %scan3A = arith.constant 0 : i32
    %scan3A_29 = arith.constant 1 : i32
    %scan3A_30 = arith.constant 61 : i32
    %scan3A_31 = arith.addi %scan3A_29, %scan3A_30 : i32
    %scan3A_32 = arith.constant 1 : i32
    scf.for %scan3A_58 = %scan3A_29 to %scan3A_31 step %scan3A_32  : i32 {
      %dma_wait3A_59 = arith.constant 0 : i32
      %dma_wait3A_60 = tpu.memref_slice %arg4[%mul3A_6, %dma_wait3A_59] : memref<320000x128xf32, #tpu.memory_space<hbm>> -> memref<80x128xf32, #tpu.memory_space<hbm>>
      %dma_wait3A_61 = arith.constant 0 : i32
      %dma_wait3A_62 = tpu.memref_slice %arg4[%mul3A_6, %dma_wait3A_61] : memref<320000x128xf32, #tpu.memory_space<hbm>> -> memref<80x128xf32, #tpu.memory_space<hbm>>
      tpu.wait_dma2 semaphore(%arg11 : memref<!tpu.dma_semaphore, #tpu.memory_space<semaphore_mem>>) src(%arg7 : memref<80x128xf32, #tpu.memory_space<vmem>>) dst(%dma_wait3A_62 : memref<80x128xf32, #tpu.memory_space<hbm>>)
      %mul3A_63 = arith.constant 2 : i32
      %mul3A_64 = arith.muli %mul3A_63, %scan3A_58 : i32
      %mul3A_65 = arith.constant 80 : i32
      %mul3A_66 = arith.muli %mul3A_64, %mul3A_65 : i32
      %add3A_67 = arith.addi %mul3A_6, %mul3A_66 : i32
      "tpu.region"() ({
        %run_scoped3A = tpu.sem_alloc : memref<!tpu.dma_semaphore, #tpu.memory_space<semaphore_mem>>
        %dma_start3A_99 = tpu.memref_slice %arg3[%add3A_67] : memref<320000xi32, #tpu.memory_space<hbm>> -> memref<80xi32, #tpu.memory_space<hbm>>
        %dma_start3A_100 = tpu.memref_slice %arg3[%add3A_67] : memref<320000xi32, #tpu.memory_space<hbm>> -> memref<80xi32, #tpu.memory_space<hbm>>
        tpu.enqueue_dma source(%dma_start3A_100 : memref<80xi32, #tpu.memory_space<hbm>>) target(%arg5 : memref<80xi32, #tpu.memory_space<vmem>>) target_semaphore(%run_scoped3A : memref<!tpu.dma_semaphore, #tpu.memory_space<semaphore_mem>>)
        %dma_wait3A_101 = tpu.memref_slice %arg3[%add3A_67] : memref<320000xi32, #tpu.memory_space<hbm>> -> memref<80xi32, #tpu.memory_space<hbm>>
        %dma_wait3A_102 = tpu.memref_slice %arg3[%add3A_67] : memref<320000xi32, #tpu.memory_space<hbm>> -> memref<80xi32, #tpu.memory_space<hbm>>
        tpu.wait_dma2 semaphore(%run_scoped3A : memref<!tpu.dma_semaphore, #tpu.memory_space<semaphore_mem>>) src(%dma_wait3A_102 : memref<80xi32, #tpu.memory_space<hbm>>) dst(%arg5 : memref<80xi32, #tpu.memory_space<vmem>>)
        tpu.yield
      }) : () -> ()
      %dma_start3A_68 = arith.constant 0 : i32
      %dma_start3A_69 = arith.constant 0 : i32
      %dma_start3A_70 = tpu.memref_slice %arg9[%dma_start3A_68, %dma_start3A_69] : memref<10240x128xf32, #tpu.memory_space<vmem_shared>> -> memref<10240x128xf32, #tpu.memory_space<vmem_shared>>
      tpu.enqueue_indirect_dma source(%dma_start3A_70 : memref<10240x128xf32, #tpu.memory_space<vmem_shared>>) target(%arg7 : memref<80x128xf32, #tpu.memory_space<vmem>>) offsets(%arg5 : memref<80xi32, #tpu.memory_space<vmem>>) semaphore(%arg10 : memref<!tpu.dma_semaphore, #tpu.memory_space<semaphore_mem>>)
      %dma_wait3A_71 = arith.constant 0 : i32
      %dma_wait3A_72 = arith.constant 0 : i32
      %dma_wait3A_73 = tpu.memref_slice %arg9[%dma_wait3A_71, %dma_wait3A_72] : memref<10240x128xf32, #tpu.memory_space<vmem_shared>> -> memref<10240x128xf32, #tpu.memory_space<vmem_shared>>
      tpu.wait_indirect_dma semaphore(%arg10 : memref<!tpu.dma_semaphore, #tpu.memory_space<semaphore_mem>>) src(%dma_wait3A_73 : memref<10240x128xf32, #tpu.memory_space<vmem_shared>>) dst(%arg7 : memref<80x128xf32, #tpu.memory_space<vmem>>)
      %dma_start3A_74 = arith.constant 0 : i32
      %dma_start3A_75 = tpu.memref_slice %arg4[%add3A_67, %dma_start3A_74] : memref<320000x128xf32, #tpu.memory_space<hbm>> -> memref<80x128xf32, #tpu.memory_space<hbm>>
      %dma_start3A_76 = arith.constant 0 : i32
      %dma_start3A_77 = tpu.memref_slice %arg4[%add3A_67, %dma_start3A_76] : memref<320000x128xf32, #tpu.memory_space<hbm>> -> memref<80x128xf32, #tpu.memory_space<hbm>>
      tpu.enqueue_dma source(%arg7 : memref<80x128xf32, #tpu.memory_space<vmem>>) target(%dma_start3A_77 : memref<80x128xf32, #tpu.memory_space<hbm>>) target_semaphore(%arg11 : memref<!tpu.dma_semaphore, #tpu.memory_space<semaphore_mem>>)
      %dma_wait3A_78 = arith.constant 0 : i32
      %dma_wait3A_79 = tpu.memref_slice %arg4[%mul3A_6, %dma_wait3A_78] : memref<320000x128xf32, #tpu.memory_space<hbm>> -> memref<80x128xf32, #tpu.memory_space<hbm>>
      %dma_wait3A_80 = arith.constant 0 : i32
      %dma_wait3A_81 = tpu.memref_slice %arg4[%mul3A_6, %dma_wait3A_80] : memref<320000x128xf32, #tpu.memory_space<hbm>> -> memref<80x128xf32, #tpu.memory_space<hbm>>
      tpu.wait_dma2 semaphore(%arg12 : memref<!tpu.dma_semaphore, #tpu.memory_space<semaphore_mem>>) src(%arg8 : memref<80x128xf32, #tpu.memory_space<vmem>>) dst(%dma_wait3A_81 : memref<80x128xf32, #tpu.memory_space<hbm>>)
      %mul3A_82 = arith.constant 2 : i32
      %mul3A_83 = arith.muli %mul3A_82, %scan3A_58 : i32
      %add3A_84 = arith.constant 1 : i32
      %add3A_85 = arith.addi %mul3A_83, %add3A_84 : i32
      %mul3A_86 = arith.constant 80 : i32
      %mul3A_87 = arith.muli %add3A_85, %mul3A_86 : i32
      %add3A_88 = arith.addi %mul3A_6, %mul3A_87 : i32
      "tpu.region"() ({
        %run_scoped3A = tpu.sem_alloc : memref<!tpu.dma_semaphore, #tpu.memory_space<semaphore_mem>>
        %dma_start3A_99 = tpu.memref_slice %arg3[%add3A_88] : memref<320000xi32, #tpu.memory_space<hbm>> -> memref<80xi32, #tpu.memory_space<hbm>>
        %dma_start3A_100 = tpu.memref_slice %arg3[%add3A_88] : memref<320000xi32, #tpu.memory_space<hbm>> -> memref<80xi32, #tpu.memory_space<hbm>>
        tpu.enqueue_dma source(%dma_start3A_100 : memref<80xi32, #tpu.memory_space<hbm>>) target(%arg6 : memref<80xi32, #tpu.memory_space<vmem>>) target_semaphore(%run_scoped3A : memref<!tpu.dma_semaphore, #tpu.memory_space<semaphore_mem>>)
        %dma_wait3A_101 = tpu.memref_slice %arg3[%add3A_88] : memref<320000xi32, #tpu.memory_space<hbm>> -> memref<80xi32, #tpu.memory_space<hbm>>
        %dma_wait3A_102 = tpu.memref_slice %arg3[%add3A_88] : memref<320000xi32, #tpu.memory_space<hbm>> -> memref<80xi32, #tpu.memory_space<hbm>>
        tpu.wait_dma2 semaphore(%run_scoped3A : memref<!tpu.dma_semaphore, #tpu.memory_space<semaphore_mem>>) src(%dma_wait3A_102 : memref<80xi32, #tpu.memory_space<hbm>>) dst(%arg6 : memref<80xi32, #tpu.memory_space<vmem>>)
        tpu.yield
      }) : () -> ()
      %dma_start3A_89 = arith.constant 0 : i32
      %dma_start3A_90 = arith.constant 0 : i32
      %dma_start3A_91 = tpu.memref_slice %arg9[%dma_start3A_89, %dma_start3A_90] : memref<10240x128xf32, #tpu.memory_space<vmem_shared>> -> memref<10240x128xf32, #tpu.memory_space<vmem_shared>>
      tpu.enqueue_indirect_dma source(%dma_start3A_91 : memref<10240x128xf32, #tpu.memory_space<vmem_shared>>) target(%arg8 : memref<80x128xf32, #tpu.memory_space<vmem>>) offsets(%arg6 : memref<80xi32, #tpu.memory_space<vmem>>) semaphore(%arg10 : memref<!tpu.dma_semaphore, #tpu.memory_space<semaphore_mem>>)
      %dma_wait3A_92 = arith.constant 0 : i32
      %dma_wait3A_93 = arith.constant 0 : i32
      %dma_wait3A_94 = tpu.memref_slice %arg9[%dma_wait3A_92, %dma_wait3A_93] : memref<10240x128xf32, #tpu.memory_space<vmem_shared>> -> memref<10240x128xf32, #tpu.memory_space<vmem_shared>>
      tpu.wait_indirect_dma semaphore(%arg10 : memref<!tpu.dma_semaphore, #tpu.memory_space<semaphore_mem>>) src(%dma_wait3A_94 : memref<10240x128xf32, #tpu.memory_space<vmem_shared>>) dst(%arg8 : memref<80x128xf32, #tpu.memory_space<vmem>>)
      %dma_start3A_95 = arith.constant 0 : i32
      %dma_start3A_96 = tpu.memref_slice %arg4[%add3A_88, %dma_start3A_95] : memref<320000x128xf32, #tpu.memory_space<hbm>> -> memref<80x128xf32, #tpu.memory_space<hbm>>
      %dma_start3A_97 = arith.constant 0 : i32
      %dma_start3A_98 = tpu.memref_slice %arg4[%add3A_88, %dma_start3A_97] : memref<320000x128xf32, #tpu.memory_space<hbm>> -> memref<80x128xf32, #tpu.memory_space<hbm>>
      tpu.enqueue_dma source(%arg8 : memref<80x128xf32, #tpu.memory_space<vmem>>) target(%dma_start3A_98 : memref<80x128xf32, #tpu.memory_space<hbm>>) target_semaphore(%arg12 : memref<!tpu.dma_semaphore, #tpu.memory_space<semaphore_mem>>)
    }
    %scan3A_33 = arith.constant 61 : i32
    %dma_wait3A_34 = arith.constant 0 : i32
    %dma_wait3A_35 = tpu.memref_slice %arg4[%mul3A_6, %dma_wait3A_34] : memref<320000x128xf32, #tpu.memory_space<hbm>> -> memref<80x128xf32, #tpu.memory_space<hbm>>
    %dma_wait3A_36 = arith.constant 0 : i32
    %dma_wait3A_37 = tpu.memref_slice %arg4[%mul3A_6, %dma_wait3A_36] : memref<320000x128xf32, #tpu.memory_space<hbm>> -> memref<80x128xf32, #tpu.memory_space<hbm>>
    tpu.wait_dma2 semaphore(%arg11 : memref<!tpu.dma_semaphore, #tpu.memory_space<semaphore_mem>>) src(%arg7 : memref<80x128xf32, #tpu.memory_space<vmem>>) dst(%dma_wait3A_37 : memref<80x128xf32, #tpu.memory_space<hbm>>)
    %add3A_38 = arith.constant 9920 : i32
    %add3A_39 = arith.addi %mul3A_6, %add3A_38 : i32
    "tpu.region"() ({
      %run_scoped3A = tpu.sem_alloc : memref<!tpu.dma_semaphore, #tpu.memory_space<semaphore_mem>>
      %dma_start3A_58 = tpu.memref_slice %arg3[%add3A_39] : memref<320000xi32, #tpu.memory_space<hbm>> -> memref<80xi32, #tpu.memory_space<hbm>>
      %dma_start3A_59 = tpu.memref_slice %arg3[%add3A_39] : memref<320000xi32, #tpu.memory_space<hbm>> -> memref<80xi32, #tpu.memory_space<hbm>>
      tpu.enqueue_dma source(%dma_start3A_59 : memref<80xi32, #tpu.memory_space<hbm>>) target(%arg5 : memref<80xi32, #tpu.memory_space<vmem>>) target_semaphore(%run_scoped3A : memref<!tpu.dma_semaphore, #tpu.memory_space<semaphore_mem>>)
      %dma_wait3A_60 = tpu.memref_slice %arg3[%add3A_39] : memref<320000xi32, #tpu.memory_space<hbm>> -> memref<80xi32, #tpu.memory_space<hbm>>
      %dma_wait3A_61 = tpu.memref_slice %arg3[%add3A_39] : memref<320000xi32, #tpu.memory_space<hbm>> -> memref<80xi32, #tpu.memory_space<hbm>>
      tpu.wait_dma2 semaphore(%run_scoped3A : memref<!tpu.dma_semaphore, #tpu.memory_space<semaphore_mem>>) src(%dma_wait3A_61 : memref<80xi32, #tpu.memory_space<hbm>>) dst(%arg5 : memref<80xi32, #tpu.memory_space<vmem>>)
      tpu.yield
    }) : () -> ()
    %dma_start3A_40 = arith.constant 0 : i32
    %dma_start3A_41 = arith.constant 0 : i32
    %dma_start3A_42 = tpu.memref_slice %arg9[%dma_start3A_40, %dma_start3A_41] : memref<10240x128xf32, #tpu.memory_space<vmem_shared>> -> memref<10240x128xf32, #tpu.memory_space<vmem_shared>>
    tpu.enqueue_indirect_dma source(%dma_start3A_42 : memref<10240x128xf32, #tpu.memory_space<vmem_shared>>) target(%arg7 : memref<80x128xf32, #tpu.memory_space<vmem>>) offsets(%arg5 : memref<80xi32, #tpu.memory_space<vmem>>) semaphore(%arg10 : memref<!tpu.dma_semaphore, #tpu.memory_space<semaphore_mem>>)
    %dma_wait3A_43 = arith.constant 0 : i32
    %dma_wait3A_44 = arith.constant 0 : i32
    %dma_wait3A_45 = tpu.memref_slice %arg9[%dma_wait3A_43, %dma_wait3A_44] : memref<10240x128xf32, #tpu.memory_space<vmem_shared>> -> memref<10240x128xf32, #tpu.memory_space<vmem_shared>>
    tpu.wait_indirect_dma semaphore(%arg10 : memref<!tpu.dma_semaphore, #tpu.memory_space<semaphore_mem>>) src(%dma_wait3A_45 : memref<10240x128xf32, #tpu.memory_space<vmem_shared>>) dst(%arg7 : memref<80x128xf32, #tpu.memory_space<vmem>>)
    %dma_start3A_46 = arith.constant 0 : i32
    %dma_start3A_47 = tpu.memref_slice %arg4[%add3A_39, %dma_start3A_46] : memref<320000x128xf32, #tpu.memory_space<hbm>> -> memref<80x128xf32, #tpu.memory_space<hbm>>
    %dma_start3A_48 = arith.constant 0 : i32
    %dma_start3A_49 = tpu.memref_slice %arg4[%add3A_39, %dma_start3A_48] : memref<320000x128xf32, #tpu.memory_space<hbm>> -> memref<80x128xf32, #tpu.memory_space<hbm>>
    tpu.enqueue_dma source(%arg7 : memref<80x128xf32, #tpu.memory_space<vmem>>) target(%dma_start3A_49 : memref<80x128xf32, #tpu.memory_space<hbm>>) target_semaphore(%arg11 : memref<!tpu.dma_semaphore, #tpu.memory_space<semaphore_mem>>)
    %dma_wait3A_50 = arith.constant 0 : i32
    %dma_wait3A_51 = tpu.memref_slice %arg4[%mul3A_6, %dma_wait3A_50] : memref<320000x128xf32, #tpu.memory_space<hbm>> -> memref<80x128xf32, #tpu.memory_space<hbm>>
    %dma_wait3A_52 = arith.constant 0 : i32
    %dma_wait3A_53 = tpu.memref_slice %arg4[%mul3A_6, %dma_wait3A_52] : memref<320000x128xf32, #tpu.memory_space<hbm>> -> memref<80x128xf32, #tpu.memory_space<hbm>>
    tpu.wait_dma2 semaphore(%arg12 : memref<!tpu.dma_semaphore, #tpu.memory_space<semaphore_mem>>) src(%arg8 : memref<80x128xf32, #tpu.memory_space<vmem>>) dst(%dma_wait3A_53 : memref<80x128xf32, #tpu.memory_space<hbm>>)
    %dma_wait3A_54 = arith.constant 0 : i32
    %dma_wait3A_55 = tpu.memref_slice %arg4[%mul3A_6, %dma_wait3A_54] : memref<320000x128xf32, #tpu.memory_space<hbm>> -> memref<80x128xf32, #tpu.memory_space<hbm>>
    %dma_wait3A_56 = arith.constant 0 : i32
    %dma_wait3A_57 = tpu.memref_slice %arg4[%mul3A_6, %dma_wait3A_56] : memref<320000x128xf32, #tpu.memory_space<hbm>> -> memref<80x128xf32, #tpu.memory_space<hbm>>
    tpu.wait_dma2 semaphore(%arg11 : memref<!tpu.dma_semaphore, #tpu.memory_space<semaphore_mem>>) src(%arg7 : memref<80x128xf32, #tpu.memory_space<vmem>>) dst(%dma_wait3A_57 : memref<80x128xf32, #tpu.memory_space<hbm>>)
    return
  }
}

#map = affine_map<(d0, d1) -> (0, 0, 0)>
module attributes {stable_mosaic.version = 14 : i64} {
  func.func @k(%arg0: i32, %arg1: i32, %arg2: memref<32x125x80xi32, #tpu.memory_space<hbm>>, %arg3: memref<2x10240x128xf32, #tpu.memory_space<hbm>>, %arg4: memref<125x80xi32, #tpu.memory_space<vmem>>, %arg5: memref<80x128xf32, #tpu.memory_space<vmem>>, %arg6: memref<10240x128xf32, #tpu.memory_space<vmem_shared>>, %arg7: memref<!tpu.dma_semaphore, #tpu.memory_space<semaphore_mem>>, %arg8: memref<!tpu.dma_semaphore, #tpu.memory_space<semaphore_mem>>) attributes {dimension_semantics = [#tpu.dimension_semantics<core_parallel>, #tpu.dimension_semantics<subcore_parallel>], iteration_bounds = array<i64: 2, 16>, scalar_prefetch = 0 : i64, scratch_operands = 5 : i64, tpu.core_type = #tpu.core_type<sc_vector_subcore>, window_params = [{transform_indices = #map}, {transform_indices = #map}]} {
    %mul3A = arith.constant 2 : i32
    %mul3A_0 = arith.muli %arg1, %mul3A : i32
    %add3A = arith.addi %mul3A_0, %arg0 : i32
    %broadcast_in_dim3A = arith.constant 0.000000e+00 : f32
    %broadcast_in_dim3A_1 = vector.broadcast %broadcast_in_dim3A : f32 to vector<16xf32>
    %broadcast_in_dim3A_2 = arith.constant 1.000000e+00 : f32
    %broadcast_in_dim3A_3 = vector.broadcast %broadcast_in_dim3A_2 : f32 to vector<16xf32>
    "tpu.region"() ({
      %run_scoped3A = tpu.sem_alloc : memref<!tpu.dma_semaphore, #tpu.memory_space<semaphore_mem>>
      %dma_start3A_80 = arith.constant 0 : i32
      %dma_start3A_81 = arith.constant 0 : i32
      %dma_start3A_82 = tpu.memref_slice %arg2[%add3A, %dma_start3A_80, %dma_start3A_81] : memref<32x125x80xi32, #tpu.memory_space<hbm>> -> memref<1x125x80xi32, #tpu.memory_space<hbm>>
      %dma_start3A_83 = tpu.memref_squeeze %dma_start3A_82 : memref<1x125x80xi32, #tpu.memory_space<hbm>> -> memref<125x80xi32, #tpu.memory_space<hbm>>
      %dma_start3A_84 = arith.constant 0 : i32
      %dma_start3A_85 = arith.constant 0 : i32
      %dma_start3A_86 = tpu.memref_slice %arg2[%add3A, %dma_start3A_84, %dma_start3A_85] : memref<32x125x80xi32, #tpu.memory_space<hbm>> -> memref<1x125x80xi32, #tpu.memory_space<hbm>>
      %dma_start3A_87 = tpu.memref_squeeze %dma_start3A_86 : memref<1x125x80xi32, #tpu.memory_space<hbm>> -> memref<125x80xi32, #tpu.memory_space<hbm>>
      tpu.enqueue_dma source(%dma_start3A_87 : memref<125x80xi32, #tpu.memory_space<hbm>>) target(%arg4 : memref<125x80xi32, #tpu.memory_space<vmem>>) target_semaphore(%run_scoped3A : memref<!tpu.dma_semaphore, #tpu.memory_space<semaphore_mem>>)
      %dma_wait3A_88 = arith.constant 0 : i32
      %dma_wait3A_89 = arith.constant 0 : i32
      %dma_wait3A_90 = tpu.memref_slice %arg2[%add3A, %dma_wait3A_88, %dma_wait3A_89] : memref<32x125x80xi32, #tpu.memory_space<hbm>> -> memref<1x125x80xi32, #tpu.memory_space<hbm>>
      %dma_wait3A_91 = tpu.memref_squeeze %dma_wait3A_90 : memref<1x125x80xi32, #tpu.memory_space<hbm>> -> memref<125x80xi32, #tpu.memory_space<hbm>>
      %dma_wait3A_92 = arith.constant 0 : i32
      %dma_wait3A_93 = arith.constant 0 : i32
      %dma_wait3A_94 = tpu.memref_slice %arg2[%add3A, %dma_wait3A_92, %dma_wait3A_93] : memref<32x125x80xi32, #tpu.memory_space<hbm>> -> memref<1x125x80xi32, #tpu.memory_space<hbm>>
      %dma_wait3A_95 = tpu.memref_squeeze %dma_wait3A_94 : memref<1x125x80xi32, #tpu.memory_space<hbm>> -> memref<125x80xi32, #tpu.memory_space<hbm>>
      tpu.wait_dma2 semaphore(%run_scoped3A : memref<!tpu.dma_semaphore, #tpu.memory_space<semaphore_mem>>) src(%dma_wait3A_95 : memref<125x80xi32, #tpu.memory_space<hbm>>) dst(%arg4 : memref<125x80xi32, #tpu.memory_space<vmem>>)
      tpu.yield
    }) : () -> ()
    %scan3A = arith.constant 0 : i32
    %scan3A_4 = arith.constant 0 : i32
    %scan3A_5 = arith.constant 80 : i32
    %scan3A_6 = arith.addi %scan3A_4, %scan3A_5 : i32
    %scan3A_7 = arith.constant 1 : i32
    scf.for %scan3A_80 = %scan3A_4 to %scan3A_6 step %scan3A_7  : i32 {
      %swap3A = arith.index_cast %scan3A_80 : i32 to index
      %swap3A_81 = arith.constant 0 : index
      %swap3A_82 = tpu.vector_load %arg5[%swap3A, %swap3A_81] {strides = array<i32>} : memref<80x128xf32, #tpu.memory_space<vmem>>, vector<1x16xf32>,
      %swap3A_83 = vector.shape_cast %swap3A_82 : vector<1x16xf32> to vector<16xf32>
      %swap3A_84 = vector.shape_cast %broadcast_in_dim3A_1 : vector<16xf32> to vector<1x16xf32>
      tpu.vector_store %arg5[%swap3A, %swap3A_81], %swap3A_84 {strides = array<i32>} : memref<80x128xf32, #tpu.memory_space<vmem>>, vector<1x16xf32>,
      %swap3A_85 = arith.index_cast %scan3A_80 : i32 to index
      %swap3A_86 = arith.constant 16 : index
      %swap3A_87 = tpu.vector_load %arg5[%swap3A_85, %swap3A_86] {strides = array<i32>} : memref<80x128xf32, #tpu.memory_space<vmem>>, vector<1x16xf32>,
      %swap3A_88 = vector.shape_cast %swap3A_87 : vector<1x16xf32> to vector<16xf32>
      %swap3A_89 = vector.shape_cast %broadcast_in_dim3A_1 : vector<16xf32> to vector<1x16xf32>
      tpu.vector_store %arg5[%swap3A_85, %swap3A_86], %swap3A_89 {strides = array<i32>} : memref<80x128xf32, #tpu.memory_space<vmem>>, vector<1x16xf32>,
      %swap3A_90 = arith.index_cast %scan3A_80 : i32 to index
      %swap3A_91 = arith.constant 32 : index
      %swap3A_92 = tpu.vector_load %arg5[%swap3A_90, %swap3A_91] {strides = array<i32>} : memref<80x128xf32, #tpu.memory_space<vmem>>, vector<1x16xf32>,
      %swap3A_93 = vector.shape_cast %swap3A_92 : vector<1x16xf32> to vector<16xf32>
      %swap3A_94 = vector.shape_cast %broadcast_in_dim3A_1 : vector<16xf32> to vector<1x16xf32>
      tpu.vector_store %arg5[%swap3A_90, %swap3A_91], %swap3A_94 {strides = array<i32>} : memref<80x128xf32, #tpu.memory_space<vmem>>, vector<1x16xf32>,
      %swap3A_95 = arith.index_cast %scan3A_80 : i32 to index
      %swap3A_96 = arith.constant 48 : index
      %swap3A_97 = tpu.vector_load %arg5[%swap3A_95, %swap3A_96] {strides = array<i32>} : memref<80x128xf32, #tpu.memory_space<vmem>>, vector<1x16xf32>,
      %swap3A_98 = vector.shape_cast %swap3A_97 : vector<1x16xf32> to vector<16xf32>
      %swap3A_99 = vector.shape_cast %broadcast_in_dim3A_1 : vector<16xf32> to vector<1x16xf32>
      tpu.vector_store %arg5[%swap3A_95, %swap3A_96], %swap3A_99 {strides = array<i32>} : memref<80x128xf32, #tpu.memory_space<vmem>>, vector<1x16xf32>,
      %swap3A_100 = arith.index_cast %scan3A_80 : i32 to index
      %swap3A_101 = arith.constant 64 : index
      %swap3A_102 = tpu.vector_load %arg5[%swap3A_100, %swap3A_101] {strides = array<i32>} : memref<80x128xf32, #tpu.memory_space<vmem>>, vector<1x16xf32>,
      %swap3A_103 = vector.shape_cast %swap3A_102 : vector<1x16xf32> to vector<16xf32>
      %swap3A_104 = vector.shape_cast %broadcast_in_dim3A_1 : vector<16xf32> to vector<1x16xf32>
      tpu.vector_store %arg5[%swap3A_100, %swap3A_101], %swap3A_104 {strides = array<i32>} : memref<80x128xf32, #tpu.memory_space<vmem>>, vector<1x16xf32>,
      %swap3A_105 = arith.index_cast %scan3A_80 : i32 to index
      %swap3A_106 = arith.constant 80 : index
      %swap3A_107 = tpu.vector_load %arg5[%swap3A_105, %swap3A_106] {strides = array<i32>} : memref<80x128xf32, #tpu.memory_space<vmem>>, vector<1x16xf32>,
      %swap3A_108 = vector.shape_cast %swap3A_107 : vector<1x16xf32> to vector<16xf32>
      %swap3A_109 = vector.shape_cast %broadcast_in_dim3A_1 : vector<16xf32> to vector<1x16xf32>
      tpu.vector_store %arg5[%swap3A_105, %swap3A_106], %swap3A_109 {strides = array<i32>} : memref<80x128xf32, #tpu.memory_space<vmem>>, vector<1x16xf32>,
      %swap3A_110 = arith.index_cast %scan3A_80 : i32 to index
      %swap3A_111 = arith.constant 96 : index
      %swap3A_112 = tpu.vector_load %arg5[%swap3A_110, %swap3A_111] {strides = array<i32>} : memref<80x128xf32, #tpu.memory_space<vmem>>, vector<1x16xf32>,
      %swap3A_113 = vector.shape_cast %swap3A_112 : vector<1x16xf32> to vector<16xf32>
      %swap3A_114 = vector.shape_cast %broadcast_in_dim3A_1 : vector<16xf32> to vector<1x16xf32>
      tpu.vector_store %arg5[%swap3A_110, %swap3A_111], %swap3A_114 {strides = array<i32>} : memref<80x128xf32, #tpu.memory_space<vmem>>, vector<1x16xf32>,
      %swap3A_115 = arith.index_cast %scan3A_80 : i32 to index
      %swap3A_116 = arith.constant 112 : index
      %swap3A_117 = tpu.vector_load %arg5[%swap3A_115, %swap3A_116] {strides = array<i32>} : memref<80x128xf32, #tpu.memory_space<vmem>>, vector<1x16xf32>,
      %swap3A_118 = vector.shape_cast %swap3A_117 : vector<1x16xf32> to vector<16xf32>
      %swap3A_119 = vector.shape_cast %broadcast_in_dim3A_1 : vector<16xf32> to vector<1x16xf32>
      tpu.vector_store %arg5[%swap3A_115, %swap3A_116], %swap3A_119 {strides = array<i32>} : memref<80x128xf32, #tpu.memory_space<vmem>>, vector<1x16xf32>,
    }
    %scan3A_8 = arith.constant 80 : i32
    %mul3A_9 = arith.constant 640 : i32
    %mul3A_10 = arith.muli %arg1, %mul3A_9 : i32
    %add3A_11 = arith.constant 0 : i32
    %add3A_12 = arith.addi %mul3A_10, %add3A_11 : i32
    "tpu.region"() ({
      %run_scoped3A = tpu.sem_alloc : memref<!tpu.dma_semaphore, #tpu.memory_space<semaphore_mem>>
      %dma_start3A_80 = arith.constant 0 : i32
      %dma_start3A_81 = tpu.memref_slice %arg6[%add3A_12, %dma_start3A_80] : memref<10240x128xf32, #tpu.memory_space<vmem_shared>> -> memref<80x128xf32, #tpu.memory_space<vmem_shared>>
      %dma_start3A_82 = arith.constant 0 : i32
      %dma_start3A_83 = tpu.memref_slice %arg6[%add3A_12, %dma_start3A_82] : memref<10240x128xf32, #tpu.memory_space<vmem_shared>> -> memref<80x128xf32, #tpu.memory_space<vmem_shared>>
      tpu.enqueue_dma source(%arg5 : memref<80x128xf32, #tpu.memory_space<vmem>>) target(%dma_start3A_83 : memref<80x128xf32, #tpu.memory_space<vmem_shared>>) target_semaphore(%run_scoped3A : memref<!tpu.dma_semaphore, #tpu.memory_space<semaphore_mem>>)
      %dma_wait3A_84 = arith.constant 0 : i32
      %dma_wait3A_85 = tpu.memref_slice %arg6[%add3A_12, %dma_wait3A_84] : memref<10240x128xf32, #tpu.memory_space<vmem_shared>> -> memref<80x128xf32, #tpu.memory_space<vmem_shared>>
      %dma_wait3A_86 = arith.constant 0 : i32
      %dma_wait3A_87 = tpu.memref_slice %arg6[%add3A_12, %dma_wait3A_86] : memref<10240x128xf32, #tpu.memory_space<vmem_shared>> -> memref<80x128xf32, #tpu.memory_space<vmem_shared>>
      tpu.wait_dma2 semaphore(%run_scoped3A : memref<!tpu.dma_semaphore, #tpu.memory_space<semaphore_mem>>) src(%arg5 : memref<80x128xf32, #tpu.memory_space<vmem>>) dst(%dma_wait3A_87 : memref<80x128xf32, #tpu.memory_space<vmem_shared>>)
      tpu.yield
    }) : () -> ()
    %add3A_13 = arith.constant 80 : i32
    %add3A_14 = arith.addi %mul3A_10, %add3A_13 : i32
    "tpu.region"() ({
      %run_scoped3A = tpu.sem_alloc : memref<!tpu.dma_semaphore, #tpu.memory_space<semaphore_mem>>
      %dma_start3A_80 = arith.constant 0 : i32
      %dma_start3A_81 = tpu.memref_slice %arg6[%add3A_14, %dma_start3A_80] : memref<10240x128xf32, #tpu.memory_space<vmem_shared>> -> memref<80x128xf32, #tpu.memory_space<vmem_shared>>
      %dma_start3A_82 = arith.constant 0 : i32
      %dma_start3A_83 = tpu.memref_slice %arg6[%add3A_14, %dma_start3A_82] : memref<10240x128xf32, #tpu.memory_space<vmem_shared>> -> memref<80x128xf32, #tpu.memory_space<vmem_shared>>
      tpu.enqueue_dma source(%arg5 : memref<80x128xf32, #tpu.memory_space<vmem>>) target(%dma_start3A_83 : memref<80x128xf32, #tpu.memory_space<vmem_shared>>) target_semaphore(%run_scoped3A : memref<!tpu.dma_semaphore, #tpu.memory_space<semaphore_mem>>)
      %dma_wait3A_84 = arith.constant 0 : i32
      %dma_wait3A_85 = tpu.memref_slice %arg6[%add3A_14, %dma_wait3A_84] : memref<10240x128xf32, #tpu.memory_space<vmem_shared>> -> memref<80x128xf32, #tpu.memory_space<vmem_shared>>
      %dma_wait3A_86 = arith.constant 0 : i32
      %dma_wait3A_87 = tpu.memref_slice %arg6[%add3A_14, %dma_wait3A_86] : memref<10240x128xf32, #tpu.memory_space<vmem_shared>> -> memref<80x128xf32, #tpu.memory_space<vmem_shared>>
      tpu.wait_dma2 semaphore(%run_scoped3A : memref<!tpu.dma_semaphore, #tpu.memory_space<semaphore_mem>>) src(%arg5 : memref<80x128xf32, #tpu.memory_space<vmem>>) dst(%dma_wait3A_87 : memref<80x128xf32, #tpu.memory_space<vmem_shared>>)
      tpu.yield
    }) : () -> ()
    %add3A_15 = arith.constant 160 : i32
    %add3A_16 = arith.addi %mul3A_10, %add3A_15 : i32
    "tpu.region"() ({
      %run_scoped3A = tpu.sem_alloc : memref<!tpu.dma_semaphore, #tpu.memory_space<semaphore_mem>>
      %dma_start3A_80 = arith.constant 0 : i32
      %dma_start3A_81 = tpu.memref_slice %arg6[%add3A_16, %dma_start3A_80] : memref<10240x128xf32, #tpu.memory_space<vmem_shared>> -> memref<80x128xf32, #tpu.memory_space<vmem_shared>>
      %dma_start3A_82 = arith.constant 0 : i32
      %dma_start3A_83 = tpu.memref_slice %arg6[%add3A_16, %dma_start3A_82] : memref<10240x128xf32, #tpu.memory_space<vmem_shared>> -> memref<80x128xf32, #tpu.memory_space<vmem_shared>>
      tpu.enqueue_dma source(%arg5 : memref<80x128xf32, #tpu.memory_space<vmem>>) target(%dma_start3A_83 : memref<80x128xf32, #tpu.memory_space<vmem_shared>>) target_semaphore(%run_scoped3A : memref<!tpu.dma_semaphore, #tpu.memory_space<semaphore_mem>>)
      %dma_wait3A_84 = arith.constant 0 : i32
      %dma_wait3A_85 = tpu.memref_slice %arg6[%add3A_16, %dma_wait3A_84] : memref<10240x128xf32, #tpu.memory_space<vmem_shared>> -> memref<80x128xf32, #tpu.memory_space<vmem_shared>>
      %dma_wait3A_86 = arith.constant 0 : i32
      %dma_wait3A_87 = tpu.memref_slice %arg6[%add3A_16, %dma_wait3A_86] : memref<10240x128xf32, #tpu.memory_space<vmem_shared>> -> memref<80x128xf32, #tpu.memory_space<vmem_shared>>
      tpu.wait_dma2 semaphore(%run_scoped3A : memref<!tpu.dma_semaphore, #tpu.memory_space<semaphore_mem>>) src(%arg5 : memref<80x128xf32, #tpu.memory_space<vmem>>) dst(%dma_wait3A_87 : memref<80x128xf32, #tpu.memory_space<vmem_shared>>)
      tpu.yield
    }) : () -> ()
    %add3A_17 = arith.constant 240 : i32
    %add3A_18 = arith.addi %mul3A_10, %add3A_17 : i32
    "tpu.region"() ({
      %run_scoped3A = tpu.sem_alloc : memref<!tpu.dma_semaphore, #tpu.memory_space<semaphore_mem>>
      %dma_start3A_80 = arith.constant 0 : i32
      %dma_start3A_81 = tpu.memref_slice %arg6[%add3A_18, %dma_start3A_80] : memref<10240x128xf32, #tpu.memory_space<vmem_shared>> -> memref<80x128xf32, #tpu.memory_space<vmem_shared>>
      %dma_start3A_82 = arith.constant 0 : i32
      %dma_start3A_83 = tpu.memref_slice %arg6[%add3A_18, %dma_start3A_82] : memref<10240x128xf32, #tpu.memory_space<vmem_shared>> -> memref<80x128xf32, #tpu.memory_space<vmem_shared>>
      tpu.enqueue_dma source(%arg5 : memref<80x128xf32, #tpu.memory_space<vmem>>) target(%dma_start3A_83 : memref<80x128xf32, #tpu.memory_space<vmem_shared>>) target_semaphore(%run_scoped3A : memref<!tpu.dma_semaphore, #tpu.memory_space<semaphore_mem>>)
      %dma_wait3A_84 = arith.constant 0 : i32
      %dma_wait3A_85 = tpu.memref_slice %arg6[%add3A_18, %dma_wait3A_84] : memref<10240x128xf32, #tpu.memory_space<vmem_shared>> -> memref<80x128xf32, #tpu.memory_space<vmem_shared>>
      %dma_wait3A_86 = arith.constant 0 : i32
      %dma_wait3A_87 = tpu.memref_slice %arg6[%add3A_18, %dma_wait3A_86] : memref<10240x128xf32, #tpu.memory_space<vmem_shared>> -> memref<80x128xf32, #tpu.memory_space<vmem_shared>>
      tpu.wait_dma2 semaphore(%run_scoped3A : memref<!tpu.dma_semaphore, #tpu.memory_space<semaphore_mem>>) src(%arg5 : memref<80x128xf32, #tpu.memory_space<vmem>>) dst(%dma_wait3A_87 : memref<80x128xf32, #tpu.memory_space<vmem_shared>>)
      tpu.yield
    }) : () -> ()
    %add3A_19 = arith.constant 320 : i32
    %add3A_20 = arith.addi %mul3A_10, %add3A_19 : i32
    "tpu.region"() ({
      %run_scoped3A = tpu.sem_alloc : memref<!tpu.dma_semaphore, #tpu.memory_space<semaphore_mem>>
      %dma_start3A_80 = arith.constant 0 : i32
      %dma_start3A_81 = tpu.memref_slice %arg6[%add3A_20, %dma_start3A_80] : memref<10240x128xf32, #tpu.memory_space<vmem_shared>> -> memref<80x128xf32, #tpu.memory_space<vmem_shared>>
      %dma_start3A_82 = arith.constant 0 : i32
      %dma_start3A_83 = tpu.memref_slice %arg6[%add3A_20, %dma_start3A_82] : memref<10240x128xf32, #tpu.memory_space<vmem_shared>> -> memref<80x128xf32, #tpu.memory_space<vmem_shared>>
      tpu.enqueue_dma source(%arg5 : memref<80x128xf32, #tpu.memory_space<vmem>>) target(%dma_start3A_83 : memref<80x128xf32, #tpu.memory_space<vmem_shared>>) target_semaphore(%run_scoped3A : memref<!tpu.dma_semaphore, #tpu.memory_space<semaphore_mem>>)
      %dma_wait3A_84 = arith.constant 0 : i32
      %dma_wait3A_85 = tpu.memref_slice %arg6[%add3A_20, %dma_wait3A_84] : memref<10240x128xf32, #tpu.memory_space<vmem_shared>> -> memref<80x128xf32, #tpu.memory_space<vmem_shared>>
      %dma_wait3A_86 = arith.constant 0 : i32
      %dma_wait3A_87 = tpu.memref_slice %arg6[%add3A_20, %dma_wait3A_86] : memref<10240x128xf32, #tpu.memory_space<vmem_shared>> -> memref<80x128xf32, #tpu.memory_space<vmem_shared>>
      tpu.wait_dma2 semaphore(%run_scoped3A : memref<!tpu.dma_semaphore, #tpu.memory_space<semaphore_mem>>) src(%arg5 : memref<80x128xf32, #tpu.memory_space<vmem>>) dst(%dma_wait3A_87 : memref<80x128xf32, #tpu.memory_space<vmem_shared>>)
      tpu.yield
    }) : () -> ()
    %add3A_21 = arith.constant 400 : i32
    %add3A_22 = arith.addi %mul3A_10, %add3A_21 : i32
    "tpu.region"() ({
      %run_scoped3A = tpu.sem_alloc : memref<!tpu.dma_semaphore, #tpu.memory_space<semaphore_mem>>
      %dma_start3A_80 = arith.constant 0 : i32
      %dma_start3A_81 = tpu.memref_slice %arg6[%add3A_22, %dma_start3A_80] : memref<10240x128xf32, #tpu.memory_space<vmem_shared>> -> memref<80x128xf32, #tpu.memory_space<vmem_shared>>
      %dma_start3A_82 = arith.constant 0 : i32
      %dma_start3A_83 = tpu.memref_slice %arg6[%add3A_22, %dma_start3A_82] : memref<10240x128xf32, #tpu.memory_space<vmem_shared>> -> memref<80x128xf32, #tpu.memory_space<vmem_shared>>
      tpu.enqueue_dma source(%arg5 : memref<80x128xf32, #tpu.memory_space<vmem>>) target(%dma_start3A_83 : memref<80x128xf32, #tpu.memory_space<vmem_shared>>) target_semaphore(%run_scoped3A : memref<!tpu.dma_semaphore, #tpu.memory_space<semaphore_mem>>)
      %dma_wait3A_84 = arith.constant 0 : i32
      %dma_wait3A_85 = tpu.memref_slice %arg6[%add3A_22, %dma_wait3A_84] : memref<10240x128xf32, #tpu.memory_space<vmem_shared>> -> memref<80x128xf32, #tpu.memory_space<vmem_shared>>
      %dma_wait3A_86 = arith.constant 0 : i32
      %dma_wait3A_87 = tpu.memref_slice %arg6[%add3A_22, %dma_wait3A_86] : memref<10240x128xf32, #tpu.memory_space<vmem_shared>> -> memref<80x128xf32, #tpu.memory_space<vmem_shared>>
      tpu.wait_dma2 semaphore(%run_scoped3A : memref<!tpu.dma_semaphore, #tpu.memory_space<semaphore_mem>>) src(%arg5 : memref<80x128xf32, #tpu.memory_space<vmem>>) dst(%dma_wait3A_87 : memref<80x128xf32, #tpu.memory_space<vmem_shared>>)
      tpu.yield
    }) : () -> ()
    %add3A_23 = arith.constant 480 : i32
    %add3A_24 = arith.addi %mul3A_10, %add3A_23 : i32
    "tpu.region"() ({
      %run_scoped3A = tpu.sem_alloc : memref<!tpu.dma_semaphore, #tpu.memory_space<semaphore_mem>>
      %dma_start3A_80 = arith.constant 0 : i32
      %dma_start3A_81 = tpu.memref_slice %arg6[%add3A_24, %dma_start3A_80] : memref<10240x128xf32, #tpu.memory_space<vmem_shared>> -> memref<80x128xf32, #tpu.memory_space<vmem_shared>>
      %dma_start3A_82 = arith.constant 0 : i32
      %dma_start3A_83 = tpu.memref_slice %arg6[%add3A_24, %dma_start3A_82] : memref<10240x128xf32, #tpu.memory_space<vmem_shared>> -> memref<80x128xf32, #tpu.memory_space<vmem_shared>>
      tpu.enqueue_dma source(%arg5 : memref<80x128xf32, #tpu.memory_space<vmem>>) target(%dma_start3A_83 : memref<80x128xf32, #tpu.memory_space<vmem_shared>>) target_semaphore(%run_scoped3A : memref<!tpu.dma_semaphore, #tpu.memory_space<semaphore_mem>>)
      %dma_wait3A_84 = arith.constant 0 : i32
      %dma_wait3A_85 = tpu.memref_slice %arg6[%add3A_24, %dma_wait3A_84] : memref<10240x128xf32, #tpu.memory_space<vmem_shared>> -> memref<80x128xf32, #tpu.memory_space<vmem_shared>>
      %dma_wait3A_86 = arith.constant 0 : i32
      %dma_wait3A_87 = tpu.memref_slice %arg6[%add3A_24, %dma_wait3A_86] : memref<10240x128xf32, #tpu.memory_space<vmem_shared>> -> memref<80x128xf32, #tpu.memory_space<vmem_shared>>
      tpu.wait_dma2 semaphore(%run_scoped3A : memref<!tpu.dma_semaphore, #tpu.memory_space<semaphore_mem>>) src(%arg5 : memref<80x128xf32, #tpu.memory_space<vmem>>) dst(%dma_wait3A_87 : memref<80x128xf32, #tpu.memory_space<vmem_shared>>)
      tpu.yield
    }) : () -> ()
    %add3A_25 = arith.constant 560 : i32
    %add3A_26 = arith.addi %mul3A_10, %add3A_25 : i32
    "tpu.region"() ({
      %run_scoped3A = tpu.sem_alloc : memref<!tpu.dma_semaphore, #tpu.memory_space<semaphore_mem>>
      %dma_start3A_80 = arith.constant 0 : i32
      %dma_start3A_81 = tpu.memref_slice %arg6[%add3A_26, %dma_start3A_80] : memref<10240x128xf32, #tpu.memory_space<vmem_shared>> -> memref<80x128xf32, #tpu.memory_space<vmem_shared>>
      %dma_start3A_82 = arith.constant 0 : i32
      %dma_start3A_83 = tpu.memref_slice %arg6[%add3A_26, %dma_start3A_82] : memref<10240x128xf32, #tpu.memory_space<vmem_shared>> -> memref<80x128xf32, #tpu.memory_space<vmem_shared>>
      tpu.enqueue_dma source(%arg5 : memref<80x128xf32, #tpu.memory_space<vmem>>) target(%dma_start3A_83 : memref<80x128xf32, #tpu.memory_space<vmem_shared>>) target_semaphore(%run_scoped3A : memref<!tpu.dma_semaphore, #tpu.memory_space<semaphore_mem>>)
      %dma_wait3A_84 = arith.constant 0 : i32
      %dma_wait3A_85 = tpu.memref_slice %arg6[%add3A_26, %dma_wait3A_84] : memref<10240x128xf32, #tpu.memory_space<vmem_shared>> -> memref<80x128xf32, #tpu.memory_space<vmem_shared>>
      %dma_wait3A_86 = arith.constant 0 : i32
      %dma_wait3A_87 = tpu.memref_slice %arg6[%add3A_26, %dma_wait3A_86] : memref<10240x128xf32, #tpu.memory_space<vmem_shared>> -> memref<80x128xf32, #tpu.memory_space<vmem_shared>>
      tpu.wait_dma2 semaphore(%run_scoped3A : memref<!tpu.dma_semaphore, #tpu.memory_space<semaphore_mem>>) src(%arg5 : memref<80x128xf32, #tpu.memory_space<vmem>>) dst(%dma_wait3A_87 : memref<80x128xf32, #tpu.memory_space<vmem_shared>>)
      tpu.yield
    }) : () -> ()
    %scan3A_27 = arith.constant 0 : i32
    %scan3A_28 = arith.constant 0 : i32
    %scan3A_29 = arith.constant 80 : i32
    %scan3A_30 = arith.addi %scan3A_28, %scan3A_29 : i32
    %scan3A_31 = arith.constant 1 : i32
    scf.for %scan3A_80 = %scan3A_28 to %scan3A_30 step %scan3A_31  : i32 {
      %swap3A = arith.index_cast %scan3A_80 : i32 to index
      %swap3A_81 = arith.constant 0 : index
      %swap3A_82 = tpu.vector_load %arg5[%swap3A, %swap3A_81] {strides = array<i32>} : memref<80x128xf32, #tpu.memory_space<vmem>>, vector<1x16xf32>,
      %swap3A_83 = vector.shape_cast %swap3A_82 : vector<1x16xf32> to vector<16xf32>
      %swap3A_84 = vector.shape_cast %broadcast_in_dim3A_3 : vector<16xf32> to vector<1x16xf32>
      tpu.vector_store %arg5[%swap3A, %swap3A_81], %swap3A_84 {strides = array<i32>} : memref<80x128xf32, #tpu.memory_space<vmem>>, vector<1x16xf32>,
      %swap3A_85 = arith.index_cast %scan3A_80 : i32 to index
      %swap3A_86 = arith.constant 16 : index
      %swap3A_87 = tpu.vector_load %arg5[%swap3A_85, %swap3A_86] {strides = array<i32>} : memref<80x128xf32, #tpu.memory_space<vmem>>, vector<1x16xf32>,
      %swap3A_88 = vector.shape_cast %swap3A_87 : vector<1x16xf32> to vector<16xf32>
      %swap3A_89 = vector.shape_cast %broadcast_in_dim3A_3 : vector<16xf32> to vector<1x16xf32>
      tpu.vector_store %arg5[%swap3A_85, %swap3A_86], %swap3A_89 {strides = array<i32>} : memref<80x128xf32, #tpu.memory_space<vmem>>, vector<1x16xf32>,
      %swap3A_90 = arith.index_cast %scan3A_80 : i32 to index
      %swap3A_91 = arith.constant 32 : index
      %swap3A_92 = tpu.vector_load %arg5[%swap3A_90, %swap3A_91] {strides = array<i32>} : memref<80x128xf32, #tpu.memory_space<vmem>>, vector<1x16xf32>,
      %swap3A_93 = vector.shape_cast %swap3A_92 : vector<1x16xf32> to vector<16xf32>
      %swap3A_94 = vector.shape_cast %broadcast_in_dim3A_3 : vector<16xf32> to vector<1x16xf32>
      tpu.vector_store %arg5[%swap3A_90, %swap3A_91], %swap3A_94 {strides = array<i32>} : memref<80x128xf32, #tpu.memory_space<vmem>>, vector<1x16xf32>,
      %swap3A_95 = arith.index_cast %scan3A_80 : i32 to index
      %swap3A_96 = arith.constant 48 : index
      %swap3A_97 = tpu.vector_load %arg5[%swap3A_95, %swap3A_96] {strides = array<i32>} : memref<80x128xf32, #tpu.memory_space<vmem>>, vector<1x16xf32>,
      %swap3A_98 = vector.shape_cast %swap3A_97 : vector<1x16xf32> to vector<16xf32>
      %swap3A_99 = vector.shape_cast %broadcast_in_dim3A_3 : vector<16xf32> to vector<1x16xf32>
      tpu.vector_store %arg5[%swap3A_95, %swap3A_96], %swap3A_99 {strides = array<i32>} : memref<80x128xf32, #tpu.memory_space<vmem>>, vector<1x16xf32>,
      %swap3A_100 = arith.index_cast %scan3A_80 : i32 to index
      %swap3A_101 = arith.constant 64 : index
      %swap3A_102 = tpu.vector_load %arg5[%swap3A_100, %swap3A_101] {strides = array<i32>} : memref<80x128xf32, #tpu.memory_space<vmem>>, vector<1x16xf32>,
      %swap3A_103 = vector.shape_cast %swap3A_102 : vector<1x16xf32> to vector<16xf32>
      %swap3A_104 = vector.shape_cast %broadcast_in_dim3A_3 : vector<16xf32> to vector<1x16xf32>
      tpu.vector_store %arg5[%swap3A_100, %swap3A_101], %swap3A_104 {strides = array<i32>} : memref<80x128xf32, #tpu.memory_space<vmem>>, vector<1x16xf32>,
      %swap3A_105 = arith.index_cast %scan3A_80 : i32 to index
      %swap3A_106 = arith.constant 80 : index
      %swap3A_107 = tpu.vector_load %arg5[%swap3A_105, %swap3A_106] {strides = array<i32>} : memref<80x128xf32, #tpu.memory_space<vmem>>, vector<1x16xf32>,
      %swap3A_108 = vector.shape_cast %swap3A_107 : vector<1x16xf32> to vector<16xf32>
      %swap3A_109 = vector.shape_cast %broadcast_in_dim3A_3 : vector<16xf32> to vector<1x16xf32>
      tpu.vector_store %arg5[%swap3A_105, %swap3A_106], %swap3A_109 {strides = array<i32>} : memref<80x128xf32, #tpu.memory_space<vmem>>, vector<1x16xf32>,
      %swap3A_110 = arith.index_cast %scan3A_80 : i32 to index
      %swap3A_111 = arith.constant 96 : index
      %swap3A_112 = tpu.vector_load %arg5[%swap3A_110, %swap3A_111] {strides = array<i32>} : memref<80x128xf32, #tpu.memory_space<vmem>>, vector<1x16xf32>,
      %swap3A_113 = vector.shape_cast %swap3A_112 : vector<1x16xf32> to vector<16xf32>
      %swap3A_114 = vector.shape_cast %broadcast_in_dim3A_3 : vector<16xf32> to vector<1x16xf32>
      tpu.vector_store %arg5[%swap3A_110, %swap3A_111], %swap3A_114 {strides = array<i32>} : memref<80x128xf32, #tpu.memory_space<vmem>>, vector<1x16xf32>,
      %swap3A_115 = arith.index_cast %scan3A_80 : i32 to index
      %swap3A_116 = arith.constant 112 : index
      %swap3A_117 = tpu.vector_load %arg5[%swap3A_115, %swap3A_116] {strides = array<i32>} : memref<80x128xf32, #tpu.memory_space<vmem>>, vector<1x16xf32>,
      %swap3A_118 = vector.shape_cast %swap3A_117 : vector<1x16xf32> to vector<16xf32>
      %swap3A_119 = vector.shape_cast %broadcast_in_dim3A_3 : vector<16xf32> to vector<1x16xf32>
      tpu.vector_store %arg5[%swap3A_115, %swap3A_116], %swap3A_119 {strides = array<i32>} : memref<80x128xf32, #tpu.memory_space<vmem>>, vector<1x16xf32>,
    }
    %scan3A_32 = arith.constant 80 : i32
    %barrier3A = arith.constant 0 : index
    tpu.barrier barrier_id(%barrier3A)
    %dma_start3A = arith.constant 0 : i32
    %dma_start3A_33 = arith.constant 0 : i32
    %dma_start3A_34 = tpu.memref_slice %arg4[%dma_start3A, %dma_start3A_33] : memref<125x80xi32, #tpu.memory_space<vmem>> -> memref<1x80xi32, #tpu.memory_space<vmem>>
    %dma_start3A_35 = tpu.memref_squeeze %dma_start3A_34 : memref<1x80xi32, #tpu.memory_space<vmem>> -> memref<80xi32, #tpu.memory_space<vmem>>
    %dma_start3A_36 = arith.constant 0 : i32
    %dma_start3A_37 = arith.constant 0 : i32
    %dma_start3A_38 = tpu.memref_slice %arg6[%dma_start3A_36, %dma_start3A_37] : memref<10240x128xf32, #tpu.memory_space<vmem_shared>> -> memref<10240x128xf32, #tpu.memory_space<vmem_shared>>
    tpu.enqueue_indirect_dma source(%arg5 : memref<80x128xf32, #tpu.memory_space<vmem>>) target(%dma_start3A_38 : memref<10240x128xf32, #tpu.memory_space<vmem_shared>>) offsets(%dma_start3A_35 : memref<80xi32, #tpu.memory_space<vmem>>) semaphore(%arg7 : memref<!tpu.dma_semaphore, #tpu.memory_space<semaphore_mem>>) {add = true}
    %dma_start3A_39 = arith.constant 1 : i32
    %dma_start3A_40 = arith.constant 0 : i32
    %dma_start3A_41 = tpu.memref_slice %arg4[%dma_start3A_39, %dma_start3A_40] : memref<125x80xi32, #tpu.memory_space<vmem>> -> memref<1x80xi32, #tpu.memory_space<vmem>>
    %dma_start3A_42 = tpu.memref_squeeze %dma_start3A_41 : memref<1x80xi32, #tpu.memory_space<vmem>> -> memref<80xi32, #tpu.memory_space<vmem>>
    %dma_start3A_43 = arith.constant 0 : i32
    %dma_start3A_44 = arith.constant 0 : i32
    %dma_start3A_45 = tpu.memref_slice %arg6[%dma_start3A_43, %dma_start3A_44] : memref<10240x128xf32, #tpu.memory_space<vmem_shared>> -> memref<10240x128xf32, #tpu.memory_space<vmem_shared>>
    tpu.enqueue_indirect_dma source(%arg5 : memref<80x128xf32, #tpu.memory_space<vmem>>) target(%dma_start3A_45 : memref<10240x128xf32, #tpu.memory_space<vmem_shared>>) offsets(%dma_start3A_42 : memref<80xi32, #tpu.memory_space<vmem>>) semaphore(%arg8 : memref<!tpu.dma_semaphore, #tpu.memory_space<semaphore_mem>>) {add = true}
    %scan3A_46 = arith.constant 0 : i32
    %scan3A_47 = arith.constant 1 : i32
    %scan3A_48 = arith.constant 61 : i32
    %scan3A_49 = arith.addi %scan3A_47, %scan3A_48 : i32
    %scan3A_50 = arith.constant 1 : i32
    scf.for %scan3A_80 = %scan3A_47 to %scan3A_49 step %scan3A_50  : i32 {
      %dma_wait3A_81 = arith.constant 0 : i32
      %dma_wait3A_82 = arith.constant 0 : i32
      %dma_wait3A_83 = tpu.memref_slice %arg4[%dma_wait3A_81, %dma_wait3A_82] : memref<125x80xi32, #tpu.memory_space<vmem>> -> memref<1x80xi32, #tpu.memory_space<vmem>>
      %dma_wait3A_84 = tpu.memref_squeeze %dma_wait3A_83 : memref<1x80xi32, #tpu.memory_space<vmem>> -> memref<80xi32, #tpu.memory_space<vmem>>
      %dma_wait3A_85 = arith.constant 0 : i32
      %dma_wait3A_86 = arith.constant 0 : i32
      %dma_wait3A_87 = tpu.memref_slice %arg6[%dma_wait3A_85, %dma_wait3A_86] : memref<10240x128xf32, #tpu.memory_space<vmem_shared>> -> memref<10240x128xf32, #tpu.memory_space<vmem_shared>>
      tpu.wait_indirect_dma semaphore(%arg7 : memref<!tpu.dma_semaphore, #tpu.memory_space<semaphore_mem>>) src(%arg5 : memref<80x128xf32, #tpu.memory_space<vmem>>) dst(%dma_wait3A_87 : memref<10240x128xf32, #tpu.memory_space<vmem_shared>>)
      %mul3A_88 = arith.constant 2 : i32
      %mul3A_89 = arith.muli %mul3A_88, %scan3A_80 : i32
      %dma_start3A_90 = arith.constant 0 : i32
      %dma_start3A_91 = tpu.memref_slice %arg4[%mul3A_89, %dma_start3A_90] : memref<125x80xi32, #tpu.memory_space<vmem>> -> memref<1x80xi32, #tpu.memory_space<vmem>>
      %dma_start3A_92 = tpu.memref_squeeze %dma_start3A_91 : memref<1x80xi32, #tpu.memory_space<vmem>> -> memref<80xi32, #tpu.memory_space<vmem>>
      %dma_start3A_93 = arith.constant 0 : i32
      %dma_start3A_94 = arith.constant 0 : i32
      %dma_start3A_95 = tpu.memref_slice %arg6[%dma_start3A_93, %dma_start3A_94] : memref<10240x128xf32, #tpu.memory_space<vmem_shared>> -> memref<10240x128xf32, #tpu.memory_space<vmem_shared>>
      tpu.enqueue_indirect_dma source(%arg5 : memref<80x128xf32, #tpu.memory_space<vmem>>) target(%dma_start3A_95 : memref<10240x128xf32, #tpu.memory_space<vmem_shared>>) offsets(%dma_start3A_92 : memref<80xi32, #tpu.memory_space<vmem>>) semaphore(%arg7 : memref<!tpu.dma_semaphore, #tpu.memory_space<semaphore_mem>>) {add = true}
      %dma_wait3A_96 = arith.constant 0 : i32
      %dma_wait3A_97 = arith.constant 0 : i32
      %dma_wait3A_98 = tpu.memref_slice %arg4[%dma_wait3A_96, %dma_wait3A_97] : memref<125x80xi32, #tpu.memory_space<vmem>> -> memref<1x80xi32, #tpu.memory_space<vmem>>
      %dma_wait3A_99 = tpu.memref_squeeze %dma_wait3A_98 : memref<1x80xi32, #tpu.memory_space<vmem>> -> memref<80xi32, #tpu.memory_space<vmem>>
      %dma_wait3A_100 = arith.constant 0 : i32
      %dma_wait3A_101 = arith.constant 0 : i32
      %dma_wait3A_102 = tpu.memref_slice %arg6[%dma_wait3A_100, %dma_wait3A_101] : memref<10240x128xf32, #tpu.memory_space<vmem_shared>> -> memref<10240x128xf32, #tpu.memory_space<vmem_shared>>
      tpu.wait_indirect_dma semaphore(%arg8 : memref<!tpu.dma_semaphore, #tpu.memory_space<semaphore_mem>>) src(%arg5 : memref<80x128xf32, #tpu.memory_space<vmem>>) dst(%dma_wait3A_102 : memref<10240x128xf32, #tpu.memory_space<vmem_shared>>)
      %mul3A_103 = arith.constant 2 : i32
      %mul3A_104 = arith.muli %mul3A_103, %scan3A_80 : i32
      %add3A_105 = arith.constant 1 : i32
      %add3A_106 = arith.addi %mul3A_104, %add3A_105 : i32
      %dma_start3A_107 = arith.constant 0 : i32
      %dma_start3A_108 = tpu.memref_slice %arg4[%add3A_106, %dma_start3A_107] : memref<125x80xi32, #tpu.memory_space<vmem>> -> memref<1x80xi32, #tpu.memory_space<vmem>>
      %dma_start3A_109 = tpu.memref_squeeze %dma_start3A_108 : memref<1x80xi32, #tpu.memory_space<vmem>> -> memref<80xi32, #tpu.memory_space<vmem>>
      %dma_start3A_110 = arith.constant 0 : i32
      %dma_start3A_111 = arith.constant 0 : i32
      %dma_start3A_112 = tpu.memref_slice %arg6[%dma_start3A_110, %dma_start3A_111] : memref<10240x128xf32, #tpu.memory_space<vmem_shared>> -> memref<10240x128xf32, #tpu.memory_space<vmem_shared>>
      tpu.enqueue_indirect_dma source(%arg5 : memref<80x128xf32, #tpu.memory_space<vmem>>) target(%dma_start3A_112 : memref<10240x128xf32, #tpu.memory_space<vmem_shared>>) offsets(%dma_start3A_109 : memref<80xi32, #tpu.memory_space<vmem>>) semaphore(%arg8 : memref<!tpu.dma_semaphore, #tpu.memory_space<semaphore_mem>>) {add = true}
    }
    %scan3A_51 = arith.constant 61 : i32
    %dma_wait3A = arith.constant 0 : i32
    %dma_wait3A_52 = arith.constant 0 : i32
    %dma_wait3A_53 = tpu.memref_slice %arg4[%dma_wait3A, %dma_wait3A_52] : memref<125x80xi32, #tpu.memory_space<vmem>> -> memref<1x80xi32, #tpu.memory_space<vmem>>
    %dma_wait3A_54 = tpu.memref_squeeze %dma_wait3A_53 : memref<1x80xi32, #tpu.memory_space<vmem>> -> memref<80xi32, #tpu.memory_space<vmem>>
    %dma_wait3A_55 = arith.constant 0 : i32
    %dma_wait3A_56 = arith.constant 0 : i32
    %dma_wait3A_57 = tpu.memref_slice %arg6[%dma_wait3A_55, %dma_wait3A_56] : memref<10240x128xf32, #tpu.memory_space<vmem_shared>> -> memref<10240x128xf32, #tpu.memory_space<vmem_shared>>
    tpu.wait_indirect_dma semaphore(%arg7 : memref<!tpu.dma_semaphore, #tpu.memory_space<semaphore_mem>>) src(%arg5 : memref<80x128xf32, #tpu.memory_space<vmem>>) dst(%dma_wait3A_57 : memref<10240x128xf32, #tpu.memory_space<vmem_shared>>)
    %dma_start3A_58 = arith.constant 124 : i32
    %dma_start3A_59 = arith.constant 0 : i32
    %dma_start3A_60 = tpu.memref_slice %arg4[%dma_start3A_58, %dma_start3A_59] : memref<125x80xi32, #tpu.memory_space<vmem>> -> memref<1x80xi32, #tpu.memory_space<vmem>>
    %dma_start3A_61 = tpu.memref_squeeze %dma_start3A_60 : memref<1x80xi32, #tpu.memory_space<vmem>> -> memref<80xi32, #tpu.memory_space<vmem>>
    %dma_start3A_62 = arith.constant 0 : i32
    %dma_start3A_63 = arith.constant 0 : i32
    %dma_start3A_64 = tpu.memref_slice %arg6[%dma_start3A_62, %dma_start3A_63] : memref<10240x128xf32, #tpu.memory_space<vmem_shared>> -> memref<10240x128xf32, #tpu.memory_space<vmem_shared>>
    tpu.enqueue_indirect_dma source(%arg5 : memref<80x128xf32, #tpu.memory_space<vmem>>) target(%dma_start3A_64 : memref<10240x128xf32, #tpu.memory_space<vmem_shared>>) offsets(%dma_start3A_61 : memref<80xi32, #tpu.memory_space<vmem>>) semaphore(%arg7 : memref<!tpu.dma_semaphore, #tpu.memory_space<semaphore_mem>>) {add = true}
    %dma_wait3A_65 = arith.constant 0 : i32
    %dma_wait3A_66 = arith.constant 0 : i32
    %dma_wait3A_67 = tpu.memref_slice %arg4[%dma_wait3A_65, %dma_wait3A_66] : memref<125x80xi32, #tpu.memory_space<vmem>> -> memref<1x80xi32, #tpu.memory_space<vmem>>
    %dma_wait3A_68 = tpu.memref_squeeze %dma_wait3A_67 : memref<1x80xi32, #tpu.memory_space<vmem>> -> memref<80xi32, #tpu.memory_space<vmem>>
    %dma_wait3A_69 = arith.constant 0 : i32
    %dma_wait3A_70 = arith.constant 0 : i32
    %dma_wait3A_71 = tpu.memref_slice %arg6[%dma_wait3A_69, %dma_wait3A_70] : memref<10240x128xf32, #tpu.memory_space<vmem_shared>> -> memref<10240x128xf32, #tpu.memory_space<vmem_shared>>
    tpu.wait_indirect_dma semaphore(%arg8 : memref<!tpu.dma_semaphore, #tpu.memory_space<semaphore_mem>>) src(%arg5 : memref<80x128xf32, #tpu.memory_space<vmem>>) dst(%dma_wait3A_71 : memref<10240x128xf32, #tpu.memory_space<vmem_shared>>)
    %dma_wait3A_72 = arith.constant 0 : i32
    %dma_wait3A_73 = arith.constant 0 : i32
    %dma_wait3A_74 = tpu.memref_slice %arg4[%dma_wait3A_72, %dma_wait3A_73] : memref<125x80xi32, #tpu.memory_space<vmem>> -> memref<1x80xi32, #tpu.memory_space<vmem>>
    %dma_wait3A_75 = tpu.memref_squeeze %dma_wait3A_74 : memref<1x80xi32, #tpu.memory_space<vmem>> -> memref<80xi32, #tpu.memory_space<vmem>>
    %dma_wait3A_76 = arith.constant 0 : i32
    %dma_wait3A_77 = arith.constant 0 : i32
    %dma_wait3A_78 = tpu.memref_slice %arg6[%dma_wait3A_76, %dma_wait3A_77] : memref<10240x128xf32, #tpu.memory_space<vmem_shared>> -> memref<10240x128xf32, #tpu.memory_space<vmem_shared>>
    tpu.wait_indirect_dma semaphore(%arg7 : memref<!tpu.dma_semaphore, #tpu.memory_space<semaphore_mem>>) src(%arg5 : memref<80x128xf32, #tpu.memory_space<vmem>>) dst(%dma_wait3A_78 : memref<10240x128xf32, #tpu.memory_space<vmem_shared>>)
    %barrier3A_79 = arith.constant 0 : index
    tpu.barrier barrier_id(%barrier3A_79)
    "tpu.region"() ({
      %run_scoped3A = tpu.sem_alloc : memref<!tpu.dma_semaphore, #tpu.memory_space<semaphore_mem>>
      %dma_start3A_80 = arith.constant 0 : i32
      %dma_start3A_81 = tpu.memref_slice %arg3[%arg0, %mul3A_10, %dma_start3A_80] : memref<2x10240x128xf32, #tpu.memory_space<hbm>> -> memref<1x640x128xf32, #tpu.memory_space<hbm>>
      %dma_start3A_82 = tpu.memref_squeeze %dma_start3A_81 : memref<1x640x128xf32, #tpu.memory_space<hbm>> -> memref<640x128xf32, #tpu.memory_space<hbm>>
      %dma_start3A_83 = arith.constant 0 : i32
      %dma_start3A_84 = tpu.memref_slice %arg6[%mul3A_10, %dma_start3A_83] : memref<10240x128xf32, #tpu.memory_space<vmem_shared>> -> memref<640x128xf32, #tpu.memory_space<vmem_shared>>
      tpu.enqueue_dma source(%dma_start3A_84 : memref<640x128xf32, #tpu.memory_space<vmem_shared>>) target(%dma_start3A_82 : memref<640x128xf32, #tpu.memory_space<hbm>>) target_semaphore(%run_scoped3A : memref<!tpu.dma_semaphore, #tpu.memory_space<semaphore_mem>>)
      %dma_wait3A_85 = arith.constant 0 : i32
      %dma_wait3A_86 = tpu.memref_slice %arg3[%arg0, %mul3A_10, %dma_wait3A_85] : memref<2x10240x128xf32, #tpu.memory_space<hbm>> -> memref<1x640x128xf32, #tpu.memory_space<hbm>>
      %dma_wait3A_87 = tpu.memref_squeeze %dma_wait3A_86 : memref<1x640x128xf32, #tpu.memory_space<hbm>> -> memref<640x128xf32, #tpu.memory_space<hbm>>
      %dma_wait3A_88 = arith.constant 0 : i32
      %dma_wait3A_89 = tpu.memref_slice %arg6[%mul3A_10, %dma_wait3A_88] : memref<10240x128xf32, #tpu.memory_space<vmem_shared>> -> memref<640x128xf32, #tpu.memory_space<vmem_shared>>
      tpu.wait_dma2 semaphore(%run_scoped3A : memref<!tpu.dma_semaphore, #tpu.memory_space<semaphore_mem>>) src(%dma_wait3A_89 : memref<640x128xf32, #tpu.memory_space<vmem_shared>>) dst(%dma_wait3A_87 : memref<640x128xf32, #tpu.memory_space<hbm>>)
      tpu.yield
    }) : () -> ()
    return
  }
}

#map = affine_map<(d0, d1) -> (0, 0)>
#map1 = affine_map<(d0, d1) -> (0, 0, 0)>
module attributes {stable_mosaic.version = 14 : i64} {
  func.func @k(%arg0: i32, %arg1: i32, %arg2: memref<320000x128xf32, #tpu.memory_space<hbm>>, %arg3: memref<32x250x40xi32, #tpu.memory_space<hbm>>, %arg4: memref<2x10240x128xf32, #tpu.memory_space<hbm>>, %arg5: memref<250x40xi32, #tpu.memory_space<vmem>>, %arg6: memref<40x128xf32, #tpu.memory_space<vmem>>, %arg7: memref<40x128xf32, #tpu.memory_space<vmem>>, %arg8: memref<10240x128xf32, #tpu.memory_space<vmem_shared>>, %arg9: memref<!tpu.dma_semaphore, #tpu.memory_space<semaphore_mem>>, %arg10: memref<!tpu.dma_semaphore, #tpu.memory_space<semaphore_mem>>, %arg11: memref<!tpu.dma_semaphore, #tpu.memory_space<semaphore_mem>>, %arg12: memref<!tpu.dma_semaphore, #tpu.memory_space<semaphore_mem>>) attributes {dimension_semantics = [#tpu.dimension_semantics<core_parallel>, #tpu.dimension_semantics<subcore_parallel>], iteration_bounds = array<i64: 2, 16>, scalar_prefetch = 0 : i64, scratch_operands = 8 : i64, tpu.core_type = #tpu.core_type<sc_vector_subcore>, window_params = [{transform_indices = #map}, {transform_indices = #map1}, {transform_indices = #map1}]} {
    %mul3A = arith.constant 2 : i32
    %mul3A_0 = arith.muli %arg1, %mul3A : i32
    %add3A = arith.addi %mul3A_0, %arg0 : i32
    %broadcast_in_dim3A = arith.constant 0.000000e+00 : f32
    %broadcast_in_dim3A_1 = vector.broadcast %broadcast_in_dim3A : f32 to vector<16xf32>
    "tpu.region"() ({
      %run_scoped3A = tpu.sem_alloc : memref<!tpu.dma_semaphore, #tpu.memory_space<semaphore_mem>>
      %dma_start3A_144 = arith.constant 0 : i32
      %dma_start3A_145 = arith.constant 0 : i32
      %dma_start3A_146 = tpu.memref_slice %arg3[%add3A, %dma_start3A_144, %dma_start3A_145] : memref<32x250x40xi32, #tpu.memory_space<hbm>> -> memref<1x250x40xi32, #tpu.memory_space<hbm>>
      %dma_start3A_147 = tpu.memref_squeeze %dma_start3A_146 : memref<1x250x40xi32, #tpu.memory_space<hbm>> -> memref<250x40xi32, #tpu.memory_space<hbm>>
      %dma_start3A_148 = arith.constant 0 : i32
      %dma_start3A_149 = arith.constant 0 : i32
      %dma_start3A_150 = tpu.memref_slice %arg3[%add3A, %dma_start3A_148, %dma_start3A_149] : memref<32x250x40xi32, #tpu.memory_space<hbm>> -> memref<1x250x40xi32, #tpu.memory_space<hbm>>
      %dma_start3A_151 = tpu.memref_squeeze %dma_start3A_150 : memref<1x250x40xi32, #tpu.memory_space<hbm>> -> memref<250x40xi32, #tpu.memory_space<hbm>>
      tpu.enqueue_dma source(%dma_start3A_151 : memref<250x40xi32, #tpu.memory_space<hbm>>) target(%arg5 : memref<250x40xi32, #tpu.memory_space<vmem>>) target_semaphore(%run_scoped3A : memref<!tpu.dma_semaphore, #tpu.memory_space<semaphore_mem>>)
      %dma_wait3A_152 = arith.constant 0 : i32
      %dma_wait3A_153 = arith.constant 0 : i32
      %dma_wait3A_154 = tpu.memref_slice %arg3[%add3A, %dma_wait3A_152, %dma_wait3A_153] : memref<32x250x40xi32, #tpu.memory_space<hbm>> -> memref<1x250x40xi32, #tpu.memory_space<hbm>>
      %dma_wait3A_155 = tpu.memref_squeeze %dma_wait3A_154 : memref<1x250x40xi32, #tpu.memory_space<hbm>> -> memref<250x40xi32, #tpu.memory_space<hbm>>
      %dma_wait3A_156 = arith.constant 0 : i32
      %dma_wait3A_157 = arith.constant 0 : i32
      %dma_wait3A_158 = tpu.memref_slice %arg3[%add3A, %dma_wait3A_156, %dma_wait3A_157] : memref<32x250x40xi32, #tpu.memory_space<hbm>> -> memref<1x250x40xi32, #tpu.memory_space<hbm>>
      %dma_wait3A_159 = tpu.memref_squeeze %dma_wait3A_158 : memref<1x250x40xi32, #tpu.memory_space<hbm>> -> memref<250x40xi32, #tpu.memory_space<hbm>>
      tpu.wait_dma2 semaphore(%run_scoped3A : memref<!tpu.dma_semaphore, #tpu.memory_space<semaphore_mem>>) src(%dma_wait3A_159 : memref<250x40xi32, #tpu.memory_space<hbm>>) dst(%arg5 : memref<250x40xi32, #tpu.memory_space<vmem>>)
      tpu.yield
    }) : () -> ()
    %scan3A = arith.constant 0 : i32
    %scan3A_2 = arith.constant 0 : i32
    %scan3A_3 = arith.constant 40 : i32
    %scan3A_4 = arith.addi %scan3A_2, %scan3A_3 : i32
    %scan3A_5 = arith.constant 1 : i32
    scf.for %scan3A_144 = %scan3A_2 to %scan3A_4 step %scan3A_5  : i32 {
      %swap3A = arith.index_cast %scan3A_144 : i32 to index
      %swap3A_145 = arith.constant 0 : index
      %swap3A_146 = tpu.vector_load %arg6[%swap3A, %swap3A_145] {strides = array<i32>} : memref<40x128xf32, #tpu.memory_space<vmem>>, vector<1x16xf32>,
      %swap3A_147 = vector.shape_cast %swap3A_146 : vector<1x16xf32> to vector<16xf32>
      %swap3A_148 = vector.shape_cast %broadcast_in_dim3A_1 : vector<16xf32> to vector<1x16xf32>
      tpu.vector_store %arg6[%swap3A, %swap3A_145], %swap3A_148 {strides = array<i32>} : memref<40x128xf32, #tpu.memory_space<vmem>>, vector<1x16xf32>,
      %swap3A_149 = arith.index_cast %scan3A_144 : i32 to index
      %swap3A_150 = arith.constant 16 : index
      %swap3A_151 = tpu.vector_load %arg6[%swap3A_149, %swap3A_150] {strides = array<i32>} : memref<40x128xf32, #tpu.memory_space<vmem>>, vector<1x16xf32>,
      %swap3A_152 = vector.shape_cast %swap3A_151 : vector<1x16xf32> to vector<16xf32>
      %swap3A_153 = vector.shape_cast %broadcast_in_dim3A_1 : vector<16xf32> to vector<1x16xf32>
      tpu.vector_store %arg6[%swap3A_149, %swap3A_150], %swap3A_153 {strides = array<i32>} : memref<40x128xf32, #tpu.memory_space<vmem>>, vector<1x16xf32>,
      %swap3A_154 = arith.index_cast %scan3A_144 : i32 to index
      %swap3A_155 = arith.constant 32 : index
      %swap3A_156 = tpu.vector_load %arg6[%swap3A_154, %swap3A_155] {strides = array<i32>} : memref<40x128xf32, #tpu.memory_space<vmem>>, vector<1x16xf32>,
      %swap3A_157 = vector.shape_cast %swap3A_156 : vector<1x16xf32> to vector<16xf32>
      %swap3A_158 = vector.shape_cast %broadcast_in_dim3A_1 : vector<16xf32> to vector<1x16xf32>
      tpu.vector_store %arg6[%swap3A_154, %swap3A_155], %swap3A_158 {strides = array<i32>} : memref<40x128xf32, #tpu.memory_space<vmem>>, vector<1x16xf32>,
      %swap3A_159 = arith.index_cast %scan3A_144 : i32 to index
      %swap3A_160 = arith.constant 48 : index
      %swap3A_161 = tpu.vector_load %arg6[%swap3A_159, %swap3A_160] {strides = array<i32>} : memref<40x128xf32, #tpu.memory_space<vmem>>, vector<1x16xf32>,
      %swap3A_162 = vector.shape_cast %swap3A_161 : vector<1x16xf32> to vector<16xf32>
      %swap3A_163 = vector.shape_cast %broadcast_in_dim3A_1 : vector<16xf32> to vector<1x16xf32>
      tpu.vector_store %arg6[%swap3A_159, %swap3A_160], %swap3A_163 {strides = array<i32>} : memref<40x128xf32, #tpu.memory_space<vmem>>, vector<1x16xf32>,
      %swap3A_164 = arith.index_cast %scan3A_144 : i32 to index
      %swap3A_165 = arith.constant 64 : index
      %swap3A_166 = tpu.vector_load %arg6[%swap3A_164, %swap3A_165] {strides = array<i32>} : memref<40x128xf32, #tpu.memory_space<vmem>>, vector<1x16xf32>,
      %swap3A_167 = vector.shape_cast %swap3A_166 : vector<1x16xf32> to vector<16xf32>
      %swap3A_168 = vector.shape_cast %broadcast_in_dim3A_1 : vector<16xf32> to vector<1x16xf32>
      tpu.vector_store %arg6[%swap3A_164, %swap3A_165], %swap3A_168 {strides = array<i32>} : memref<40x128xf32, #tpu.memory_space<vmem>>, vector<1x16xf32>,
      %swap3A_169 = arith.index_cast %scan3A_144 : i32 to index
      %swap3A_170 = arith.constant 80 : index
      %swap3A_171 = tpu.vector_load %arg6[%swap3A_169, %swap3A_170] {strides = array<i32>} : memref<40x128xf32, #tpu.memory_space<vmem>>, vector<1x16xf32>,
      %swap3A_172 = vector.shape_cast %swap3A_171 : vector<1x16xf32> to vector<16xf32>
      %swap3A_173 = vector.shape_cast %broadcast_in_dim3A_1 : vector<16xf32> to vector<1x16xf32>
      tpu.vector_store %arg6[%swap3A_169, %swap3A_170], %swap3A_173 {strides = array<i32>} : memref<40x128xf32, #tpu.memory_space<vmem>>, vector<1x16xf32>,
      %swap3A_174 = arith.index_cast %scan3A_144 : i32 to index
      %swap3A_175 = arith.constant 96 : index
      %swap3A_176 = tpu.vector_load %arg6[%swap3A_174, %swap3A_175] {strides = array<i32>} : memref<40x128xf32, #tpu.memory_space<vmem>>, vector<1x16xf32>,
      %swap3A_177 = vector.shape_cast %swap3A_176 : vector<1x16xf32> to vector<16xf32>
      %swap3A_178 = vector.shape_cast %broadcast_in_dim3A_1 : vector<16xf32> to vector<1x16xf32>
      tpu.vector_store %arg6[%swap3A_174, %swap3A_175], %swap3A_178 {strides = array<i32>} : memref<40x128xf32, #tpu.memory_space<vmem>>, vector<1x16xf32>,
      %swap3A_179 = arith.index_cast %scan3A_144 : i32 to index
      %swap3A_180 = arith.constant 112 : index
      %swap3A_181 = tpu.vector_load %arg6[%swap3A_179, %swap3A_180] {strides = array<i32>} : memref<40x128xf32, #tpu.memory_space<vmem>>, vector<1x16xf32>,
      %swap3A_182 = vector.shape_cast %swap3A_181 : vector<1x16xf32> to vector<16xf32>
      %swap3A_183 = vector.shape_cast %broadcast_in_dim3A_1 : vector<16xf32> to vector<1x16xf32>
      tpu.vector_store %arg6[%swap3A_179, %swap3A_180], %swap3A_183 {strides = array<i32>} : memref<40x128xf32, #tpu.memory_space<vmem>>, vector<1x16xf32>,
    }
    %scan3A_6 = arith.constant 40 : i32
    %mul3A_7 = arith.constant 640 : i32
    %mul3A_8 = arith.muli %arg1, %mul3A_7 : i32
    %add3A_9 = arith.constant 0 : i32
    %add3A_10 = arith.addi %mul3A_8, %add3A_9 : i32
    "tpu.region"() ({
      %run_scoped3A = tpu.sem_alloc : memref<!tpu.dma_semaphore, #tpu.memory_space<semaphore_mem>>
      %dma_start3A_144 = arith.constant 0 : i32
      %dma_start3A_145 = tpu.memref_slice %arg8[%add3A_10, %dma_start3A_144] : memref<10240x128xf32, #tpu.memory_space<vmem_shared>> -> memref<40x128xf32, #tpu.memory_space<vmem_shared>>
      %dma_start3A_146 = arith.constant 0 : i32
      %dma_start3A_147 = tpu.memref_slice %arg8[%add3A_10, %dma_start3A_146] : memref<10240x128xf32, #tpu.memory_space<vmem_shared>> -> memref<40x128xf32, #tpu.memory_space<vmem_shared>>
      tpu.enqueue_dma source(%arg6 : memref<40x128xf32, #tpu.memory_space<vmem>>) target(%dma_start3A_147 : memref<40x128xf32, #tpu.memory_space<vmem_shared>>) target_semaphore(%run_scoped3A : memref<!tpu.dma_semaphore, #tpu.memory_space<semaphore_mem>>)
      %dma_wait3A_148 = arith.constant 0 : i32
      %dma_wait3A_149 = tpu.memref_slice %arg8[%add3A_10, %dma_wait3A_148] : memref<10240x128xf32, #tpu.memory_space<vmem_shared>> -> memref<40x128xf32, #tpu.memory_space<vmem_shared>>
      %dma_wait3A_150 = arith.constant 0 : i32
      %dma_wait3A_151 = tpu.memref_slice %arg8[%add3A_10, %dma_wait3A_150] : memref<10240x128xf32, #tpu.memory_space<vmem_shared>> -> memref<40x128xf32, #tpu.memory_space<vmem_shared>>
      tpu.wait_dma2 semaphore(%run_scoped3A : memref<!tpu.dma_semaphore, #tpu.memory_space<semaphore_mem>>) src(%arg6 : memref<40x128xf32, #tpu.memory_space<vmem>>) dst(%dma_wait3A_151 : memref<40x128xf32, #tpu.memory_space<vmem_shared>>)
      tpu.yield
    }) : () -> ()
    %add3A_11 = arith.constant 40 : i32
    %add3A_12 = arith.addi %mul3A_8, %add3A_11 : i32
    "tpu.region"() ({
      %run_scoped3A = tpu.sem_alloc : memref<!tpu.dma_semaphore, #tpu.memory_space<semaphore_mem>>
      %dma_start3A_144 = arith.constant 0 : i32
      %dma_start3A_145 = tpu.memref_slice %arg8[%add3A_12, %dma_start3A_144] : memref<10240x128xf32, #tpu.memory_space<vmem_shared>> -> memref<40x128xf32, #tpu.memory_space<vmem_shared>>
      %dma_start3A_146 = arith.constant 0 : i32
      %dma_start3A_147 = tpu.memref_slice %arg8[%add3A_12, %dma_start3A_146] : memref<10240x128xf32, #tpu.memory_space<vmem_shared>> -> memref<40x128xf32, #tpu.memory_space<vmem_shared>>
      tpu.enqueue_dma source(%arg6 : memref<40x128xf32, #tpu.memory_space<vmem>>) target(%dma_start3A_147 : memref<40x128xf32, #tpu.memory_space<vmem_shared>>) target_semaphore(%run_scoped3A : memref<!tpu.dma_semaphore, #tpu.memory_space<semaphore_mem>>)
      %dma_wait3A_148 = arith.constant 0 : i32
      %dma_wait3A_149 = tpu.memref_slice %arg8[%add3A_12, %dma_wait3A_148] : memref<10240x128xf32, #tpu.memory_space<vmem_shared>> -> memref<40x128xf32, #tpu.memory_space<vmem_shared>>
      %dma_wait3A_150 = arith.constant 0 : i32
      %dma_wait3A_151 = tpu.memref_slice %arg8[%add3A_12, %dma_wait3A_150] : memref<10240x128xf32, #tpu.memory_space<vmem_shared>> -> memref<40x128xf32, #tpu.memory_space<vmem_shared>>
      tpu.wait_dma2 semaphore(%run_scoped3A : memref<!tpu.dma_semaphore, #tpu.memory_space<semaphore_mem>>) src(%arg6 : memref<40x128xf32, #tpu.memory_space<vmem>>) dst(%dma_wait3A_151 : memref<40x128xf32, #tpu.memory_space<vmem_shared>>)
      tpu.yield
    }) : () -> ()
    %add3A_13 = arith.constant 80 : i32
    %add3A_14 = arith.addi %mul3A_8, %add3A_13 : i32
    "tpu.region"() ({
      %run_scoped3A = tpu.sem_alloc : memref<!tpu.dma_semaphore, #tpu.memory_space<semaphore_mem>>
      %dma_start3A_144 = arith.constant 0 : i32
      %dma_start3A_145 = tpu.memref_slice %arg8[%add3A_14, %dma_start3A_144] : memref<10240x128xf32, #tpu.memory_space<vmem_shared>> -> memref<40x128xf32, #tpu.memory_space<vmem_shared>>
      %dma_start3A_146 = arith.constant 0 : i32
      %dma_start3A_147 = tpu.memref_slice %arg8[%add3A_14, %dma_start3A_146] : memref<10240x128xf32, #tpu.memory_space<vmem_shared>> -> memref<40x128xf32, #tpu.memory_space<vmem_shared>>
      tpu.enqueue_dma source(%arg6 : memref<40x128xf32, #tpu.memory_space<vmem>>) target(%dma_start3A_147 : memref<40x128xf32, #tpu.memory_space<vmem_shared>>) target_semaphore(%run_scoped3A : memref<!tpu.dma_semaphore, #tpu.memory_space<semaphore_mem>>)
      %dma_wait3A_148 = arith.constant 0 : i32
      %dma_wait3A_149 = tpu.memref_slice %arg8[%add3A_14, %dma_wait3A_148] : memref<10240x128xf32, #tpu.memory_space<vmem_shared>> -> memref<40x128xf32, #tpu.memory_space<vmem_shared>>
      %dma_wait3A_150 = arith.constant 0 : i32
      %dma_wait3A_151 = tpu.memref_slice %arg8[%add3A_14, %dma_wait3A_150] : memref<10240x128xf32, #tpu.memory_space<vmem_shared>> -> memref<40x128xf32, #tpu.memory_space<vmem_shared>>
      tpu.wait_dma2 semaphore(%run_scoped3A : memref<!tpu.dma_semaphore, #tpu.memory_space<semaphore_mem>>) src(%arg6 : memref<40x128xf32, #tpu.memory_space<vmem>>) dst(%dma_wait3A_151 : memref<40x128xf32, #tpu.memory_space<vmem_shared>>)
      tpu.yield
    }) : () -> ()
    %add3A_15 = arith.constant 120 : i32
    %add3A_16 = arith.addi %mul3A_8, %add3A_15 : i32
    "tpu.region"() ({
      %run_scoped3A = tpu.sem_alloc : memref<!tpu.dma_semaphore, #tpu.memory_space<semaphore_mem>>
      %dma_start3A_144 = arith.constant 0 : i32
      %dma_start3A_145 = tpu.memref_slice %arg8[%add3A_16, %dma_start3A_144] : memref<10240x128xf32, #tpu.memory_space<vmem_shared>> -> memref<40x128xf32, #tpu.memory_space<vmem_shared>>
      %dma_start3A_146 = arith.constant 0 : i32
      %dma_start3A_147 = tpu.memref_slice %arg8[%add3A_16, %dma_start3A_146] : memref<10240x128xf32, #tpu.memory_space<vmem_shared>> -> memref<40x128xf32, #tpu.memory_space<vmem_shared>>
      tpu.enqueue_dma source(%arg6 : memref<40x128xf32, #tpu.memory_space<vmem>>) target(%dma_start3A_147 : memref<40x128xf32, #tpu.memory_space<vmem_shared>>) target_semaphore(%run_scoped3A : memref<!tpu.dma_semaphore, #tpu.memory_space<semaphore_mem>>)
      %dma_wait3A_148 = arith.constant 0 : i32
      %dma_wait3A_149 = tpu.memref_slice %arg8[%add3A_16, %dma_wait3A_148] : memref<10240x128xf32, #tpu.memory_space<vmem_shared>> -> memref<40x128xf32, #tpu.memory_space<vmem_shared>>
      %dma_wait3A_150 = arith.constant 0 : i32
      %dma_wait3A_151 = tpu.memref_slice %arg8[%add3A_16, %dma_wait3A_150] : memref<10240x128xf32, #tpu.memory_space<vmem_shared>> -> memref<40x128xf32, #tpu.memory_space<vmem_shared>>
      tpu.wait_dma2 semaphore(%run_scoped3A : memref<!tpu.dma_semaphore, #tpu.memory_space<semaphore_mem>>) src(%arg6 : memref<40x128xf32, #tpu.memory_space<vmem>>) dst(%dma_wait3A_151 : memref<40x128xf32, #tpu.memory_space<vmem_shared>>)
      tpu.yield
    }) : () -> ()
    %add3A_17 = arith.constant 160 : i32
    %add3A_18 = arith.addi %mul3A_8, %add3A_17 : i32
    "tpu.region"() ({
      %run_scoped3A = tpu.sem_alloc : memref<!tpu.dma_semaphore, #tpu.memory_space<semaphore_mem>>
      %dma_start3A_144 = arith.constant 0 : i32
      %dma_start3A_145 = tpu.memref_slice %arg8[%add3A_18, %dma_start3A_144] : memref<10240x128xf32, #tpu.memory_space<vmem_shared>> -> memref<40x128xf32, #tpu.memory_space<vmem_shared>>
      %dma_start3A_146 = arith.constant 0 : i32
      %dma_start3A_147 = tpu.memref_slice %arg8[%add3A_18, %dma_start3A_146] : memref<10240x128xf32, #tpu.memory_space<vmem_shared>> -> memref<40x128xf32, #tpu.memory_space<vmem_shared>>
      tpu.enqueue_dma source(%arg6 : memref<40x128xf32, #tpu.memory_space<vmem>>) target(%dma_start3A_147 : memref<40x128xf32, #tpu.memory_space<vmem_shared>>) target_semaphore(%run_scoped3A : memref<!tpu.dma_semaphore, #tpu.memory_space<semaphore_mem>>)
      %dma_wait3A_148 = arith.constant 0 : i32
      %dma_wait3A_149 = tpu.memref_slice %arg8[%add3A_18, %dma_wait3A_148] : memref<10240x128xf32, #tpu.memory_space<vmem_shared>> -> memref<40x128xf32, #tpu.memory_space<vmem_shared>>
      %dma_wait3A_150 = arith.constant 0 : i32
      %dma_wait3A_151 = tpu.memref_slice %arg8[%add3A_18, %dma_wait3A_150] : memref<10240x128xf32, #tpu.memory_space<vmem_shared>> -> memref<40x128xf32, #tpu.memory_space<vmem_shared>>
      tpu.wait_dma2 semaphore(%run_scoped3A : memref<!tpu.dma_semaphore, #tpu.memory_space<semaphore_mem>>) src(%arg6 : memref<40x128xf32, #tpu.memory_space<vmem>>) dst(%dma_wait3A_151 : memref<40x128xf32, #tpu.memory_space<vmem_shared>>)
      tpu.yield
    }) : () -> ()
    %add3A_19 = arith.constant 200 : i32
    %add3A_20 = arith.addi %mul3A_8, %add3A_19 : i32
    "tpu.region"() ({
      %run_scoped3A = tpu.sem_alloc : memref<!tpu.dma_semaphore, #tpu.memory_space<semaphore_mem>>
      %dma_start3A_144 = arith.constant 0 : i32
      %dma_start3A_145 = tpu.memref_slice %arg8[%add3A_20, %dma_start3A_144] : memref<10240x128xf32, #tpu.memory_space<vmem_shared>> -> memref<40x128xf32, #tpu.memory_space<vmem_shared>>
      %dma_start3A_146 = arith.constant 0 : i32
      %dma_start3A_147 = tpu.memref_slice %arg8[%add3A_20, %dma_start3A_146] : memref<10240x128xf32, #tpu.memory_space<vmem_shared>> -> memref<40x128xf32, #tpu.memory_space<vmem_shared>>
      tpu.enqueue_dma source(%arg6 : memref<40x128xf32, #tpu.memory_space<vmem>>) target(%dma_start3A_147 : memref<40x128xf32, #tpu.memory_space<vmem_shared>>) target_semaphore(%run_scoped3A : memref<!tpu.dma_semaphore, #tpu.memory_space<semaphore_mem>>)
      %dma_wait3A_148 = arith.constant 0 : i32
      %dma_wait3A_149 = tpu.memref_slice %arg8[%add3A_20, %dma_wait3A_148] : memref<10240x128xf32, #tpu.memory_space<vmem_shared>> -> memref<40x128xf32, #tpu.memory_space<vmem_shared>>
      %dma_wait3A_150 = arith.constant 0 : i32
      %dma_wait3A_151 = tpu.memref_slice %arg8[%add3A_20, %dma_wait3A_150] : memref<10240x128xf32, #tpu.memory_space<vmem_shared>> -> memref<40x128xf32, #tpu.memory_space<vmem_shared>>
      tpu.wait_dma2 semaphore(%run_scoped3A : memref<!tpu.dma_semaphore, #tpu.memory_space<semaphore_mem>>) src(%arg6 : memref<40x128xf32, #tpu.memory_space<vmem>>) dst(%dma_wait3A_151 : memref<40x128xf32, #tpu.memory_space<vmem_shared>>)
      tpu.yield
    }) : () -> ()
    %add3A_21 = arith.constant 240 : i32
    %add3A_22 = arith.addi %mul3A_8, %add3A_21 : i32
    "tpu.region"() ({
      %run_scoped3A = tpu.sem_alloc : memref<!tpu.dma_semaphore, #tpu.memory_space<semaphore_mem>>
      %dma_start3A_144 = arith.constant 0 : i32
      %dma_start3A_145 = tpu.memref_slice %arg8[%add3A_22, %dma_start3A_144] : memref<10240x128xf32, #tpu.memory_space<vmem_shared>> -> memref<40x128xf32, #tpu.memory_space<vmem_shared>>
      %dma_start3A_146 = arith.constant 0 : i32
      %dma_start3A_147 = tpu.memref_slice %arg8[%add3A_22, %dma_start3A_146] : memref<10240x128xf32, #tpu.memory_space<vmem_shared>> -> memref<40x128xf32, #tpu.memory_space<vmem_shared>>
      tpu.enqueue_dma source(%arg6 : memref<40x128xf32, #tpu.memory_space<vmem>>) target(%dma_start3A_147 : memref<40x128xf32, #tpu.memory_space<vmem_shared>>) target_semaphore(%run_scoped3A : memref<!tpu.dma_semaphore, #tpu.memory_space<semaphore_mem>>)
      %dma_wait3A_148 = arith.constant 0 : i32
      %dma_wait3A_149 = tpu.memref_slice %arg8[%add3A_22, %dma_wait3A_148] : memref<10240x128xf32, #tpu.memory_space<vmem_shared>> -> memref<40x128xf32, #tpu.memory_space<vmem_shared>>
      %dma_wait3A_150 = arith.constant 0 : i32
      %dma_wait3A_151 = tpu.memref_slice %arg8[%add3A_22, %dma_wait3A_150] : memref<10240x128xf32, #tpu.memory_space<vmem_shared>> -> memref<40x128xf32, #tpu.memory_space<vmem_shared>>
      tpu.wait_dma2 semaphore(%run_scoped3A : memref<!tpu.dma_semaphore, #tpu.memory_space<semaphore_mem>>) src(%arg6 : memref<40x128xf32, #tpu.memory_space<vmem>>) dst(%dma_wait3A_151 : memref<40x128xf32, #tpu.memory_space<vmem_shared>>)
      tpu.yield
    }) : () -> ()
    %add3A_23 = arith.constant 280 : i32
    %add3A_24 = arith.addi %mul3A_8, %add3A_23 : i32
    "tpu.region"() ({
      %run_scoped3A = tpu.sem_alloc : memref<!tpu.dma_semaphore, #tpu.memory_space<semaphore_mem>>
      %dma_start3A_144 = arith.constant 0 : i32
      %dma_start3A_145 = tpu.memref_slice %arg8[%add3A_24, %dma_start3A_144] : memref<10240x128xf32, #tpu.memory_space<vmem_shared>> -> memref<40x128xf32, #tpu.memory_space<vmem_shared>>
      %dma_start3A_146 = arith.constant 0 : i32
      %dma_start3A_147 = tpu.memref_slice %arg8[%add3A_24, %dma_start3A_146] : memref<10240x128xf32, #tpu.memory_space<vmem_shared>> -> memref<40x128xf32, #tpu.memory_space<vmem_shared>>
      tpu.enqueue_dma source(%arg6 : memref<40x128xf32, #tpu.memory_space<vmem>>) target(%dma_start3A_147 : memref<40x128xf32, #tpu.memory_space<vmem_shared>>) target_semaphore(%run_scoped3A : memref<!tpu.dma_semaphore, #tpu.memory_space<semaphore_mem>>)
      %dma_wait3A_148 = arith.constant 0 : i32
      %dma_wait3A_149 = tpu.memref_slice %arg8[%add3A_24, %dma_wait3A_148] : memref<10240x128xf32, #tpu.memory_space<vmem_shared>> -> memref<40x128xf32, #tpu.memory_space<vmem_shared>>
      %dma_wait3A_150 = arith.constant 0 : i32
      %dma_wait3A_151 = tpu.memref_slice %arg8[%add3A_24, %dma_wait3A_150] : memref<10240x128xf32, #tpu.memory_space<vmem_shared>> -> memref<40x128xf32, #tpu.memory_space<vmem_shared>>
      tpu.wait_dma2 semaphore(%run_scoped3A : memref<!tpu.dma_semaphore, #tpu.memory_space<semaphore_mem>>) src(%arg6 : memref<40x128xf32, #tpu.memory_space<vmem>>) dst(%dma_wait3A_151 : memref<40x128xf32, #tpu.memory_space<vmem_shared>>)
      tpu.yield
    }) : () -> ()
    %add3A_25 = arith.constant 320 : i32
    %add3A_26 = arith.addi %mul3A_8, %add3A_25 : i32
    "tpu.region"() ({
      %run_scoped3A = tpu.sem_alloc : memref<!tpu.dma_semaphore, #tpu.memory_space<semaphore_mem>>
      %dma_start3A_144 = arith.constant 0 : i32
      %dma_start3A_145 = tpu.memref_slice %arg8[%add3A_26, %dma_start3A_144] : memref<10240x128xf32, #tpu.memory_space<vmem_shared>> -> memref<40x128xf32, #tpu.memory_space<vmem_shared>>
      %dma_start3A_146 = arith.constant 0 : i32
      %dma_start3A_147 = tpu.memref_slice %arg8[%add3A_26, %dma_start3A_146] : memref<10240x128xf32, #tpu.memory_space<vmem_shared>> -> memref<40x128xf32, #tpu.memory_space<vmem_shared>>
      tpu.enqueue_dma source(%arg6 : memref<40x128xf32, #tpu.memory_space<vmem>>) target(%dma_start3A_147 : memref<40x128xf32, #tpu.memory_space<vmem_shared>>) target_semaphore(%run_scoped3A : memref<!tpu.dma_semaphore, #tpu.memory_space<semaphore_mem>>)
      %dma_wait3A_148 = arith.constant 0 : i32
      %dma_wait3A_149 = tpu.memref_slice %arg8[%add3A_26, %dma_wait3A_148] : memref<10240x128xf32, #tpu.memory_space<vmem_shared>> -> memref<40x128xf32, #tpu.memory_space<vmem_shared>>
      %dma_wait3A_150 = arith.constant 0 : i32
      %dma_wait3A_151 = tpu.memref_slice %arg8[%add3A_26, %dma_wait3A_150] : memref<10240x128xf32, #tpu.memory_space<vmem_shared>> -> memref<40x128xf32, #tpu.memory_space<vmem_shared>>
      tpu.wait_dma2 semaphore(%run_scoped3A : memref<!tpu.dma_semaphore, #tpu.memory_space<semaphore_mem>>) src(%arg6 : memref<40x128xf32, #tpu.memory_space<vmem>>) dst(%dma_wait3A_151 : memref<40x128xf32, #tpu.memory_space<vmem_shared>>)
      tpu.yield
    }) : () -> ()
    %add3A_27 = arith.constant 360 : i32
    %add3A_28 = arith.addi %mul3A_8, %add3A_27 : i32
    "tpu.region"() ({
      %run_scoped3A = tpu.sem_alloc : memref<!tpu.dma_semaphore, #tpu.memory_space<semaphore_mem>>
      %dma_start3A_144 = arith.constant 0 : i32
      %dma_start3A_145 = tpu.memref_slice %arg8[%add3A_28, %dma_start3A_144] : memref<10240x128xf32, #tpu.memory_space<vmem_shared>> -> memref<40x128xf32, #tpu.memory_space<vmem_shared>>
      %dma_start3A_146 = arith.constant 0 : i32
      %dma_start3A_147 = tpu.memref_slice %arg8[%add3A_28, %dma_start3A_146] : memref<10240x128xf32, #tpu.memory_space<vmem_shared>> -> memref<40x128xf32, #tpu.memory_space<vmem_shared>>
      tpu.enqueue_dma source(%arg6 : memref<40x128xf32, #tpu.memory_space<vmem>>) target(%dma_start3A_147 : memref<40x128xf32, #tpu.memory_space<vmem_shared>>) target_semaphore(%run_scoped3A : memref<!tpu.dma_semaphore, #tpu.memory_space<semaphore_mem>>)
      %dma_wait3A_148 = arith.constant 0 : i32
      %dma_wait3A_149 = tpu.memref_slice %arg8[%add3A_28, %dma_wait3A_148] : memref<10240x128xf32, #tpu.memory_space<vmem_shared>> -> memref<40x128xf32, #tpu.memory_space<vmem_shared>>
      %dma_wait3A_150 = arith.constant 0 : i32
      %dma_wait3A_151 = tpu.memref_slice %arg8[%add3A_28, %dma_wait3A_150] : memref<10240x128xf32, #tpu.memory_space<vmem_shared>> -> memref<40x128xf32, #tpu.memory_space<vmem_shared>>
      tpu.wait_dma2 semaphore(%run_scoped3A : memref<!tpu.dma_semaphore, #tpu.memory_space<semaphore_mem>>) src(%arg6 : memref<40x128xf32, #tpu.memory_space<vmem>>) dst(%dma_wait3A_151 : memref<40x128xf32, #tpu.memory_space<vmem_shared>>)
      tpu.yield
    }) : () -> ()
    %add3A_29 = arith.constant 400 : i32
    %add3A_30 = arith.addi %mul3A_8, %add3A_29 : i32
    "tpu.region"() ({
      %run_scoped3A = tpu.sem_alloc : memref<!tpu.dma_semaphore, #tpu.memory_space<semaphore_mem>>
      %dma_start3A_144 = arith.constant 0 : i32
      %dma_start3A_145 = tpu.memref_slice %arg8[%add3A_30, %dma_start3A_144] : memref<10240x128xf32, #tpu.memory_space<vmem_shared>> -> memref<40x128xf32, #tpu.memory_space<vmem_shared>>
      %dma_start3A_146 = arith.constant 0 : i32
      %dma_start3A_147 = tpu.memref_slice %arg8[%add3A_30, %dma_start3A_146] : memref<10240x128xf32, #tpu.memory_space<vmem_shared>> -> memref<40x128xf32, #tpu.memory_space<vmem_shared>>
      tpu.enqueue_dma source(%arg6 : memref<40x128xf32, #tpu.memory_space<vmem>>) target(%dma_start3A_147 : memref<40x128xf32, #tpu.memory_space<vmem_shared>>) target_semaphore(%run_scoped3A : memref<!tpu.dma_semaphore, #tpu.memory_space<semaphore_mem>>)
      %dma_wait3A_148 = arith.constant 0 : i32
      %dma_wait3A_149 = tpu.memref_slice %arg8[%add3A_30, %dma_wait3A_148] : memref<10240x128xf32, #tpu.memory_space<vmem_shared>> -> memref<40x128xf32, #tpu.memory_space<vmem_shared>>
      %dma_wait3A_150 = arith.constant 0 : i32
      %dma_wait3A_151 = tpu.memref_slice %arg8[%add3A_30, %dma_wait3A_150] : memref<10240x128xf32, #tpu.memory_space<vmem_shared>> -> memref<40x128xf32, #tpu.memory_space<vmem_shared>>
      tpu.wait_dma2 semaphore(%run_scoped3A : memref<!tpu.dma_semaphore, #tpu.memory_space<semaphore_mem>>) src(%arg6 : memref<40x128xf32, #tpu.memory_space<vmem>>) dst(%dma_wait3A_151 : memref<40x128xf32, #tpu.memory_space<vmem_shared>>)
      tpu.yield
    }) : () -> ()
    %add3A_31 = arith.constant 440 : i32
    %add3A_32 = arith.addi %mul3A_8, %add3A_31 : i32
    "tpu.region"() ({
      %run_scoped3A = tpu.sem_alloc : memref<!tpu.dma_semaphore, #tpu.memory_space<semaphore_mem>>
      %dma_start3A_144 = arith.constant 0 : i32
      %dma_start3A_145 = tpu.memref_slice %arg8[%add3A_32, %dma_start3A_144] : memref<10240x128xf32, #tpu.memory_space<vmem_shared>> -> memref<40x128xf32, #tpu.memory_space<vmem_shared>>
      %dma_start3A_146 = arith.constant 0 : i32
      %dma_start3A_147 = tpu.memref_slice %arg8[%add3A_32, %dma_start3A_146] : memref<10240x128xf32, #tpu.memory_space<vmem_shared>> -> memref<40x128xf32, #tpu.memory_space<vmem_shared>>
      tpu.enqueue_dma source(%arg6 : memref<40x128xf32, #tpu.memory_space<vmem>>) target(%dma_start3A_147 : memref<40x128xf32, #tpu.memory_space<vmem_shared>>) target_semaphore(%run_scoped3A : memref<!tpu.dma_semaphore, #tpu.memory_space<semaphore_mem>>)
      %dma_wait3A_148 = arith.constant 0 : i32
      %dma_wait3A_149 = tpu.memref_slice %arg8[%add3A_32, %dma_wait3A_148] : memref<10240x128xf32, #tpu.memory_space<vmem_shared>> -> memref<40x128xf32, #tpu.memory_space<vmem_shared>>
      %dma_wait3A_150 = arith.constant 0 : i32
      %dma_wait3A_151 = tpu.memref_slice %arg8[%add3A_32, %dma_wait3A_150] : memref<10240x128xf32, #tpu.memory_space<vmem_shared>> -> memref<40x128xf32, #tpu.memory_space<vmem_shared>>
      tpu.wait_dma2 semaphore(%run_scoped3A : memref<!tpu.dma_semaphore, #tpu.memory_space<semaphore_mem>>) src(%arg6 : memref<40x128xf32, #tpu.memory_space<vmem>>) dst(%dma_wait3A_151 : memref<40x128xf32, #tpu.memory_space<vmem_shared>>)
      tpu.yield
    }) : () -> ()
    %add3A_33 = arith.constant 480 : i32
    %add3A_34 = arith.addi %mul3A_8, %add3A_33 : i32
    "tpu.region"() ({
      %run_scoped3A = tpu.sem_alloc : memref<!tpu.dma_semaphore, #tpu.memory_space<semaphore_mem>>
      %dma_start3A_144 = arith.constant 0 : i32
      %dma_start3A_145 = tpu.memref_slice %arg8[%add3A_34, %dma_start3A_144] : memref<10240x128xf32, #tpu.memory_space<vmem_shared>> -> memref<40x128xf32, #tpu.memory_space<vmem_shared>>
      %dma_start3A_146 = arith.constant 0 : i32
      %dma_start3A_147 = tpu.memref_slice %arg8[%add3A_34, %dma_start3A_146] : memref<10240x128xf32, #tpu.memory_space<vmem_shared>> -> memref<40x128xf32, #tpu.memory_space<vmem_shared>>
      tpu.enqueue_dma source(%arg6 : memref<40x128xf32, #tpu.memory_space<vmem>>) target(%dma_start3A_147 : memref<40x128xf32, #tpu.memory_space<vmem_shared>>) target_semaphore(%run_scoped3A : memref<!tpu.dma_semaphore, #tpu.memory_space<semaphore_mem>>)
      %dma_wait3A_148 = arith.constant 0 : i32
      %dma_wait3A_149 = tpu.memref_slice %arg8[%add3A_34, %dma_wait3A_148] : memref<10240x128xf32, #tpu.memory_space<vmem_shared>> -> memref<40x128xf32, #tpu.memory_space<vmem_shared>>
      %dma_wait3A_150 = arith.constant 0 : i32
      %dma_wait3A_151 = tpu.memref_slice %arg8[%add3A_34, %dma_wait3A_150] : memref<10240x128xf32, #tpu.memory_space<vmem_shared>> -> memref<40x128xf32, #tpu.memory_space<vmem_shared>>
      tpu.wait_dma2 semaphore(%run_scoped3A : memref<!tpu.dma_semaphore, #tpu.memory_space<semaphore_mem>>) src(%arg6 : memref<40x128xf32, #tpu.memory_space<vmem>>) dst(%dma_wait3A_151 : memref<40x128xf32, #tpu.memory_space<vmem_shared>>)
      tpu.yield
    }) : () -> ()
    %add3A_35 = arith.constant 520 : i32
    %add3A_36 = arith.addi %mul3A_8, %add3A_35 : i32
    "tpu.region"() ({
      %run_scoped3A = tpu.sem_alloc : memref<!tpu.dma_semaphore, #tpu.memory_space<semaphore_mem>>
      %dma_start3A_144 = arith.constant 0 : i32
      %dma_start3A_145 = tpu.memref_slice %arg8[%add3A_36, %dma_start3A_144] : memref<10240x128xf32, #tpu.memory_space<vmem_shared>> -> memref<40x128xf32, #tpu.memory_space<vmem_shared>>
      %dma_start3A_146 = arith.constant 0 : i32
      %dma_start3A_147 = tpu.memref_slice %arg8[%add3A_36, %dma_start3A_146] : memref<10240x128xf32, #tpu.memory_space<vmem_shared>> -> memref<40x128xf32, #tpu.memory_space<vmem_shared>>
      tpu.enqueue_dma source(%arg6 : memref<40x128xf32, #tpu.memory_space<vmem>>) target(%dma_start3A_147 : memref<40x128xf32, #tpu.memory_space<vmem_shared>>) target_semaphore(%run_scoped3A : memref<!tpu.dma_semaphore, #tpu.memory_space<semaphore_mem>>)
      %dma_wait3A_148 = arith.constant 0 : i32
      %dma_wait3A_149 = tpu.memref_slice %arg8[%add3A_36, %dma_wait3A_148] : memref<10240x128xf32, #tpu.memory_space<vmem_shared>> -> memref<40x128xf32, #tpu.memory_space<vmem_shared>>
      %dma_wait3A_150 = arith.constant 0 : i32
      %dma_wait3A_151 = tpu.memref_slice %arg8[%add3A_36, %dma_wait3A_150] : memref<10240x128xf32, #tpu.memory_space<vmem_shared>> -> memref<40x128xf32, #tpu.memory_space<vmem_shared>>
      tpu.wait_dma2 semaphore(%run_scoped3A : memref<!tpu.dma_semaphore, #tpu.memory_space<semaphore_mem>>) src(%arg6 : memref<40x128xf32, #tpu.memory_space<vmem>>) dst(%dma_wait3A_151 : memref<40x128xf32, #tpu.memory_space<vmem_shared>>)
      tpu.yield
    }) : () -> ()
    %add3A_37 = arith.constant 560 : i32
    %add3A_38 = arith.addi %mul3A_8, %add3A_37 : i32
    "tpu.region"() ({
      %run_scoped3A = tpu.sem_alloc : memref<!tpu.dma_semaphore, #tpu.memory_space<semaphore_mem>>
      %dma_start3A_144 = arith.constant 0 : i32
      %dma_start3A_145 = tpu.memref_slice %arg8[%add3A_38, %dma_start3A_144] : memref<10240x128xf32, #tpu.memory_space<vmem_shared>> -> memref<40x128xf32, #tpu.memory_space<vmem_shared>>
      %dma_start3A_146 = arith.constant 0 : i32
      %dma_start3A_147 = tpu.memref_slice %arg8[%add3A_38, %dma_start3A_146] : memref<10240x128xf32, #tpu.memory_space<vmem_shared>> -> memref<40x128xf32, #tpu.memory_space<vmem_shared>>
      tpu.enqueue_dma source(%arg6 : memref<40x128xf32, #tpu.memory_space<vmem>>) target(%dma_start3A_147 : memref<40x128xf32, #tpu.memory_space<vmem_shared>>) target_semaphore(%run_scoped3A : memref<!tpu.dma_semaphore, #tpu.memory_space<semaphore_mem>>)
      %dma_wait3A_148 = arith.constant 0 : i32
      %dma_wait3A_149 = tpu.memref_slice %arg8[%add3A_38, %dma_wait3A_148] : memref<10240x128xf32, #tpu.memory_space<vmem_shared>> -> memref<40x128xf32, #tpu.memory_space<vmem_shared>>
      %dma_wait3A_150 = arith.constant 0 : i32
      %dma_wait3A_151 = tpu.memref_slice %arg8[%add3A_38, %dma_wait3A_150] : memref<10240x128xf32, #tpu.memory_space<vmem_shared>> -> memref<40x128xf32, #tpu.memory_space<vmem_shared>>
      tpu.wait_dma2 semaphore(%run_scoped3A : memref<!tpu.dma_semaphore, #tpu.memory_space<semaphore_mem>>) src(%arg6 : memref<40x128xf32, #tpu.memory_space<vmem>>) dst(%dma_wait3A_151 : memref<40x128xf32, #tpu.memory_space<vmem_shared>>)
      tpu.yield
    }) : () -> ()
    %add3A_39 = arith.constant 600 : i32
    %add3A_40 = arith.addi %mul3A_8, %add3A_39 : i32
    "tpu.region"() ({
      %run_scoped3A = tpu.sem_alloc : memref<!tpu.dma_semaphore, #tpu.memory_space<semaphore_mem>>
      %dma_start3A_144 = arith.constant 0 : i32
      %dma_start3A_145 = tpu.memref_slice %arg8[%add3A_40, %dma_start3A_144] : memref<10240x128xf32, #tpu.memory_space<vmem_shared>> -> memref<40x128xf32, #tpu.memory_space<vmem_shared>>
      %dma_start3A_146 = arith.constant 0 : i32
      %dma_start3A_147 = tpu.memref_slice %arg8[%add3A_40, %dma_start3A_146] : memref<10240x128xf32, #tpu.memory_space<vmem_shared>> -> memref<40x128xf32, #tpu.memory_space<vmem_shared>>
      tpu.enqueue_dma source(%arg6 : memref<40x128xf32, #tpu.memory_space<vmem>>) target(%dma_start3A_147 : memref<40x128xf32, #tpu.memory_space<vmem_shared>>) target_semaphore(%run_scoped3A : memref<!tpu.dma_semaphore, #tpu.memory_space<semaphore_mem>>)
      %dma_wait3A_148 = arith.constant 0 : i32
      %dma_wait3A_149 = tpu.memref_slice %arg8[%add3A_40, %dma_wait3A_148] : memref<10240x128xf32, #tpu.memory_space<vmem_shared>> -> memref<40x128xf32, #tpu.memory_space<vmem_shared>>
      %dma_wait3A_150 = arith.constant 0 : i32
      %dma_wait3A_151 = tpu.memref_slice %arg8[%add3A_40, %dma_wait3A_150] : memref<10240x128xf32, #tpu.memory_space<vmem_shared>> -> memref<40x128xf32, #tpu.memory_space<vmem_shared>>
      tpu.wait_dma2 semaphore(%run_scoped3A : memref<!tpu.dma_semaphore, #tpu.memory_space<semaphore_mem>>) src(%arg6 : memref<40x128xf32, #tpu.memory_space<vmem>>) dst(%dma_wait3A_151 : memref<40x128xf32, #tpu.memory_space<vmem_shared>>)
      tpu.yield
    }) : () -> ()
    %barrier3A = arith.constant 0 : index
    tpu.barrier barrier_id(%barrier3A)
    %mul3A_41 = arith.constant 10000 : i32
    %mul3A_42 = arith.muli %add3A, %mul3A_41 : i32
    %add3A_43 = arith.constant 0 : i32
    %add3A_44 = arith.addi %mul3A_42, %add3A_43 : i32
    %dma_start3A = arith.constant 0 : i32
    %dma_start3A_45 = tpu.memref_slice %arg2[%add3A_44, %dma_start3A] : memref<320000x128xf32, #tpu.memory_space<hbm>> -> memref<40x128xf32, #tpu.memory_space<hbm>>
    %dma_start3A_46 = arith.constant 0 : i32
    %dma_start3A_47 = tpu.memref_slice %arg2[%add3A_44, %dma_start3A_46] : memref<320000x128xf32, #tpu.memory_space<hbm>> -> memref<40x128xf32, #tpu.memory_space<hbm>>
    tpu.enqueue_dma source(%dma_start3A_47 : memref<40x128xf32, #tpu.memory_space<hbm>>) target(%arg6 : memref<40x128xf32, #tpu.memory_space<vmem>>) target_semaphore(%arg9 : memref<!tpu.dma_semaphore, #tpu.memory_space<semaphore_mem>>)
    %dma_wait3A = arith.constant 0 : i32
    %dma_wait3A_48 = tpu.memref_slice %arg2[%mul3A_42, %dma_wait3A] : memref<320000x128xf32, #tpu.memory_space<hbm>> -> memref<40x128xf32, #tpu.memory_space<hbm>>
    %dma_wait3A_49 = arith.constant 0 : i32
    %dma_wait3A_50 = tpu.memref_slice %arg2[%mul3A_42, %dma_wait3A_49] : memref<320000x128xf32, #tpu.memory_space<hbm>> -> memref<40x128xf32, #tpu.memory_space<hbm>>
    tpu.wait_dma2 semaphore(%arg9 : memref<!tpu.dma_semaphore, #tpu.memory_space<semaphore_mem>>) src(%dma_wait3A_50 : memref<40x128xf32, #tpu.memory_space<hbm>>) dst(%arg6 : memref<40x128xf32, #tpu.memory_space<vmem>>)
    %dma_start3A_51 = arith.constant 0 : i32
    %dma_start3A_52 = arith.constant 0 : i32
    %dma_start3A_53 = tpu.memref_slice %arg5[%dma_start3A_51, %dma_start3A_52] : memref<250x40xi32, #tpu.memory_space<vmem>> -> memref<1x40xi32, #tpu.memory_space<vmem>>
    %dma_start3A_54 = tpu.memref_squeeze %dma_start3A_53 : memref<1x40xi32, #tpu.memory_space<vmem>> -> memref<40xi32, #tpu.memory_space<vmem>>
    %dma_start3A_55 = arith.constant 0 : i32
    %dma_start3A_56 = arith.constant 0 : i32
    %dma_start3A_57 = tpu.memref_slice %arg8[%dma_start3A_55, %dma_start3A_56] : memref<10240x128xf32, #tpu.memory_space<vmem_shared>> -> memref<10240x128xf32, #tpu.memory_space<vmem_shared>>
    tpu.enqueue_indirect_dma source(%arg6 : memref<40x128xf32, #tpu.memory_space<vmem>>) target(%dma_start3A_57 : memref<10240x128xf32, #tpu.memory_space<vmem_shared>>) offsets(%dma_start3A_54 : memref<40xi32, #tpu.memory_space<vmem>>) semaphore(%arg11 : memref<!tpu.dma_semaphore, #tpu.memory_space<semaphore_mem>>) {add = true}
    %add3A_58 = arith.constant 40 : i32
    %add3A_59 = arith.addi %mul3A_42, %add3A_58 : i32
    %dma_start3A_60 = arith.constant 0 : i32
    %dma_start3A_61 = tpu.memref_slice %arg2[%add3A_59, %dma_start3A_60] : memref<320000x128xf32, #tpu.memory_space<hbm>> -> memref<40x128xf32, #tpu.memory_space<hbm>>
    %dma_start3A_62 = arith.constant 0 : i32
    %dma_start3A_63 = tpu.memref_slice %arg2[%add3A_59, %dma_start3A_62] : memref<320000x128xf32, #tpu.memory_space<hbm>> -> memref<40x128xf32, #tpu.memory_space<hbm>>
    tpu.enqueue_dma source(%dma_start3A_63 : memref<40x128xf32, #tpu.memory_space<hbm>>) target(%arg7 : memref<40x128xf32, #tpu.memory_space<vmem>>) target_semaphore(%arg10 : memref<!tpu.dma_semaphore, #tpu.memory_space<semaphore_mem>>)
    %dma_wait3A_64 = arith.constant 0 : i32
    %dma_wait3A_65 = tpu.memref_slice %arg2[%mul3A_42, %dma_wait3A_64] : memref<320000x128xf32, #tpu.memory_space<hbm>> -> memref<40x128xf32, #tpu.memory_space<hbm>>
    %dma_wait3A_66 = arith.constant 0 : i32
    %dma_wait3A_67 = tpu.memref_slice %arg2[%mul3A_42, %dma_wait3A_66] : memref<320000x128xf32, #tpu.memory_space<hbm>> -> memref<40x128xf32, #tpu.memory_space<hbm>>
    tpu.wait_dma2 semaphore(%arg10 : memref<!tpu.dma_semaphore, #tpu.memory_space<semaphore_mem>>) src(%dma_wait3A_67 : memref<40x128xf32, #tpu.memory_space<hbm>>) dst(%arg7 : memref<40x128xf32, #tpu.memory_space<vmem>>)
    %dma_start3A_68 = arith.constant 1 : i32
    %dma_start3A_69 = arith.constant 0 : i32
    %dma_start3A_70 = tpu.memref_slice %arg5[%dma_start3A_68, %dma_start3A_69] : memref<250x40xi32, #tpu.memory_space<vmem>> -> memref<1x40xi32, #tpu.memory_space<vmem>>
    %dma_start3A_71 = tpu.memref_squeeze %dma_start3A_70 : memref<1x40xi32, #tpu.memory_space<vmem>> -> memref<40xi32, #tpu.memory_space<vmem>>
    %dma_start3A_72 = arith.constant 0 : i32
    %dma_start3A_73 = arith.constant 0 : i32
    %dma_start3A_74 = tpu.memref_slice %arg8[%dma_start3A_72, %dma_start3A_73] : memref<10240x128xf32, #tpu.memory_space<vmem_shared>> -> memref<10240x128xf32, #tpu.memory_space<vmem_shared>>
    tpu.enqueue_indirect_dma source(%arg7 : memref<40x128xf32, #tpu.memory_space<vmem>>) target(%dma_start3A_74 : memref<10240x128xf32, #tpu.memory_space<vmem_shared>>) offsets(%dma_start3A_71 : memref<40xi32, #tpu.memory_space<vmem>>) semaphore(%arg12 : memref<!tpu.dma_semaphore, #tpu.memory_space<semaphore_mem>>) {add = true}
    %dma_wait3A_75 = arith.constant 0 : i32
    %dma_wait3A_76 = arith.constant 0 : i32
    %dma_wait3A_77 = tpu.memref_slice %arg5[%dma_wait3A_75, %dma_wait3A_76] : memref<250x40xi32, #tpu.memory_space<vmem>> -> memref<1x40xi32, #tpu.memory_space<vmem>>
    %dma_wait3A_78 = tpu.memref_squeeze %dma_wait3A_77 : memref<1x40xi32, #tpu.memory_space<vmem>> -> memref<40xi32, #tpu.memory_space<vmem>>
    %dma_wait3A_79 = arith.constant 0 : i32
    %dma_wait3A_80 = arith.constant 0 : i32
    %dma_wait3A_81 = tpu.memref_slice %arg8[%dma_wait3A_79, %dma_wait3A_80] : memref<10240x128xf32, #tpu.memory_space<vmem_shared>> -> memref<10240x128xf32, #tpu.memory_space<vmem_shared>>
    tpu.wait_indirect_dma semaphore(%arg11 : memref<!tpu.dma_semaphore, #tpu.memory_space<semaphore_mem>>) src(%arg6 : memref<40x128xf32, #tpu.memory_space<vmem>>) dst(%dma_wait3A_81 : memref<10240x128xf32, #tpu.memory_space<vmem_shared>>)
    %add3A_82 = arith.constant 80 : i32
    %add3A_83 = arith.addi %mul3A_42, %add3A_82 : i32
    %dma_start3A_84 = arith.constant 0 : i32
    %dma_start3A_85 = tpu.memref_slice %arg2[%add3A_83, %dma_start3A_84] : memref<320000x128xf32, #tpu.memory_space<hbm>> -> memref<40x128xf32, #tpu.memory_space<hbm>>
    %dma_start3A_86 = arith.constant 0 : i32
    %dma_start3A_87 = tpu.memref_slice %arg2[%add3A_83, %dma_start3A_86] : memref<320000x128xf32, #tpu.memory_space<hbm>> -> memref<40x128xf32, #tpu.memory_space<hbm>>
    tpu.enqueue_dma source(%dma_start3A_87 : memref<40x128xf32, #tpu.memory_space<hbm>>) target(%arg6 : memref<40x128xf32, #tpu.memory_space<vmem>>) target_semaphore(%arg9 : memref<!tpu.dma_semaphore, #tpu.memory_space<semaphore_mem>>)
    %scan3A_88 = arith.constant 0 : i32
    %scan3A_89 = arith.constant 1 : i32
    %scan3A_90 = arith.constant 123 : i32
    %scan3A_91 = arith.addi %scan3A_89, %scan3A_90 : i32
    %scan3A_92 = arith.constant 1 : i32
    scf.for %scan3A_144 = %scan3A_89 to %scan3A_91 step %scan3A_92  : i32 {
      %dma_wait3A_145 = arith.constant 0 : i32
      %dma_wait3A_146 = tpu.memref_slice %arg2[%mul3A_42, %dma_wait3A_145] : memref<320000x128xf32, #tpu.memory_space<hbm>> -> memref<40x128xf32, #tpu.memory_space<hbm>>
      %dma_wait3A_147 = arith.constant 0 : i32
      %dma_wait3A_148 = tpu.memref_slice %arg2[%mul3A_42, %dma_wait3A_147] : memref<320000x128xf32, #tpu.memory_space<hbm>> -> memref<40x128xf32, #tpu.memory_space<hbm>>
      tpu.wait_dma2 semaphore(%arg9 : memref<!tpu.dma_semaphore, #tpu.memory_space<semaphore_mem>>) src(%dma_wait3A_148 : memref<40x128xf32, #tpu.memory_space<hbm>>) dst(%arg6 : memref<40x128xf32, #tpu.memory_space<vmem>>)
      %mul3A_149 = arith.constant 2 : i32
      %mul3A_150 = arith.muli %mul3A_149, %scan3A_144 : i32
      %dma_start3A_151 = arith.constant 0 : i32
      %dma_start3A_152 = tpu.memref_slice %arg5[%mul3A_150, %dma_start3A_151] : memref<250x40xi32, #tpu.memory_space<vmem>> -> memref<1x40xi32, #tpu.memory_space<vmem>>
      %dma_start3A_153 = tpu.memref_squeeze %dma_start3A_152 : memref<1x40xi32, #tpu.memory_space<vmem>> -> memref<40xi32, #tpu.memory_space<vmem>>
      %dma_start3A_154 = arith.constant 0 : i32
      %dma_start3A_155 = arith.constant 0 : i32
      %dma_start3A_156 = tpu.memref_slice %arg8[%dma_start3A_154, %dma_start3A_155] : memref<10240x128xf32, #tpu.memory_space<vmem_shared>> -> memref<10240x128xf32, #tpu.memory_space<vmem_shared>>
      tpu.enqueue_indirect_dma source(%arg6 : memref<40x128xf32, #tpu.memory_space<vmem>>) target(%dma_start3A_156 : memref<10240x128xf32, #tpu.memory_space<vmem_shared>>) offsets(%dma_start3A_153 : memref<40xi32, #tpu.memory_space<vmem>>) semaphore(%arg11 : memref<!tpu.dma_semaphore, #tpu.memory_space<semaphore_mem>>) {add = true}
      %dma_wait3A_157 = arith.constant 0 : i32
      %dma_wait3A_158 = arith.constant 0 : i32
      %dma_wait3A_159 = tpu.memref_slice %arg5[%dma_wait3A_157, %dma_wait3A_158] : memref<250x40xi32, #tpu.memory_space<vmem>> -> memref<1x40xi32, #tpu.memory_space<vmem>>
      %dma_wait3A_160 = tpu.memref_squeeze %dma_wait3A_159 : memref<1x40xi32, #tpu.memory_space<vmem>> -> memref<40xi32, #tpu.memory_space<vmem>>
      %dma_wait3A_161 = arith.constant 0 : i32
      %dma_wait3A_162 = arith.constant 0 : i32
      %dma_wait3A_163 = tpu.memref_slice %arg8[%dma_wait3A_161, %dma_wait3A_162] : memref<10240x128xf32, #tpu.memory_space<vmem_shared>> -> memref<10240x128xf32, #tpu.memory_space<vmem_shared>>
      tpu.wait_indirect_dma semaphore(%arg12 : memref<!tpu.dma_semaphore, #tpu.memory_space<semaphore_mem>>) src(%arg7 : memref<40x128xf32, #tpu.memory_space<vmem>>) dst(%dma_wait3A_163 : memref<10240x128xf32, #tpu.memory_space<vmem_shared>>)
      %mul3A_164 = arith.constant 2 : i32
      %mul3A_165 = arith.muli %mul3A_164, %scan3A_144 : i32
      %add3A_166 = arith.constant 1 : i32
      %add3A_167 = arith.addi %mul3A_165, %add3A_166 : i32
      %mul3A_168 = arith.constant 40 : i32
      %mul3A_169 = arith.muli %add3A_167, %mul3A_168 : i32
      %add3A_170 = arith.addi %mul3A_42, %mul3A_169 : i32
      %dma_start3A_171 = arith.constant 0 : i32
      %dma_start3A_172 = tpu.memref_slice %arg2[%add3A_170, %dma_start3A_171] : memref<320000x128xf32, #tpu.memory_space<hbm>> -> memref<40x128xf32, #tpu.memory_space<hbm>>
      %dma_start3A_173 = arith.constant 0 : i32
      %dma_start3A_174 = tpu.memref_slice %arg2[%add3A_170, %dma_start3A_173] : memref<320000x128xf32, #tpu.memory_space<hbm>> -> memref<40x128xf32, #tpu.memory_space<hbm>>
      tpu.enqueue_dma source(%dma_start3A_174 : memref<40x128xf32, #tpu.memory_space<hbm>>) target(%arg7 : memref<40x128xf32, #tpu.memory_space<vmem>>) target_semaphore(%arg10 : memref<!tpu.dma_semaphore, #tpu.memory_space<semaphore_mem>>)
      %dma_wait3A_175 = arith.constant 0 : i32
      %dma_wait3A_176 = tpu.memref_slice %arg2[%mul3A_42, %dma_wait3A_175] : memref<320000x128xf32, #tpu.memory_space<hbm>> -> memref<40x128xf32, #tpu.memory_space<hbm>>
      %dma_wait3A_177 = arith.constant 0 : i32
      %dma_wait3A_178 = tpu.memref_slice %arg2[%mul3A_42, %dma_wait3A_177] : memref<320000x128xf32, #tpu.memory_space<hbm>> -> memref<40x128xf32, #tpu.memory_space<hbm>>
      tpu.wait_dma2 semaphore(%arg10 : memref<!tpu.dma_semaphore, #tpu.memory_space<semaphore_mem>>) src(%dma_wait3A_178 : memref<40x128xf32, #tpu.memory_space<hbm>>) dst(%arg7 : memref<40x128xf32, #tpu.memory_space<vmem>>)
      %mul3A_179 = arith.constant 2 : i32
      %mul3A_180 = arith.muli %mul3A_179, %scan3A_144 : i32
      %add3A_181 = arith.constant 1 : i32
      %add3A_182 = arith.addi %mul3A_180, %add3A_181 : i32
      %dma_start3A_183 = arith.constant 0 : i32
      %dma_start3A_184 = tpu.memref_slice %arg5[%add3A_182, %dma_start3A_183] : memref<250x40xi32, #tpu.memory_space<vmem>> -> memref<1x40xi32, #tpu.memory_space<vmem>>
      %dma_start3A_185 = tpu.memref_squeeze %dma_start3A_184 : memref<1x40xi32, #tpu.memory_space<vmem>> -> memref<40xi32, #tpu.memory_space<vmem>>
      %dma_start3A_186 = arith.constant 0 : i32
      %dma_start3A_187 = arith.constant 0 : i32
      %dma_start3A_188 = tpu.memref_slice %arg8[%dma_start3A_186, %dma_start3A_187] : memref<10240x128xf32, #tpu.memory_space<vmem_shared>> -> memref<10240x128xf32, #tpu.memory_space<vmem_shared>>
      tpu.enqueue_indirect_dma source(%arg7 : memref<40x128xf32, #tpu.memory_space<vmem>>) target(%dma_start3A_188 : memref<10240x128xf32, #tpu.memory_space<vmem_shared>>) offsets(%dma_start3A_185 : memref<40xi32, #tpu.memory_space<vmem>>) semaphore(%arg12 : memref<!tpu.dma_semaphore, #tpu.memory_space<semaphore_mem>>) {add = true}
      %dma_wait3A_189 = arith.constant 0 : i32
      %dma_wait3A_190 = arith.constant 0 : i32
      %dma_wait3A_191 = tpu.memref_slice %arg5[%dma_wait3A_189, %dma_wait3A_190] : memref<250x40xi32, #tpu.memory_space<vmem>> -> memref<1x40xi32, #tpu.memory_space<vmem>>
      %dma_wait3A_192 = tpu.memref_squeeze %dma_wait3A_191 : memref<1x40xi32, #tpu.memory_space<vmem>> -> memref<40xi32, #tpu.memory_space<vmem>>
      %dma_wait3A_193 = arith.constant 0 : i32
      %dma_wait3A_194 = arith.constant 0 : i32
      %dma_wait3A_195 = tpu.memref_slice %arg8[%dma_wait3A_193, %dma_wait3A_194] : memref<10240x128xf32, #tpu.memory_space<vmem_shared>> -> memref<10240x128xf32, #tpu.memory_space<vmem_shared>>
      tpu.wait_indirect_dma semaphore(%arg11 : memref<!tpu.dma_semaphore, #tpu.memory_space<semaphore_mem>>) src(%arg6 : memref<40x128xf32, #tpu.memory_space<vmem>>) dst(%dma_wait3A_195 : memref<10240x128xf32, #tpu.memory_space<vmem_shared>>)
      %mul3A_196 = arith.constant 2 : i32
      %mul3A_197 = arith.muli %mul3A_196, %scan3A_144 : i32
      %add3A_198 = arith.constant 2 : i32
      %add3A_199 = arith.addi %mul3A_197, %add3A_198 : i32
      %mul3A_200 = arith.constant 40 : i32
      %mul3A_201 = arith.muli %add3A_199, %mul3A_200 : i32
      %add3A_202 = arith.addi %mul3A_42, %mul3A_201 : i32
      %dma_start3A_203 = arith.constant 0 : i32
      %dma_start3A_204 = tpu.memref_slice %arg2[%add3A_202, %dma_start3A_203] : memref<320000x128xf32, #tpu.memory_space<hbm>> -> memref<40x128xf32, #tpu.memory_space<hbm>>
      %dma_start3A_205 = arith.constant 0 : i32
      %dma_start3A_206 = tpu.memref_slice %arg2[%add3A_202, %dma_start3A_205] : memref<320000x128xf32, #tpu.memory_space<hbm>> -> memref<40x128xf32, #tpu.memory_space<hbm>>
      tpu.enqueue_dma source(%dma_start3A_206 : memref<40x128xf32, #tpu.memory_space<hbm>>) target(%arg6 : memref<40x128xf32, #tpu.memory_space<vmem>>) target_semaphore(%arg9 : memref<!tpu.dma_semaphore, #tpu.memory_space<semaphore_mem>>)
    }
    %scan3A_93 = arith.constant 123 : i32
    %dma_wait3A_94 = arith.constant 0 : i32
    %dma_wait3A_95 = tpu.memref_slice %arg2[%mul3A_42, %dma_wait3A_94] : memref<320000x128xf32, #tpu.memory_space<hbm>> -> memref<40x128xf32, #tpu.memory_space<hbm>>
    %dma_wait3A_96 = arith.constant 0 : i32
    %dma_wait3A_97 = tpu.memref_slice %arg2[%mul3A_42, %dma_wait3A_96] : memref<320000x128xf32, #tpu.memory_space<hbm>> -> memref<40x128xf32, #tpu.memory_space<hbm>>
    tpu.wait_dma2 semaphore(%arg9 : memref<!tpu.dma_semaphore, #tpu.memory_space<semaphore_mem>>) src(%dma_wait3A_97 : memref<40x128xf32, #tpu.memory_space<hbm>>) dst(%arg6 : memref<40x128xf32, #tpu.memory_space<vmem>>)
    %dma_start3A_98 = arith.constant 248 : i32
    %dma_start3A_99 = arith.constant 0 : i32
    %dma_start3A_100 = tpu.memref_slice %arg5[%dma_start3A_98, %dma_start3A_99] : memref<250x40xi32, #tpu.memory_space<vmem>> -> memref<1x40xi32, #tpu.memory_space<vmem>>
    %dma_start3A_101 = tpu.memref_squeeze %dma_start3A_100 : memref<1x40xi32, #tpu.memory_space<vmem>> -> memref<40xi32, #tpu.memory_space<vmem>>
    %dma_start3A_102 = arith.constant 0 : i32
    %dma_start3A_103 = arith.constant 0 : i32
    %dma_start3A_104 = tpu.memref_slice %arg8[%dma_start3A_102, %dma_start3A_103] : memref<10240x128xf32, #tpu.memory_space<vmem_shared>> -> memref<10240x128xf32, #tpu.memory_space<vmem_shared>>
    tpu.enqueue_indirect_dma source(%arg6 : memref<40x128xf32, #tpu.memory_space<vmem>>) target(%dma_start3A_104 : memref<10240x128xf32, #tpu.memory_space<vmem_shared>>) offsets(%dma_start3A_101 : memref<40xi32, #tpu.memory_space<vmem>>) semaphore(%arg11 : memref<!tpu.dma_semaphore, #tpu.memory_space<semaphore_mem>>) {add = true}
    %dma_wait3A_105 = arith.constant 0 : i32
    %dma_wait3A_106 = arith.constant 0 : i32
    %dma_wait3A_107 = tpu.memref_slice %arg5[%dma_wait3A_105, %dma_wait3A_106] : memref<250x40xi32, #tpu.memory_space<vmem>> -> memref<1x40xi32, #tpu.memory_space<vmem>>
    %dma_wait3A_108 = tpu.memref_squeeze %dma_wait3A_107 : memref<1x40xi32, #tpu.memory_space<vmem>> -> memref<40xi32, #tpu.memory_space<vmem>>
    %dma_wait3A_109 = arith.constant 0 : i32
    %dma_wait3A_110 = arith.constant 0 : i32
    %dma_wait3A_111 = tpu.memref_slice %arg8[%dma_wait3A_109, %dma_wait3A_110] : memref<10240x128xf32, #tpu.memory_space<vmem_shared>> -> memref<10240x128xf32, #tpu.memory_space<vmem_shared>>
    tpu.wait_indirect_dma semaphore(%arg12 : memref<!tpu.dma_semaphore, #tpu.memory_space<semaphore_mem>>) src(%arg7 : memref<40x128xf32, #tpu.memory_space<vmem>>) dst(%dma_wait3A_111 : memref<10240x128xf32, #tpu.memory_space<vmem_shared>>)
    %add3A_112 = arith.constant 9960 : i32
    %add3A_113 = arith.addi %mul3A_42, %add3A_112 : i32
    %dma_start3A_114 = arith.constant 0 : i32
    %dma_start3A_115 = tpu.memref_slice %arg2[%add3A_113, %dma_start3A_114] : memref<320000x128xf32, #tpu.memory_space<hbm>> -> memref<40x128xf32, #tpu.memory_space<hbm>>
    %dma_start3A_116 = arith.constant 0 : i32
    %dma_start3A_117 = tpu.memref_slice %arg2[%add3A_113, %dma_start3A_116] : memref<320000x128xf32, #tpu.memory_space<hbm>> -> memref<40x128xf32, #tpu.memory_space<hbm>>
    tpu.enqueue_dma source(%dma_start3A_117 : memref<40x128xf32, #tpu.memory_space<hbm>>) target(%arg7 : memref<40x128xf32, #tpu.memory_space<vmem>>) target_semaphore(%arg10 : memref<!tpu.dma_semaphore, #tpu.memory_space<semaphore_mem>>)
    %dma_wait3A_118 = arith.constant 0 : i32
    %dma_wait3A_119 = tpu.memref_slice %arg2[%mul3A_42, %dma_wait3A_118] : memref<320000x128xf32, #tpu.memory_space<hbm>> -> memref<40x128xf32, #tpu.memory_space<hbm>>
    %dma_wait3A_120 = arith.constant 0 : i32
    %dma_wait3A_121 = tpu.memref_slice %arg2[%mul3A_42, %dma_wait3A_120] : memref<320000x128xf32, #tpu.memory_space<hbm>> -> memref<40x128xf32, #tpu.memory_space<hbm>>
    tpu.wait_dma2 semaphore(%arg10 : memref<!tpu.dma_semaphore, #tpu.memory_space<semaphore_mem>>) src(%dma_wait3A_121 : memref<40x128xf32, #tpu.memory_space<hbm>>) dst(%arg7 : memref<40x128xf32, #tpu.memory_space<vmem>>)
    %dma_start3A_122 = arith.constant 249 : i32
    %dma_start3A_123 = arith.constant 0 : i32
    %dma_start3A_124 = tpu.memref_slice %arg5[%dma_start3A_122, %dma_start3A_123] : memref<250x40xi32, #tpu.memory_space<vmem>> -> memref<1x40xi32, #tpu.memory_space<vmem>>
    %dma_start3A_125 = tpu.memref_squeeze %dma_start3A_124 : memref<1x40xi32, #tpu.memory_space<vmem>> -> memref<40xi32, #tpu.memory_space<vmem>>
    %dma_start3A_126 = arith.constant 0 : i32
    %dma_start3A_127 = arith.constant 0 : i32
    %dma_start3A_128 = tpu.memref_slice %arg8[%dma_start3A_126, %dma_start3A_127] : memref<10240x128xf32, #tpu.memory_space<vmem_shared>> -> memref<10240x128xf32, #tpu.memory_space<vmem_shared>>
    tpu.enqueue_indirect_dma source(%arg7 : memref<40x128xf32, #tpu.memory_space<vmem>>) target(%dma_start3A_128 : memref<10240x128xf32, #tpu.memory_space<vmem_shared>>) offsets(%dma_start3A_125 : memref<40xi32, #tpu.memory_space<vmem>>) semaphore(%arg12 : memref<!tpu.dma_semaphore, #tpu.memory_space<semaphore_mem>>) {add = true}
    %dma_wait3A_129 = arith.constant 0 : i32
    %dma_wait3A_130 = arith.constant 0 : i32
    %dma_wait3A_131 = tpu.memref_slice %arg5[%dma_wait3A_129, %dma_wait3A_130] : memref<250x40xi32, #tpu.memory_space<vmem>> -> memref<1x40xi32, #tpu.memory_space<vmem>>
    %dma_wait3A_132 = tpu.memref_squeeze %dma_wait3A_131 : memref<1x40xi32, #tpu.memory_space<vmem>> -> memref<40xi32, #tpu.memory_space<vmem>>
    %dma_wait3A_133 = arith.constant 0 : i32
    %dma_wait3A_134 = arith.constant 0 : i32
    %dma_wait3A_135 = tpu.memref_slice %arg8[%dma_wait3A_133, %dma_wait3A_134] : memref<10240x128xf32, #tpu.memory_space<vmem_shared>> -> memref<10240x128xf32, #tpu.memory_space<vmem_shared>>
    tpu.wait_indirect_dma semaphore(%arg11 : memref<!tpu.dma_semaphore, #tpu.memory_space<semaphore_mem>>) src(%arg6 : memref<40x128xf32, #tpu.memory_space<vmem>>) dst(%dma_wait3A_135 : memref<10240x128xf32, #tpu.memory_space<vmem_shared>>)
    %dma_wait3A_136 = arith.constant 0 : i32
    %dma_wait3A_137 = arith.constant 0 : i32
    %dma_wait3A_138 = tpu.memref_slice %arg5[%dma_wait3A_136, %dma_wait3A_137] : memref<250x40xi32, #tpu.memory_space<vmem>> -> memref<1x40xi32, #tpu.memory_space<vmem>>
    %dma_wait3A_139 = tpu.memref_squeeze %dma_wait3A_138 : memref<1x40xi32, #tpu.memory_space<vmem>> -> memref<40xi32, #tpu.memory_space<vmem>>
    %dma_wait3A_140 = arith.constant 0 : i32
    %dma_wait3A_141 = arith.constant 0 : i32
    %dma_wait3A_142 = tpu.memref_slice %arg8[%dma_wait3A_140, %dma_wait3A_141] : memref<10240x128xf32, #tpu.memory_space<vmem_shared>> -> memref<10240x128xf32, #tpu.memory_space<vmem_shared>>
    tpu.wait_indirect_dma semaphore(%arg12 : memref<!tpu.dma_semaphore, #tpu.memory_space<semaphore_mem>>) src(%arg7 : memref<40x128xf32, #tpu.memory_space<vmem>>) dst(%dma_wait3A_142 : memref<10240x128xf32, #tpu.memory_space<vmem_shared>>)
    %barrier3A_143 = arith.constant 0 : index
    tpu.barrier barrier_id(%barrier3A_143)
    "tpu.region"() ({
      %run_scoped3A = tpu.sem_alloc : memref<!tpu.dma_semaphore, #tpu.memory_space<semaphore_mem>>
      %dma_start3A_144 = arith.constant 0 : i32
      %dma_start3A_145 = tpu.memref_slice %arg4[%arg0, %mul3A_8, %dma_start3A_144] : memref<2x10240x128xf32, #tpu.memory_space<hbm>> -> memref<1x640x128xf32, #tpu.memory_space<hbm>>
      %dma_start3A_146 = tpu.memref_squeeze %dma_start3A_145 : memref<1x640x128xf32, #tpu.memory_space<hbm>> -> memref<640x128xf32, #tpu.memory_space<hbm>>
      %dma_start3A_147 = arith.constant 0 : i32
      %dma_start3A_148 = tpu.memref_slice %arg8[%mul3A_8, %dma_start3A_147] : memref<10240x128xf32, #tpu.memory_space<vmem_shared>> -> memref<640x128xf32, #tpu.memory_space<vmem_shared>>
      tpu.enqueue_dma source(%dma_start3A_148 : memref<640x128xf32, #tpu.memory_space<vmem_shared>>) target(%dma_start3A_146 : memref<640x128xf32, #tpu.memory_space<hbm>>) target_semaphore(%run_scoped3A : memref<!tpu.dma_semaphore, #tpu.memory_space<semaphore_mem>>)
      %dma_wait3A_149 = arith.constant 0 : i32
      %dma_wait3A_150 = tpu.memref_slice %arg4[%arg0, %mul3A_8, %dma_wait3A_149] : memref<2x10240x128xf32, #tpu.memory_space<hbm>> -> memref<1x640x128xf32, #tpu.memory_space<hbm>>
      %dma_wait3A_151 = tpu.memref_squeeze %dma_wait3A_150 : memref<1x640x128xf32, #tpu.memory_space<hbm>> -> memref<640x128xf32, #tpu.memory_space<hbm>>
      %dma_wait3A_152 = arith.constant 0 : i32
      %dma_wait3A_153 = tpu.memref_slice %arg8[%mul3A_8, %dma_wait3A_152] : memref<10240x128xf32, #tpu.memory_space<vmem_shared>> -> memref<640x128xf32, #tpu.memory_space<vmem_shared>>
      tpu.wait_dma2 semaphore(%run_scoped3A : memref<!tpu.dma_semaphore, #tpu.memory_space<semaphore_mem>>) src(%dma_wait3A_153 : memref<640x128xf32, #tpu.memory_space<vmem_shared>>) dst(%dma_wait3A_151 : memref<640x128xf32, #tpu.memory_space<hbm>>)
      tpu.yield
    }) : () -> ()
    return
  }
}

module attributes {stable_mosaic.version = 14 : i64} {
  func.func @_mm_body(%arg0: i32, %arg1: memref<1280x128xf32, #tpu.memory_space<vmem>>, %arg2: memref<128x128xf32, #tpu.memory_space<vmem>>, %arg3: memref<1280x128xf32, #tpu.memory_space<vmem>>) attributes {dimension_semantics = [#tpu.dimension_semantics<arbitrary>], iteration_bounds = array<i64: 8>, scalar_prefetch = 0 : i64, scratch_operands = 0 : i64, tpu.core_type = #tpu.core_type<tc>, window_params = [{transform_indices = @transform_0, window_bounds = array<i64: 1280, 128>}, {pipeline_mode = #tpu.pipeline_mode<synchronous>, transform_indices = @transform_1, window_bounds = array<i64: 128, 128>}, {transform_indices = @transform_2, window_bounds = array<i64: 1280, 128>}]} {
    %get3A = arith.constant 0 : index
    %get3A_0 = arith.constant 0 : index
    %get3A_1 = vector.load %arg1[%get3A, %get3A_0] : memref<1280x128xf32, #tpu.memory_space<vmem>>, vector<1280x128xf32>
    %get3A_2 = arith.constant 0 : index
    %get3A_3 = arith.constant 0 : index
    %get3A_4 = vector.load %arg2[%get3A_2, %get3A_3] : memref<128x128xf32, #tpu.memory_space<vmem>>, vector<128x128xf32>
    %dot_general3A = arith.constant dense<0.000000e+00> : vector<1280x128xf32>
    %dot_general3A_5 = tpu.matmul %get3A_1, %get3A_4, %dot_general3A {dimension_numbers = #tpu.dot_dimension_numbers<[1], [0], [0], [1], [0, 0, 1, 1], [], []>, transpose_lhs_hint = false} : vector<1280x128xf32>, vector<128x128xf32>, vector<1280x128xf32> -> vector<1280x128xf32>
    %swap3A = arith.constant 0 : index
    %swap3A_6 = arith.constant 0 : index
    %swap3A_7 = vector.load %arg3[%swap3A, %swap3A_6] : memref<1280x128xf32, #tpu.memory_space<vmem>>, vector<1280x128xf32>
    tpu.vector_store %arg3[%swap3A, %swap3A_6], %dot_general3A_5 {strides = array<i32>} : memref<1280x128xf32, #tpu.memory_space<vmem>>, vector<1280x128xf32>,
    return
  }
  func.func @transform_0(%arg0: i32) -> (i32, i32) {
    %c0_i32 = arith.constant 0 : i32
    %c0_i32_0 = arith.constant 0 : i32
    return %arg0, %c0_i32 : i32, i32
  }
  func.func @transform_1(%arg0: i32) -> (i32, i32) {
    %c0_i32 = arith.constant 0 : i32
    %c0_i32_0 = arith.constant 0 : i32
    %c0_i32_1 = arith.constant 0 : i32
    return %c0_i32, %c0_i32_0 : i32, i32
  }
  func.func @transform_2(%arg0: i32) -> (i32, i32) {
    %c0_i32 = arith.constant 0 : i32
    %c0_i32_0 = arith.constant 0 : i32
    return %arg0, %c0_i32 : i32, i32
  }
}

module attributes {stable_mosaic.version = 14 : i64} {
  func.func @_edge_mlp_body(%arg0: i32, %arg1: memref<2560x128xf32, #tpu.memory_space<vmem>>, %arg2: memref<2560x16xf32, #tpu.memory_space<vmem>>, %arg3: memref<16x128xf32, #tpu.memory_space<vmem>>, %arg4: memref<1x128xf32, #tpu.memory_space<vmem>>, %arg5: memref<128x128xf32, #tpu.memory_space<vmem>>, %arg6: memref<1x128xf32, #tpu.memory_space<vmem>>, %arg7: memref<2560x128xf32, #tpu.memory_space<vmem>>) attributes {dimension_semantics = [#tpu.dimension_semantics<arbitrary>], iteration_bounds = array<i64: 125>, scalar_prefetch = 0 : i64, scratch_operands = 0 : i64, tpu.core_type = #tpu.core_type<tc>, window_params = [{transform_indices = @transform_0, window_bounds = array<i64: 2560, 128>}, {transform_indices = @transform_1, window_bounds = array<i64: 2560, 16>}, {pipeline_mode = #tpu.pipeline_mode<synchronous>, transform_indices = @transform_2, window_bounds = array<i64: 16, 128>}, {pipeline_mode = #tpu.pipeline_mode<synchronous>, transform_indices = @transform_3, window_bounds = array<i64: 1, 128>}, {pipeline_mode = #tpu.pipeline_mode<synchronous>, transform_indices = @transform_4, window_bounds = array<i64: 128, 128>}, {pipeline_mode = #tpu.pipeline_mode<synchronous>, transform_indices = @transform_5, window_bounds = array<i64: 1, 128>}, {transform_indices = @transform_6, window_bounds = array<i64: 2560, 128>}]} {
    %get3A = arith.constant 0 : index
    %get3A_0 = arith.constant 0 : index
    %get3A_1 = vector.load %arg1[%get3A, %get3A_0] : memref<2560x128xf32, #tpu.memory_space<vmem>>, vector<2560x128xf32>
    %get3A_2 = arith.constant 0 : index
    %get3A_3 = arith.constant 0 : index
    %get3A_4 = vector.load %arg2[%get3A_2, %get3A_3] : memref<2560x16xf32, #tpu.memory_space<vmem>>, vector<2560x16xf32>
    %get3A_5 = arith.constant 0 : index
    %get3A_6 = arith.constant 0 : index
    %get3A_7 = vector.load %arg3[%get3A_5, %get3A_6] : memref<16x128xf32, #tpu.memory_space<vmem>>, vector<16x128xf32>
    %dot_general3A = arith.constant dense<0.000000e+00> : vector<2560x128xf32>
    %dot_general3A_8 = tpu.matmul %get3A_4, %get3A_7, %dot_general3A {dimension_numbers = #tpu.dot_dimension_numbers<[1], [0], [0], [1], [0, 0, 1, 1], [], []>, transpose_lhs_hint = false} : vector<2560x16xf32>, vector<16x128xf32>, vector<2560x128xf32> -> vector<2560x128xf32>
    %add3A = arith.addf %get3A_1, %dot_general3A_8 : vector<2560x128xf32>
    %get3A_9 = arith.constant 0 : index
    %get3A_10 = arith.constant 0 : index
    %get3A_11 = vector.load %arg4[%get3A_9, %get3A_10] : memref<1x128xf32, #tpu.memory_space<vmem>>, vector<1x128xf32>
    %add3A_12 = vector.broadcast %get3A_11 : vector<1x128xf32> to vector<2560x128xf32>
    %add3A_13 = arith.addf %add3A, %add3A_12 : vector<2560x128xf32>
    %max3A = arith.constant 0.000000e+00 : f32
    %max3A_14 = vector.broadcast %max3A : f32 to vector<2560x128xf32>
    %max3A_15 = arith.maximumf %add3A_13, %max3A_14 : vector<2560x128xf32>
    %get3A_16 = arith.constant 0 : index
    %get3A_17 = arith.constant 0 : index
    %get3A_18 = vector.load %arg5[%get3A_16, %get3A_17] : memref<128x128xf32, #tpu.memory_space<vmem>>, vector<128x128xf32>
    %dot_general3A_19 = arith.constant dense<0.000000e+00> : vector<2560x128xf32>
    %dot_general3A_20 = tpu.matmul %max3A_15, %get3A_18, %dot_general3A_19 {dimension_numbers = #tpu.dot_dimension_numbers<[1], [0], [0], [1], [0, 0, 1, 1], [], []>, transpose_lhs_hint = false} : vector<2560x128xf32>, vector<128x128xf32>, vector<2560x128xf32> -> vector<2560x128xf32>
    %get3A_21 = arith.constant 0 : index
    %get3A_22 = arith.constant 0 : index
    %get3A_23 = vector.load %arg6[%get3A_21, %get3A_22] : memref<1x128xf32, #tpu.memory_space<vmem>>, vector<1x128xf32>
    %add3A_24 = vector.broadcast %get3A_23 : vector<1x128xf32> to vector<2560x128xf32>
    %add3A_25 = arith.addf %dot_general3A_20, %add3A_24 : vector<2560x128xf32>
    %max3A_26 = arith.constant 0.000000e+00 : f32
    %max3A_27 = vector.broadcast %max3A_26 : f32 to vector<2560x128xf32>
    %max3A_28 = arith.maximumf %add3A_25, %max3A_27 : vector<2560x128xf32>
    %swap3A = arith.constant 0 : index
    %swap3A_29 = arith.constant 0 : index
    %swap3A_30 = vector.load %arg7[%swap3A, %swap3A_29] : memref<2560x128xf32, #tpu.memory_space<vmem>>, vector<2560x128xf32>
    tpu.vector_store %arg7[%swap3A, %swap3A_29], %max3A_28 {strides = array<i32>} : memref<2560x128xf32, #tpu.memory_space<vmem>>, vector<2560x128xf32>,
    return
  }
  func.func @transform_0(%arg0: i32) -> (i32, i32) {
    %c0_i32 = arith.constant 0 : i32
    %c0_i32_0 = arith.constant 0 : i32
    return %arg0, %c0_i32 : i32, i32
  }
  func.func @transform_1(%arg0: i32) -> (i32, i32) {
    %c0_i32 = arith.constant 0 : i32
    %c0_i32_0 = arith.constant 0 : i32
    return %arg0, %c0_i32 : i32, i32
  }
  func.func @transform_2(%arg0: i32) -> (i32, i32) {
    %c0_i32 = arith.constant 0 : i32
    %c0_i32_0 = arith.constant 0 : i32
    %c0_i32_1 = arith.constant 0 : i32
    return %c0_i32, %c0_i32_0 : i32, i32
  }
  func.func @transform_3(%arg0: i32) -> (i32, i32) {
    %c0_i32 = arith.constant 0 : i32
    %c0_i32_0 = arith.constant 0 : i32
    %c0_i32_1 = arith.constant 0 : i32
    return %c0_i32, %c0_i32_0 : i32, i32
  }
  func.func @transform_4(%arg0: i32) -> (i32, i32) {
    %c0_i32 = arith.constant 0 : i32
    %c0_i32_0 = arith.constant 0 : i32
    %c0_i32_1 = arith.constant 0 : i32
    return %c0_i32, %c0_i32_0 : i32, i32
  }
  func.func @transform_5(%arg0: i32) -> (i32, i32) {
    %c0_i32 = arith.constant 0 : i32
    %c0_i32_0 = arith.constant 0 : i32
    %c0_i32_1 = arith.constant 0 : i32
    return %c0_i32, %c0_i32_0 : i32, i32
  }
  func.func @transform_6(%arg0: i32) -> (i32, i32) {
    %c0_i32 = arith.constant 0 : i32
    %c0_i32_0 = arith.constant 0 : i32
    return %arg0, %c0_i32 : i32, i32
  }
}

module attributes {stable_mosaic.version = 14 : i64} {
  func.func @_node_mlp_body(%arg0: i32, %arg1: memref<2000x128xf32, #tpu.memory_space<vmem>>, %arg2: memref<1x2000x128xf32, #tpu.memory_space<vmem>>, %arg3: memref<1x2000x128xf32, #tpu.memory_space<vmem>>, %arg4: memref<1x2000x128xf32, #tpu.memory_space<vmem>>, %arg5: memref<1x2000x128xf32, #tpu.memory_space<vmem>>, %arg6: memref<128x128xf32, #tpu.memory_space<vmem>>, %arg7: memref<128x128xf32, #tpu.memory_space<vmem>>, %arg8: memref<1x128xf32, #tpu.memory_space<vmem>>, %arg9: memref<128x128xf32, #tpu.memory_space<vmem>>, %arg10: memref<1x128xf32, #tpu.memory_space<vmem>>, %arg11: memref<2000x128xf32, #tpu.memory_space<vmem>>) attributes {dimension_semantics = [#tpu.dimension_semantics<arbitrary>], iteration_bounds = array<i64: 5>, scalar_prefetch = 0 : i64, scratch_operands = 0 : i64, tpu.core_type = #tpu.core_type<tc>, window_params = [{transform_indices = @transform_0, window_bounds = array<i64: 2000, 128>}, {transform_indices = @transform_1, window_bounds = array<i64: 1, 2000, 128>}, {transform_indices = @transform_2, window_bounds = array<i64: 1, 2000, 128>}, {transform_indices = @transform_3, window_bounds = array<i64: 1, 2000, 128>}, {transform_indices = @transform_4, window_bounds = array<i64: 1, 2000, 128>}, {pipeline_mode = #tpu.pipeline_mode<synchronous>, transform_indices = @transform_5, window_bounds = array<i64: 128, 128>}, {pipeline_mode = #tpu.pipeline_mode<synchronous>, transform_indices = @transform_6, window_bounds = array<i64: 128, 128>}, {pipeline_mode = #tpu.pipeline_mode<synchronous>, transform_indices = @transform_7, window_bounds = array<i64: 1, 128>}, {pipeline_mode = #tpu.pipeline_mode<synchronous>, transform_indices = @transform_8, window_bounds = array<i64: 128, 128>}, {pipeline_mode = #tpu.pipeline_mode<synchronous>, transform_indices = @transform_9, window_bounds = array<i64: 1, 128>}, {transform_indices = @transform_10, window_bounds = array<i64: 2000, 128>}]} {
    %get3A = arith.constant 0 : index
    %get3A_0 = arith.constant 0 : index
    %get3A_1 = arith.constant 0 : index
    %get3A_2 = vector.load %arg4[%get3A, %get3A_0, %get3A_1] : memref<1x2000x128xf32, #tpu.memory_space<vmem>>, vector<1x2000x1xf32>
    %get3A_3 = vector.shape_cast %get3A_2 : vector<1x2000x1xf32> to vector<2000x1xf32>
    %get3A_4 = arith.constant 0 : index
    %get3A_5 = arith.constant 0 : index
    %get3A_6 = arith.constant 0 : index
    %get3A_7 = vector.load %arg5[%get3A_4, %get3A_5, %get3A_6] : memref<1x2000x128xf32, #tpu.memory_space<vmem>>, vector<1x2000x1xf32>
    %get3A_8 = vector.shape_cast %get3A_7 : vector<1x2000x1xf32> to vector<2000x1xf32>
    %add3A = arith.addf %get3A_3, %get3A_8 : vector<2000x1xf32>
    %get3A_9 = arith.constant 0 : index
    %get3A_10 = arith.constant 0 : index
    %get3A_11 = arith.constant 0 : index
    %get3A_12 = vector.load %arg2[%get3A_9, %get3A_10, %get3A_11] : memref<1x2000x128xf32, #tpu.memory_space<vmem>>, vector<1x2000x128xf32>
    %get3A_13 = vector.shape_cast %get3A_12 : vector<1x2000x128xf32> to vector<2000x128xf32>
    %get3A_14 = arith.constant 0 : index
    %get3A_15 = arith.constant 0 : index
    %get3A_16 = arith.constant 0 : index
    %get3A_17 = vector.load %arg3[%get3A_14, %get3A_15, %get3A_16] : memref<1x2000x128xf32, #tpu.memory_space<vmem>>, vector<1x2000x128xf32>
    %get3A_18 = vector.shape_cast %get3A_17 : vector<1x2000x128xf32> to vector<2000x128xf32>
    %add3A_19 = arith.addf %get3A_13, %get3A_18 : vector<2000x128xf32>
    %max3A = arith.constant 1.000000e+00 : f32
    %max3A_20 = vector.broadcast %max3A : f32 to vector<2000x1xf32>
    %max3A_21 = arith.maximumf %add3A, %max3A_20 : vector<2000x1xf32>
    %div3A = vector.broadcast %max3A_21 : vector<2000x1xf32> to vector<2000x128xf32>
    %div3A_22 = arith.divf %add3A_19, %div3A : vector<2000x128xf32>
    %get3A_23 = arith.constant 0 : index
    %get3A_24 = arith.constant 0 : index
    %get3A_25 = vector.load %arg1[%get3A_23, %get3A_24] : memref<2000x128xf32, #tpu.memory_space<vmem>>, vector<2000x128xf32>
    %get3A_26 = arith.constant 0 : index
    %get3A_27 = arith.constant 0 : index
    %get3A_28 = vector.load %arg6[%get3A_26, %get3A_27] : memref<128x128xf32, #tpu.memory_space<vmem>>, vector<128x128xf32>
    %dot_general3A = arith.constant dense<0.000000e+00> : vector<2000x128xf32>
    %dot_general3A_29 = tpu.matmul %get3A_25, %get3A_28, %dot_general3A {dimension_numbers = #tpu.dot_dimension_numbers<[1], [0], [0], [1], [0, 0, 1, 1], [], []>, transpose_lhs_hint = false} : vector<2000x128xf32>, vector<128x128xf32>, vector<2000x128xf32> -> vector<2000x128xf32>
    %get3A_30 = arith.constant 0 : index
    %get3A_31 = arith.constant 0 : index
    %get3A_32 = vector.load %arg7[%get3A_30, %get3A_31] : memref<128x128xf32, #tpu.memory_space<vmem>>, vector<128x128xf32>
    %dot_general3A_33 = arith.constant dense<0.000000e+00> : vector<2000x128xf32>
    %dot_general3A_34 = tpu.matmul %div3A_22, %get3A_32, %dot_general3A_33 {dimension_numbers = #tpu.dot_dimension_numbers<[1], [0], [0], [1], [0, 0, 1, 1], [], []>, transpose_lhs_hint = false} : vector<2000x128xf32>, vector<128x128xf32>, vector<2000x128xf32> -> vector<2000x128xf32>
    %add3A_35 = arith.addf %dot_general3A_29, %dot_general3A_34 : vector<2000x128xf32>
    %get3A_36 = arith.constant 0 : index
    %get3A_37 = arith.constant 0 : index
    %get3A_38 = vector.load %arg8[%get3A_36, %get3A_37] : memref<1x128xf32, #tpu.memory_space<vmem>>, vector<1x128xf32>
    %add3A_39 = vector.broadcast %get3A_38 : vector<1x128xf32> to vector<2000x128xf32>
    %add3A_40 = arith.addf %add3A_35, %add3A_39 : vector<2000x128xf32>
    %max3A_41 = arith.constant 0.000000e+00 : f32
    %max3A_42 = vector.broadcast %max3A_41 : f32 to vector<2000x128xf32>
    %max3A_43 = arith.maximumf %add3A_40, %max3A_42 : vector<2000x128xf32>
    %get3A_44 = arith.constant 0 : index
    %get3A_45 = arith.constant 0 : index
    %get3A_46 = vector.load %arg9[%get3A_44, %get3A_45] : memref<128x128xf32, #tpu.memory_space<vmem>>, vector<128x128xf32>
    %dot_general3A_47 = arith.constant dense<0.000000e+00> : vector<2000x128xf32>
    %dot_general3A_48 = tpu.matmul %max3A_43, %get3A_46, %dot_general3A_47 {dimension_numbers = #tpu.dot_dimension_numbers<[1], [0], [0], [1], [0, 0, 1, 1], [], []>, transpose_lhs_hint = false} : vector<2000x128xf32>, vector<128x128xf32>, vector<2000x128xf32> -> vector<2000x128xf32>
    %get3A_49 = arith.constant 0 : index
    %get3A_50 = arith.constant 0 : index
    %get3A_51 = vector.load %arg10[%get3A_49, %get3A_50] : memref<1x128xf32, #tpu.memory_space<vmem>>, vector<1x128xf32>
    %add3A_52 = vector.broadcast %get3A_51 : vector<1x128xf32> to vector<2000x128xf32>
    %add3A_53 = arith.addf %dot_general3A_48, %add3A_52 : vector<2000x128xf32>
    %swap3A = arith.constant 0 : index
    %swap3A_54 = arith.constant 0 : index
    %swap3A_55 = vector.load %arg11[%swap3A, %swap3A_54] : memref<2000x128xf32, #tpu.memory_space<vmem>>, vector<2000x128xf32>
    tpu.vector_store %arg11[%swap3A, %swap3A_54], %add3A_53 {strides = array<i32>} : memref<2000x128xf32, #tpu.memory_space<vmem>>, vector<2000x128xf32>,
    return
  }
  func.func @transform_0(%arg0: i32) -> (i32, i32) {
    %c0_i32 = arith.constant 0 : i32
    %c0_i32_0 = arith.constant 0 : i32
    return %arg0, %c0_i32 : i32, i32
  }
  func.func @transform_1(%arg0: i32) -> (i32, i32, i32) {
    %c0_i32 = arith.constant 0 : i32
    %c0_i32_0 = arith.constant 0 : i32
    %c0_i32_1 = arith.constant 0 : i32
    return %c0_i32, %arg0, %c0_i32_0 : i32, i32, i32
  }
  func.func @transform_2(%arg0: i32) -> (i32, i32, i32) {
    %c1_i32 = arith.constant 1 : i32
    %c0_i32 = arith.constant 0 : i32
    %c0_i32_0 = arith.constant 0 : i32
    return %c1_i32, %arg0, %c0_i32 : i32, i32, i32
  }
  func.func @transform_3(%arg0: i32) -> (i32, i32, i32) {
    %c0_i32 = arith.constant 0 : i32
    %c0_i32_0 = arith.constant 0 : i32
    %c0_i32_1 = arith.constant 0 : i32
    return %c0_i32, %arg0, %c0_i32_0 : i32, i32, i32
  }
  func.func @transform_4(%arg0: i32) -> (i32, i32, i32) {
    %c1_i32 = arith.constant 1 : i32
    %c0_i32 = arith.constant 0 : i32
    %c0_i32_0 = arith.constant 0 : i32
    return %c1_i32, %arg0, %c0_i32 : i32, i32, i32
  }
  func.func @transform_5(%arg0: i32) -> (i32, i32) {
    %c0_i32 = arith.constant 0 : i32
    %c0_i32_0 = arith.constant 0 : i32
    %c0_i32_1 = arith.constant 0 : i32
    return %c0_i32, %c0_i32_0 : i32, i32
  }
  func.func @transform_6(%arg0: i32) -> (i32, i32) {
    %c0_i32 = arith.constant 0 : i32
    %c0_i32_0 = arith.constant 0 : i32
    %c0_i32_1 = arith.constant 0 : i32
    return %c0_i32, %c0_i32_0 : i32, i32
  }
  func.func @transform_7(%arg0: i32) -> (i32, i32) {
    %c0_i32 = arith.constant 0 : i32
    %c0_i32_0 = arith.constant 0 : i32
    %c0_i32_1 = arith.constant 0 : i32
    return %c0_i32, %c0_i32_0 : i32, i32
  }
  func.func @transform_8(%arg0: i32) -> (i32, i32) {
    %c0_i32 = arith.constant 0 : i32
    %c0_i32_0 = arith.constant 0 : i32
    %c0_i32_1 = arith.constant 0 : i32
    return %c0_i32, %c0_i32_0 : i32, i32
  }
  func.func @transform_9(%arg0: i32) -> (i32, i32) {
    %c0_i32 = arith.constant 0 : i32
    %c0_i32_0 = arith.constant 0 : i32
    %c0_i32_1 = arith.constant 0 : i32
    return %c0_i32, %c0_i32_0 : i32, i32
  }
  func.func @transform_10(%arg0: i32) -> (i32, i32) {
    %c0_i32 = arith.constant 0 : i32
    %c0_i32_0 = arith.constant 0 : i32
    return %arg0, %c0_i32 : i32, i32
  }
}

</mosaic_0001>

<sc_bundles>
// kernel: kernel.11.cloned.1.call-start
scs
__scs_entry_jumppad:
0x0: {  	(pc) =	sbr.rel $0x88, $3  }
0x1: {  	(tag) =	ssettag $0x0;
	lr =	simm.s32 $0x1  }
0x2: {  	[smem:$0x3F96] =	sst lr;
	_ =	strace $0xD0000000  }
0x3: {  	_ = 	snop  }
0x4: {  	_ = 	snop  }
0x5: {  	_ = 	snop  }
0x6: {  	_ = 	snop  }
0x7: {  	_ = 	snop  }
__scs_overlays_trampoline_lowered:
0x8: {  	[smem:$0x3FA5] =	sst s0  }
0x9: {  	[smem:$0x3FA6] =	sst s1  }
0xa: {  	[smem:$0x3FA7] =	sst s2  }
0xb: {  	[smem:$0x3FA8] =	sst s3  }
0xc: {  	[smem:$0x3FA9] =	sst s4  }
0xd: {  	[smem:$0x3FAA] =	sst s5  }
0xe: {  	[smem:$0x3FAB] =	sst s6  }
0xf: {  	[smem:$0x3FAC] =	sst s7  }
0x10: {  	[smem:$0x3FAD] =	sst s8  }
0x11: {  	[smem:$0x3FAE] =	sst s9;
	s0 =	simm.s32 @!p0 $0x0  }
0x12: {  	s1 =	sld [smem:$0x3F94];
	s0 =	simm.s32 @p0 $0x1  }
0x13: {  	[smem:$0x3FAF] =	sst s0;
	s0 =	simm.s32 @!p1 $0x0  }
0x14: {  	s2 =	sld [smem:$0x3F93];
	s0 =	simm.s32 @p1 $0x1  }
0x15: {  	[smem:$0x3FB0] =	sst s0;
	s0 =	simm.s32 @!p2 $0x0  }
0x16: {  	s3 =	sld [smem:$0x3FDB];
	s0 =	simm.s32 @p2 $0x1  }
0x17: {  	s4 =	simm.s32 $0x1BF5;
	[smem:$0x3FB2] =	sst s0  }
0x18: {  	s0 =	sld [smem:$0x3F95];
	_ =	swait.ge [sflag:s4], $0x0  }
0x19: {  	s7 =	sld [smem:$0x3F96]  }
0x1a: {  	s8 =	sadd.s32 $0xFFFFE003, lr  }
0x1b: {  	s9 =	sadd.s32 $0xFFFFFEF7, lr;
	s5 =	simm.s32 $0xFFFFFFFF;
	p2 =	slt.u32 s8, $0xFFFFF086  }
0x1c: {  	p1 =	slt.u32 s9, $0xF7A;
	s5 =	simm.s32 @!p2 $0x0  }
0x1d: {  	s5 =	simm.s32 @p1 $0x1;
	p0 =	seq.s32 s7, s2  }
0x1e: {  	s7 =	smul.u32 @!p0 $0xF7A, s2;
	p2 =	seq.s32 @!p0 s5, $0x0  }
0x1f: {  	s9 =	smul.u32 $0xF7A, s1;
	s8 =	simm.s32 @!p0 $0x1BF5;
	p2 =	por !p2, p0  }
0x20: {  	[sflag:s8] =	ssyncset.s32 @!p0 $0xFFFFF086;
	s6 =	sadd.s32 @!p0 s3, s7;
	s7 =	simm.s32 @!p0 $0x108  }
0x21: {  	s3 =	sadd.s32 s3, s9;
	s6 =	sadd.s32 @!p0 $0x88, s6;
	s7 =	simm.s32 @p2 $0x1082  }
0x22: {  	[simem:s7], [sflag:s8] =	dma.local @!p0 [hbm:s6], $0xF7A  }
0x23: {  	s9 =	sor.u32 $0xD0000000, s2;
	s6 =	simm.s32 $0x108;
	_ =	swait.ge @!p0 [sflag:s8], $0x0  }
0x24: {  	s3 =	sadd.s32 $0x88, s3;
	s6 =	simm.s32 @!p1 $0x1082;
	[sflag:s4] =	ssyncset.s32 $0xFFFFF086  }
0x25: {  	[simem:s6], [sflag:s4] =	dma.local [hbm:s3], $0xF7A  }
0x26: {  	[smem:$0x3F96] =	sst s1;
	(tag) =	ssettag s2;
	_ =	strace s9  }
0x27: {  	s1 =	sld [smem:$0x3FA6]  }
0x28: {  	s2 =	sld [smem:$0x3FA7]  }
0x29: {  	s4 =	sld [smem:$0x3FA9]  }
0x2a: {  	p0 =	seq.s32 s5, $0x0;
	s5 =	sld [smem:$0x3FAA]  }
0x2b: {  	s6 =	sld [smem:$0x3FAB]  }
0x2c: {  	s7 =	sld [smem:$0x3FAC]  }
0x2d: {  	s3 =	simm.s32 $0x108;
	s8 =	sld [smem:$0x3FAD]  }
0x2e: {  	s3 =	simm.s32 @!p0 $0x1082;
	s9 =	sld [smem:$0x3FAE]  }
0x2f: {  	lr =	sadd.s32 s0, s3;
	s0 =	sld [smem:$0x3FA5]  }
0x30: {  	s3 =	sld [smem:$0x3FA8]  }
0x31: {  	[smem:$0x3FB1] =	sst s10  }
0x32: {  	s10 =	sld [smem:$0x3FAF];
	_ =	sdelay $0x3  }
0x33: {  	p0 =	seq.s32 s10, $0x1;
	s10 =	sld [smem:$0x3FB1];
	_ =	sdelay $0x3  }
0x34: {  	[smem:$0x3FB1] =	sst s10  }
0x35: {  	s10 =	sld [smem:$0x3FB0];
	_ =	sdelay $0x3  }
0x36: {  	p1 =	seq.s32 s10, $0x1;
	s10 =	sld [smem:$0x3FB1];
	_ =	sdelay $0x3  }
0x37: {  	[smem:$0x3FB1] =	sst s10  }
0x38: {  	s10 =	sld [smem:$0x3FB2]  }
0x39: {  	_ = 	snop;
	(pc) =	sbr.ind lr, $3  }
0x3a: {  	_ = 	snop  }
0x3b: {  	_ = 	snop  }
0x3c: {  	p2 =	seq.s32 s10, $0x1;
	s10 =	sld [smem:$0x3FB1]  }
0x3d: {  	_ =	shalt  }
0x3e: {  	_ =	shalt  }
0x3f: {  	_ =	shalt  }
0x40: {  	_ =	shalt  }
0x41: {  	_ =	shalt  }
0x42: {  	_ =	shalt  }
0x43: {  	_ =	shalt  }
0x44: {  	_ =	shalt  }
0x45: {  	_ =	shalt  }
0x46: {  	_ =	shalt  }
0x47: {  	_ =	shalt  }
0x48: {  	_ =	shalt  }
0x49: {  	_ =	shalt  }
0x4a: {  	_ =	shalt  }
0x4b: {  	_ =	shalt  }
0x4c: {  	_ =	shalt  }
0x4d: {  	_ =	shalt  }
0x4e: {  	_ =	shalt  }
0x4f: {  	_ =	shalt  }
0x50: {  	_ =	shalt  }
0x51: {  	_ =	shalt  }
0x52: {  	_ =	shalt  }
0x53: {  	_ =	shalt  }
0x54: {  	_ =	shalt  }
0x55: {  	_ =	shalt  }
0x56: {  	_ =	shalt  }
0x57: {  	_ =	shalt  }
0x58: {  	_ =	shalt  }
0x59: {  	_ =	shalt  }
0x5a: {  	_ =	shalt  }
0x5b: {  	_ =	shalt  }
0x5c: {  	_ =	shalt  }
0x5d: {  	_ =	shalt  }
0x5e: {  	_ =	shalt  }
0x5f: {  	_ =	shalt  }
0x60: {  	_ =	shalt  }
0x61: {  	_ =	shalt  }
0x62: {  	_ =	shalt  }
0x63: {  	_ =	shalt  }
0x64: {  	_ =	shalt  }
0x65: {  	_ =	shalt  }
0x66: {  	_ =	shalt  }
0x67: {  	_ =	shalt  }
0x68: {  	_ =	shalt  }
0x69: {  	_ =	shalt  }
0x6a: {  	_ =	shalt  }
0x6b: {  	_ =	shalt  }
0x6c: {  	_ =	shalt  }
0x6d: {  	_ =	shalt  }
0x6e: {  	_ =	shalt  }
0x6f: {  	_ =	shalt  }
0x70: {  	_ =	shalt  }
0x71: {  	_ =	shalt  }
0x72: {  	_ =	shalt  }
0x73: {  	_ =	shalt  }
0x74: {  	_ =	shalt  }
0x75: {  	_ =	shalt  }
0x76: {  	_ =	shalt  }
0x77: {  	_ =	shalt  }
0x78: {  	_ =	shalt  }
0x79: {  	_ =	shalt  }
0x7a: {  	_ =	shalt  }
0x7b: {  	_ =	shalt  }
0x7c: {  	_ =	shalt  }
0x7d: {  	_ =	shalt  }
0x7e: {  	_ =	shalt  }
0x7f: {  	_ =	shalt  }
0x80: {  	_ =	shalt  }
0x81: {  	_ =	shalt  }
0x82: {  	_ =	shalt  }
0x83: {  	_ =	shalt  }
0x84: {  	_ =	shalt  }
0x85: {  	_ =	shalt  }
0x86: {  	_ =	shalt  }
0x87: {  	_ =	shalt  }
.Lfunc_end0:
.L_simem_size_0:
called_computation.1_lowered:
.L_overlay_start_0:
0x88: {  	s2 =	sld [smem:$0x3FD9]  }
0x89: {  	s3 =	sld [smem:$0x3FFE];
	_ =	sdelay $0x1  }
0x8a: {  	s1 =	srdreg.scid  }
0x8b: {  	s0 =	sand.u32 $0x1, s1  }
0x8c: {  	s17 =	sshll.u32 s0, $0xA;
	s2 =	sadd.s32 s3, s2  }
0x8d: {  	s2 =	sadd.s32 s2, s17  }
0x8e: {  	[smem:$0x3FBD] =	sst s2  }
0x8f: {  	_ = 	snop  }
0x90: {  	(tm) =	ssettm $0x1  }
0x91: {  	s18 =	sld [smem:$0x3FFB];
	_ =	sdelay $0x3  }
0x92: {  	_ =	strace s18  }
0x93: {  	s2 =	sld [smem:$0x3FFC];
	_ =	sdelay $0x3  }
0x94: {  	_ =	strace s2  }
0x95: {  	s2 =	sld [smem:$0x3FFD];
	_ =	sdelay $0x3  }
0x96: {  	_ =	strace s2  }
0x97: {  	_ =	strace $0x8FFFFFFF  }
0x98: {  	s19 =	sld [smem:$0x3FDB];
	_ =	sdelay $0x1  }
0x99: {  	s20 =	simm.s32 $_scs_section_size  }
0x9a: {  	s4 =	simm.s32 $_size__tile_overlayer_lowered;
	s5 =	simm.s32 $_tile_overlayer_lowered  }
0x9b: {  	s6 =	simm.s32 $0x1BFF;
	s21 =	sshll.u32 s5, $0x1;
	s3 =	sadd.s32 s20, s19  }
0x9c: {  	s22 =	simm.s32 $0x0;
	s4 =	sshll.u32 s4, $0x1;
	s5 =	sadd.s32 s21, s3  }
0x9d: {  	[timem:s22], [sflag:s6] =	dma.local [hbm:s5], s4  }
0x9e: {  	_ =	swait.ge [sflag:s6], s4  }
0x9f: {  	s4 =	ssub.s32 $0x0, s4;
	[sflag:s6] =	ssyncset.done $0x0  }
0xa0: {  	[sflag:s6] =	ssyncadd.s32 s4;
	_ =	sdelay $0x1  }
0xa1: {  	s23 =	simm.s32 $0x1B8B  }
0xa2: {  	_ =	swait.ge [sflag:s23], $0x1  }
0xa3: {  	[sflag:s23] =	ssyncset.done $0x0  }
0xa4: {  	[sflag:s23] =	ssyncadd.s32 $0xFFFFFFFF  }
0xa5: {  	s4 =	sld [smem:$0x0]  }
0xa6: {  	s5 =	sand.u32 $0xFFFFFFFE, s1  }
0xa7: {  	p0 =	sne.s32 s1, s5  }
0xa8: {  	s5 =	sshll.u32 @p0 s5, $0xE  }
0xa9: {  	s5 =	sadd.s32 @p0 $0x11B8D, s5;
	s6 =	sshll.u32 @p0 s4, $0x11  }
0xaa: {  	s5 =	sor.u32 @p0 s6, s5  }
0xab: {  	[sflag:s5] =	ssyncadd.remote.s32 @p0 $0x1;
	_ =	sdelay $0x1  }
0xac: {  	s5 =	simm.s32 @p0 $0x1B8D  }
0xad: {  	_ =	swait.eq @p0 [sflag:s5], $0x1  }
0xae: {  	[sflag:s5] =	ssyncadd.s32 @p0 $0xFFFFFFFF  }
0xaf: {  	s6 =	sshll.u32 @!p0 s1, $0xE  }
0xb0: {  	s6 =	sor.u32 @!p0 $0x4000, s6;
	s5 =	simm.s32 @!p0 $0x1B8D  }
0xb1: {  	s4 =	sshll.u32 @!p0 s4, $0x11;
	s6 =	sadd.s32 @!p0 $0x11B8D, s6;
	_ =	swait.eq @!p0 [sflag:s5], $0x1  }
0xb2: {  	s4 =	sor.u32 @!p0 s4, s6;
	[sflag:s5] =	ssyncadd.s32 @!p0 $0xFFFFFFFF  }
0xb3: {  	s25 =	simm.s32 $0x1B8E;
	s24 =	sld [smem:$0x3FFE];
	[sflag:s4] =	ssyncadd.remote.s32 @!p0 $0x1  }
0xb4: {  	s26 =	simm.s32 $execute0_lowered;
	[smem:$0x3FD2] =	sst s25  }
0xb5: {  	s5 =	sshll.u32 s26, $0x1;
	_ =	strace $0x80000049;
	[dreg:$0x1] =	wrdreg $0xFFFFFFFF  }
0xb6: {  	s28 =	simm.s32 $_size_execute0_lowered;
	s3 =	sadd.s32 s3, s5;
	[dreg:$0x0] =	wrdreg $0x0  }
0xb7: {  	s5 =	sshll.u32 s28, $0x1;
	[dreg:$0x2] =	wrdreg s3  }
0xb8: {  	[dreg:$0x3] =	wrdreg s5  }
0xb9: {  	[dreg:$0x4] =	wrdreg $0xC0  }
0xba: {  	_ =	task [dreg:s22], $0x5FFFF  }
0xbb: {  	[dreg:$0x1] =	wrdreg $0xFFFFFFFF  }
0xbc: {  	[dreg:$0x0] =	wrdreg $0x60  }
0xbd: {  	[dreg:$0x2] =	wrdreg s24  }
0xbe: {  	[dreg:$0x3] =	wrdreg $0x68000  }
0xbf: {  	[dreg:$0x4] =	wrdreg $0x9  }
0xc0: {  	_ =	task.clear_ibuf [dreg:s22], $0x5FFFF;
	_ =	strace $0x90000049  }
0xc1: {  	s29 =	simm.s32 $0x9;
	_ =	strace $0x8000004B  }
0xc2: {  	_ =	swait.ge [sflag:s29], $0x1  }
0xc3: {  	[sflag:s29] =	ssyncadd.s32 $0xFFFFFFFF  }
0xc4: {  	_ =	strace $0x9000004B  }
0xc5: {  	_ =	sfence  }
0xc6: {  	s30 =	sld [smem:$0x0];
	_ =	sdelay $0x2  }
0xc7: {  	s31 =	sshll.u32 s1, $0xD;
	s1 =	sshrl.u32 s1, $0x2  }
0xc8: {  	s4 =	sand.u32 $0x4000, s31;
	s1 =	sadd.s32 s1, s30  }
0xc9: {  	s0 =	sor.u32 s4, s0;
	s1 =	sshll.u32 s1, $0x11  }
0xca: {  	s0 =	sor.u32 s1, s0  }
0xcb: {  	s0 =	sadd.s32 $0x8F2B, s0  }
0xcc: {  	[sflag:s0] =	ssyncadd.remote.s32 $0x1  }
0xcd: {  	_ =	sfence.sel $0xFFFF  }
0xce: {  	[dreg:$0x0] =	wrdreg $0xFFFFFFFF;
	(pc) =	sbr.abs _section_cstart, $3  }
0xcf: {  	[dreg:$0x1] =	wrdreg $0xFFFFFFFF  }
0xd0: {  	_ =	task.clear_ibuf [dreg:s22], $0x2FFFF;
	_ =	strace $0x9FFFFFFF  }
0xd1: {  	(tm) =	ssettm $0x7FFFFFFF  }
tec
execute0_lowered:
.L_overlay_start_1:
0x0: {  	(tag) =	ssettag $0x1  }
0x1: {  	s4 =	rddreg [dreg:$0x0]  }
0x2: {  	s0 =	srdreg.scid;
	s2 =	rddreg [dreg:$0x1]  }
0x3: {  	s1 =	stileid.u32;
	s3 =	simm.s32 $0x0;
	s15 =	simm.s32 $0x3  }
0x4: {  	s16 =	simm.s32 $0x4000;
	s17 =	simm.s32 $0x50;
	s18 =	simm.s32 $0x80  }
0x5: {  	s19 =	simm.s32 $0x1;
	s20 =	simm.s32 $0x2;
	s21 =	simm.s32 $0x3E00  }
0x6: {  	s5 =	sand.u32 $0x1, s0;
	s0 =	rddreg [dreg:$0x2];
	s7 =	smul.u32 $0x14000, s1  }
0x7: {  	s24 =	simm.s32 $0x0;
	[smem:$0x7FF] =	sst s3;
	s8 =	smul.u32 $0x50000, s1  }
0x8: {  	s30 =	sshll.u32 s1, $0xC;
	s22 =	sshll.u32 s1, $0x6;
	s6 =	smul.u32 $0x140000, s5  }
0x9: {  	_ =	strace $0x8000004A;
	s28 =	sshll.u32 s5, $0xB;
	s29 =	ssub.s32 $0x2, s5  }
0xa: {  	s22 =	sor.u32 $0x1C03, s22;
	s5 =	sshrl.u32 s29, $0x1;
	s8 =	sshrl.u32 s8, $0x2  }
0xb: {  	s6 =	sadd.s32 s7, s6;
	s7 =	sadd.s32 s28, s4;
	s14 =	ssub.s32 s29, s5  }
0xc: {  	s6 =	sshrl.u32 s6, $0x3;
	s31 =	sadd.s32 s30, s7;
	s14 =	smax.u32 s14, $0x1  }
0xd: {  	s13 =	sadd.s32 s6, s4;
	s4 =	sadd.s32 s8, s2;
	s5 =	sadd.s32 $0x517000, s31  }
0xe: {  	s6 =	sadd.s32 $0x2800, s4;
	s7 =	sadd.s32 $0x5000, s4;
	s8 =	sadd.s32 $0x7800, s4  }
0xf: {  	s9 =	sadd.s32 $0xA000, s4;
	s10 =	sadd.s32 $0xC800, s4;
	s11 =	sadd.s32 $0xF000, s4  }
0x10: {  	v0 =	vimm.f32 $0.0e+00;
	v1 =	vimm.f32 $1.000000000e+00;
	s12 =	sadd.s32 $0x11800, s4;
	s13 =	sadd.s32 $0x527000, s13;
	s23 =	sshrl.u32 s4, $0x3  }
.LBB2_1:
0x11: {  	[tilespmem:s3], [sflag:$0x3] =	stream.linear.gather [hbm4b:s5+s3], $0x3E80, $0x38;
	[tilespmem:$0x1A800] =	vst v63  }
0x12: {  	_ =	swait.ge [sflag:s15], $0x3E80  }
0x13: {  	[sflag:s15] =	ssyncset.done $0x0  }
0x14: {  	s25 =	simm.s32 $0x0;
	s26 =	simm.s32 $0x200;
	[sflag:s15] =	ssyncadd.s32 $0xFFFFC180  }
.LBB2_2:
0x15: {  	p0 =	sne.s32 s26, $0x9E00;
	[tilespmem:s25+$0x4070] =	vst v0  }
0x16: {  	[tilespmem:s25+$0x4000] =	vst v0  }
0x17: {  	[tilespmem:s25+$0x4010] =	vst v0  }
.Ltmp0:
0x18: {  	[tilespmem:s25+$0x4020] =	vst v0;
	(pc) =	sbr.rel @p0 .LBB2_2-.Ltmp0, $4  }
0x19: {  	[tilespmem:s25+$0x4030] =	vst v0  }
0x1a: {  	[tilespmem:s25+$0x4040] =	vst v0  }
0x1b: {  	[tilespmem:s25+$0x4050] =	vst v0  }
0x1c: {  	[tilespmem:s25+$0x4060] =	vst v0;
	s25 =	sshra.s32 s26, $0x2;
	s26 =	sadd.s32 $0x200, s26  }
0x1d: {  	[tilespmem:s25+$0x4070] =	vst v0  }
0x1e: {  	[tilespmem:s25+$0x4000] =	vst v0  }
0x1f: {  	[tilespmem:s25+$0x4010] =	vst v0  }
0x20: {  	[tilespmem:s25+$0x4020] =	vst v0  }
0x21: {  	[tilespmem:s25+$0x4030] =	vst v0  }
0x22: {  	[tilespmem:s25+$0x4040] =	vst v0  }
0x23: {  	[tilespmem:s25+$0x4050] =	vst v0  }
0x24: {  	[tilespmem:s25+$0x4060] =	vst v0  }
0x25: {  	[spmem:s4] =	stream.linear.scatter [tilespmem:s16], [sflag:$0x3], $0x2800, $0x38;
	[tilespmem:$0x1A800] =	vst v63  }
0x26: {  	_ =	swait.ge [sflag:s15], $0x2800  }
0x27: {  	[sflag:s15] =	ssyncset.done $0x0  }
0x28: {  	[sflag:s15] =	ssyncadd.s32 $0xFFFFD800  }
0x29: {  	[spmem:s6] =	stream.linear.scatter [tilespmem:s16], [sflag:$0x3], $0x2800, $0x38;
	[tilespmem:$0x1A800] =	vst v63  }
0x2a: {  	_ =	swait.ge [sflag:s15], $0x2800  }
0x2b: {  	[sflag:s15] =	ssyncset.done $0x0  }
0x2c: {  	[sflag:s15] =	ssyncadd.s32 $0xFFFFD800  }
0x2d: {  	[spmem:s7] =	stream.linear.scatter [tilespmem:s16], [sflag:$0x3], $0x2800, $0x38;
	[tilespmem:$0x1A800] =	vst v63  }
0x2e: {  	_ =	swait.ge [sflag:s15], $0x2800  }
0x2f: {  	[sflag:s15] =	ssyncset.done $0x0  }
0x30: {  	[sflag:s15] =	ssyncadd.s32 $0xFFFFD800  }
0x31: {  	[spmem:s8] =	stream.linear.scatter [tilespmem:s16], [sflag:$0x3], $0x2800, $0x38;
	[tilespmem:$0x1A800] =	vst v63  }
0x32: {  	_ =	swait.ge [sflag:s15], $0x2800  }
0x33: {  	[sflag:s15] =	ssyncset.done $0x0  }
0x34: {  	[sflag:s15] =	ssyncadd.s32 $0xFFFFD800  }
0x35: {  	[spmem:s9] =	stream.linear.scatter [tilespmem:s16], [sflag:$0x3], $0x2800, $0x38;
	[tilespmem:$0x1A800] =	vst v63  }
0x36: {  	_ =	swait.ge [sflag:s15], $0x2800  }
0x37: {  	[sflag:s15] =	ssyncset.done $0x0  }
0x38: {  	[sflag:s15] =	ssyncadd.s32 $0xFFFFD800  }
0x39: {  	[spmem:s10] =	stream.linear.scatter [tilespmem:s16], [sflag:$0x3], $0x2800, $0x38;
	[tilespmem:$0x1A800] =	vst v63  }
0x3a: {  	_ =	swait.ge [sflag:s15], $0x2800  }
0x3b: {  	[sflag:s15] =	ssyncset.done $0x0  }
0x3c: {  	[sflag:s15] =	ssyncadd.s32 $0xFFFFD800  }
0x3d: {  	[spmem:s11] =	stream.linear.scatter [tilespmem:s16], [sflag:$0x3], $0x2800, $0x38;
	[tilespmem:$0x1A800] =	vst v63  }
0x3e: {  	_ =	swait.ge [sflag:s15], $0x2800  }
0x3f: {  	[sflag:s15] =	ssyncset.done $0x0  }
0x40: {  	[sflag:s15] =	ssyncadd.s32 $0xFFFFD800  }
0x41: {  	[spmem:s12] =	stream.linear.scatter [tilespmem:s16], [sflag:$0x3], $0x2800, $0x38;
	[tilespmem:$0x1A800] =	vst v63  }
0x42: {  	_ =	swait.ge [sflag:s15], $0x2800  }
0x43: {  	[sflag:s15] =	ssyncset.done $0x0  }
0x44: {  	s25 =	simm.s32 $0x0;
	s26 =	simm.s32 $0x200;
	[sflag:s15] =	ssyncadd.s32 $0xFFFFD800  }
.LBB2_4:
0x45: {  	p0 =	sne.s32 s26, $0x9E00;
	[tilespmem:s25+$0x4070] =	vst v1  }
0x46: {  	[tilespmem:s25+$0x4000] =	vst v1  }
0x47: {  	[tilespmem:s25+$0x4010] =	vst v1  }
.Ltmp1:
0x48: {  	[tilespmem:s25+$0x4020] =	vst v1;
	(pc) =	sbr.rel @p0 .LBB2_4-.Ltmp1, $4  }
0x49: {  	[tilespmem:s25+$0x4030] =	vst v1  }
0x4a: {  	[tilespmem:s25+$0x4040] =	vst v1  }
0x4b: {  	[tilespmem:s25+$0x4050] =	vst v1  }
0x4c: {  	[tilespmem:s25+$0x4060] =	vst v1;
	s25 =	sshra.s32 s26, $0x2;
	s26 =	sadd.s32 $0x200, s26  }
0x4d: {  	[tilespmem:s25+$0x4070] =	vst v1  }
0x4e: {  	[tilespmem:s25+$0x4000] =	vst v1  }
0x4f: {  	[tilespmem:s25+$0x4010] =	vst v1  }
0x50: {  	[tilespmem:s25+$0x4020] =	vst v1  }
0x51: {  	[tilespmem:s25+$0x4030] =	vst v1  }
0x52: {  	[tilespmem:s25+$0x4040] =	vst v1  }
0x53: {  	[tilespmem:s25+$0x4050] =	vst v1  }
0x54: {  	[tilespmem:s25+$0x4060] =	vst v1  }
0x55: {  	[bflag:$0x0] =	sbarrier.arrive $0xFFFF  }
0x56: {  	[spmem:s2] =	stream.indirect.scatter.add.f32 [tilespmem:s16], [sflag:$0x1], $0x80, s3, s17, $0xb8;
	[tilespmem:$0x1A800] =	vst v63  }
0x57: {  	_ = 	snop  }
0x58: {  	[spmem:s2] =	stream.indirect.scatter.add.f32 [tilespmem:s16], [sflag:$0x2], $0x80, s18, s17, $0xb8;
	[tilespmem:$0x1A800] =	vst v63  }
0x59: {  	_ =	swait.ge [sflag:s19], $0x2800  }
0x5a: {  	[sflag:s19] =	ssyncset.done $0x0  }
0x5b: {  	s31 =	simm.s32 $0x100;
	[sflag:s19] =	ssyncadd.s32 $0xFFFFD800  }
0x5c: {  	[spmem:s2] =	stream.indirect.scatter.add.f32 [tilespmem:s16], [sflag:$0x1], $0x80, s31, s17, $0xb8;
	[tilespmem:$0x1A800] =	vst v63  }
0x5d: {  	_ =	swait.ge [sflag:s20], $0x2800  }
0x5e: {  	[sflag:s20] =	ssyncset.done $0x0  }
0x5f: {  	s25 =	simm.s32 $0xFFFF1000;
	s26 =	simm.s32 $0x180;
	[sflag:s20] =	ssyncadd.s32 $0xFFFFD800  }
.LBB2_6:
0x60: {  	[spmem:s2] =	stream.indirect.scatter.add.f32 [tilespmem:s16], [sflag:$0x2], $0x80, s26, s17, $0xb8;
	[tilespmem:$0x1A800] =	vst v63  }
0x61: {  	s26 =	smov.u32 s25  }
0x62: {  	p0 =	sne.s32 s25, $0xFFFFFC00;
	s25 =	sadd.s32 $0x400, s25;
	_ =	swait.ge [sflag:s19], $0x2800  }
0x63: {  	s26 =	sshra.s32 s26, $0x2;
	[sflag:s19] =	ssyncset.done $0x0  }
.Ltmp2:
0x64: {  	s28 =	sadd.s32 $0x3E00, s26;
	[sflag:s19] =	ssyncadd.s32 $0xFFFFD800;
	(pc) =	sbr.rel @p0 .LBB2_6-.Ltmp2, $4  }
0x65: {  	[spmem:s2] =	stream.indirect.scatter.add.f32 [tilespmem:s16], [sflag:$0x1], $0x80, s28, s17, $0xb8;
	[tilespmem:$0x1A800] =	vst v63  }
0x66: {  	_ =	swait.ge [sflag:s20], $0x2800  }
0x67: {  	[sflag:s20] =	ssyncset.done $0x0  }
0x68: {  	s26 =	sadd.s32 $0x3E80, s26;
	[sflag:s20] =	ssyncadd.s32 $0xFFFFD800  }
0x69: {  	[spmem:s2] =	stream.indirect.scatter.add.f32 [tilespmem:s16], [sflag:$0x2], $0x80, s26, s17, $0xb8;
	[tilespmem:$0x1A800] =	vst v63  }
0x6a: {  	_ =	swait.ge [sflag:s19], $0x2800  }
0x6b: {  	[sflag:s19] =	ssyncset.done $0x0  }
0x6c: {  	[sflag:s19] =	ssyncadd.s32 $0xFFFFD800  }
0x6d: {  	[spmem:s2] =	stream.indirect.scatter.add.f32 [tilespmem:s16], [sflag:$0x1], $0x80, s21, s17, $0xb8;
	[tilespmem:$0x1A800] =	vst v63  }
0x6e: {  	_ =	swait.ge [sflag:s20], $0x2800  }
0x6f: {  	[sflag:s20] =	ssyncset.done $0x0  }
0x70: {  	[sflag:s20] =	ssyncadd.s32 $0xFFFFD800  }
0x71: {  	_ =	swait.ge [sflag:s19], $0x2800  }
0x72: {  	s24 =	sadd.s32 $0x1, s24;
	[sflag:s19] =	ssyncset.done $0x0  }
0x73: {  	p0 =	sne.s32 s24, s14;
	[sflag:s19] =	ssyncadd.s32 $0xFFFFD800  }
.Ltmp3:
0x74: {  	[bflag:$0x0] =	sbarrier.arrive $0xFFFF;
	(pc) =	sbr.rel @p0 .LBB2_1-.Ltmp3, $4  }
0x75: {  	[hbm:s13], [sflag:s22] =	dma.local [spmem:s23], $0x2800  }
0x76: {  	_ =	swait.ge [sflag:s15], $0x2800  }
0x77: {  	[sflag:s15] =	ssyncset.done $0x0  }
0x78: {  	[sflag:s15] =	ssyncadd.s32 $0xFFFFD800  }
0x79: {  	_ =	sfence.sel $0x180000  }
0x7a: {  	[bflag:$0x0] =	sbarrier.arrive $0xFFFF  }
0x7b: {  	p0 =	sne.s32 s1, $0x0;
	_ =	strace $0x9000004A  }
0x7c: {  	s0 =	sadd.s32 @!p0 $0x100000, s0;
	[bflag:$0x2] =	sbarrier.arrive $0xFFFF  }
0x7d: {  	[sflag:s0] =	ssyncadd.tile.s32 @!p0 $0x1;
	_ =	shalt  }
.Lfunc_end2:
_tile_overlayer_lowered:
.L_overlay_start_2:
0x7e: {  	(tag) =	ssettag $0x2  }
0x7f: {  	s0 =	rddreg [dreg:$0x0];
	s2 =	stileid.u32  }
0x80: {  	s1 =	rddreg [dreg:$0x1];
	p0 =	sne.s32 s2, $0x0  }
0x81: {  	s3 =	rddreg [dreg:$0x2];
	[bflag:$0x3] =	sbarrier.arrive $0xFFFF;
	s2 =	simm.s32 @!p0 $0x1C03  }
0x82: {  	[timem:s3], [sflag:s2] =	dma.local @!p0 [hbm:s0], s1  }
0x83: {  	s0 =	simm.s32 @!p0 $0x3  }
0x84: {  	_ =	swait.ge @!p0 [sflag:s0], s1  }
0x85: {  	s1 =	ssub.s32 @!p0 $0x0, s1;
	[sflag:s0] =	ssyncset.done @!p0 $0x0  }
0x86: {  	[sflag:s0] =	ssyncadd.s32 @!p0 s1  }
0x87: {  	[bflag:$0x3] =	sbarrier.arrive $0xFFFF  }
0x88: {  	_ =	shalt  }

// kernel: kernel.14.cloned.1.call-start
scs
__scs_entry_jumppad:
0x0: {  	(pc) =	sbr.rel $0x88, $3  }
0x1: {  	(tag) =	ssettag $0x0;
	lr =	simm.s32 $0x1  }
0x2: {  	[smem:$0x3F96] =	sst lr;
	_ =	strace $0xD0000000  }
0x3: {  	_ = 	snop  }
0x4: {  	_ = 	snop  }
0x5: {  	_ = 	snop  }
0x6: {  	_ = 	snop  }
0x7: {  	_ = 	snop  }
__scs_overlays_trampoline_lowered:
0x8: {  	[smem:$0x3FA5] =	sst s0  }
0x9: {  	[smem:$0x3FA6] =	sst s1  }
0xa: {  	[smem:$0x3FA7] =	sst s2  }
0xb: {  	[smem:$0x3FA8] =	sst s3  }
0xc: {  	[smem:$0x3FA9] =	sst s4  }
0xd: {  	[smem:$0x3FAA] =	sst s5  }
0xe: {  	[smem:$0x3FAB] =	sst s6  }
0xf: {  	[smem:$0x3FAC] =	sst s7  }
0x10: {  	[smem:$0x3FAD] =	sst s8  }
0x11: {  	[smem:$0x3FAE] =	sst s9;
	s0 =	simm.s32 @!p0 $0x0  }
0x12: {  	s1 =	sld [smem:$0x3F94];
	s0 =	simm.s32 @p0 $0x1  }
0x13: {  	[smem:$0x3FAF] =	sst s0;
	s0 =	simm.s32 @!p1 $0x0  }
0x14: {  	s2 =	sld [smem:$0x3F93];
	s0 =	simm.s32 @p1 $0x1  }
0x15: {  	[smem:$0x3FB0] =	sst s0;
	s0 =	simm.s32 @!p2 $0x0  }
0x16: {  	s3 =	sld [smem:$0x3FDB];
	s0 =	simm.s32 @p2 $0x1  }
0x17: {  	s4 =	simm.s32 $0x1BF5;
	[smem:$0x3FB2] =	sst s0  }
0x18: {  	s0 =	sld [smem:$0x3F95];
	_ =	swait.ge [sflag:s4], $0x0  }
0x19: {  	s7 =	sld [smem:$0x3F96]  }
0x1a: {  	s8 =	sadd.s32 $0xFFFFE003, lr  }
0x1b: {  	s9 =	sadd.s32 $0xFFFFFEF7, lr;
	s5 =	simm.s32 $0xFFFFFFFF;
	p2 =	slt.u32 s8, $0xFFFFF086  }
0x1c: {  	p1 =	slt.u32 s9, $0xF7A;
	s5 =	simm.s32 @!p2 $0x0  }
0x1d: {  	s5 =	simm.s32 @p1 $0x1;
	p0 =	seq.s32 s7, s2  }
0x1e: {  	s7 =	smul.u32 @!p0 $0xF7A, s2;
	p2 =	seq.s32 @!p0 s5, $0x0  }
0x1f: {  	s9 =	smul.u32 $0xF7A, s1;
	s8 =	simm.s32 @!p0 $0x1BF5;
	p2 =	por !p2, p0  }
0x20: {  	[sflag:s8] =	ssyncset.s32 @!p0 $0xFFFFF086;
	s6 =	sadd.s32 @!p0 s3, s7;
	s7 =	simm.s32 @!p0 $0x108  }
0x21: {  	s3 =	sadd.s32 s3, s9;
	s6 =	sadd.s32 @!p0 $0x88, s6;
	s7 =	simm.s32 @p2 $0x1082  }
0x22: {  	[simem:s7], [sflag:s8] =	dma.local @!p0 [hbm:s6], $0xF7A  }
0x23: {  	s9 =	sor.u32 $0xD0000000, s2;
	s6 =	simm.s32 $0x108;
	_ =	swait.ge @!p0 [sflag:s8], $0x0  }
0x24: {  	s3 =	sadd.s32 $0x88, s3;
	s6 =	simm.s32 @!p1 $0x1082;
	[sflag:s4] =	ssyncset.s32 $0xFFFFF086  }
0x25: {  	[simem:s6], [sflag:s4] =	dma.local [hbm:s3], $0xF7A  }
0x26: {  	[smem:$0x3F96] =	sst s1;
	(tag) =	ssettag s2;
	_ =	strace s9  }
0x27: {  	s1 =	sld [smem:$0x3FA6]  }
0x28: {  	s2 =	sld [smem:$0x3FA7]  }
0x29: {  	s4 =	sld [smem:$0x3FA9]  }
0x2a: {  	p0 =	seq.s32 s5, $0x0;
	s5 =	sld [smem:$0x3FAA]  }
0x2b: {  	s6 =	sld [smem:$0x3FAB]  }
0x2c: {  	s7 =	sld [smem:$0x3FAC]  }
0x2d: {  	s3 =	simm.s32 $0x108;
	s8 =	sld [smem:$0x3FAD]  }
0x2e: {  	s3 =	simm.s32 @!p0 $0x1082;
	s9 =	sld [smem:$0x3FAE]  }
0x2f: {  	lr =	sadd.s32 s0, s3;
	s0 =	sld [smem:$0x3FA5]  }
0x30: {  	s3 =	sld [smem:$0x3FA8]  }
0x31: {  	[smem:$0x3FB1] =	sst s10  }
0x32: {  	s10 =	sld [smem:$0x3FAF];
	_ =	sdelay $0x3  }
0x33: {  	p0 =	seq.s32 s10, $0x1;
	s10 =	sld [smem:$0x3FB1];
	_ =	sdelay $0x3  }
0x34: {  	[smem:$0x3FB1] =	sst s10  }
0x35: {  	s10 =	sld [smem:$0x3FB0];
	_ =	sdelay $0x3  }
0x36: {  	p1 =	seq.s32 s10, $0x1;
	s10 =	sld [smem:$0x3FB1];
	_ =	sdelay $0x3  }
0x37: {  	[smem:$0x3FB1] =	sst s10  }
0x38: {  	s10 =	sld [smem:$0x3FB2]  }
0x39: {  	_ = 	snop;
	(pc) =	sbr.ind lr, $3  }
0x3a: {  	_ = 	snop  }
0x3b: {  	_ = 	snop  }
0x3c: {  	p2 =	seq.s32 s10, $0x1;
	s10 =	sld [smem:$0x3FB1]  }
0x3d: {  	_ =	shalt  }
0x3e: {  	_ =	shalt  }
0x3f: {  	_ =	shalt  }
0x40: {  	_ =	shalt  }
0x41: {  	_ =	shalt  }
0x42: {  	_ =	shalt  }
0x43: {  	_ =	shalt  }
0x44: {  	_ =	shalt  }
0x45: {  	_ =	shalt  }
0x46: {  	_ =	shalt  }
0x47: {  	_ =	shalt  }
0x48: {  	_ =	shalt  }
0x49: {  	_ =	shalt  }
0x4a: {  	_ =	shalt  }
0x4b: {  	_ =	shalt  }
0x4c: {  	_ =	shalt  }
0x4d: {  	_ =	shalt  }
0x4e: {  	_ =	shalt  }
0x4f: {  	_ =	shalt  }
0x50: {  	_ =	shalt  }
0x51: {  	_ =	shalt  }
0x52: {  	_ =	shalt  }
0x53: {  	_ =	shalt  }
0x54: {  	_ =	shalt  }
0x55: {  	_ =	shalt  }
0x56: {  	_ =	shalt  }
0x57: {  	_ =	shalt  }
0x58: {  	_ =	shalt  }
0x59: {  	_ =	shalt  }
0x5a: {  	_ =	shalt  }
0x5b: {  	_ =	shalt  }
0x5c: {  	_ =	shalt  }
0x5d: {  	_ =	shalt  }
0x5e: {  	_ =	shalt  }
0x5f: {  	_ =	shalt  }
0x60: {  	_ =	shalt  }
0x61: {  	_ =	shalt  }
0x62: {  	_ =	shalt  }
0x63: {  	_ =	shalt  }
0x64: {  	_ =	shalt  }
0x65: {  	_ =	shalt  }
0x66: {  	_ =	shalt  }
0x67: {  	_ =	shalt  }
0x68: {  	_ =	shalt  }
0x69: {  	_ =	shalt  }
0x6a: {  	_ =	shalt  }
0x6b: {  	_ =	shalt  }
0x6c: {  	_ =	shalt  }
0x6d: {  	_ =	shalt  }
0x6e: {  	_ =	shalt  }
0x6f: {  	_ =	shalt  }
0x70: {  	_ =	shalt  }
0x71: {  	_ =	shalt  }
0x72: {  	_ =	shalt  }
0x73: {  	_ =	shalt  }
0x74: {  	_ =	shalt  }
0x75: {  	_ =	shalt  }
0x76: {  	_ =	shalt  }
0x77: {  	_ =	shalt  }
0x78: {  	_ =	shalt  }
0x79: {  	_ =	shalt  }
0x7a: {  	_ =	shalt  }
0x7b: {  	_ =	shalt  }
0x7c: {  	_ =	shalt  }
0x7d: {  	_ =	shalt  }
0x7e: {  	_ =	shalt  }
0x7f: {  	_ =	shalt  }
0x80: {  	_ =	shalt  }
0x81: {  	_ =	shalt  }
0x82: {  	_ =	shalt  }
0x83: {  	_ =	shalt  }
0x84: {  	_ =	shalt  }
0x85: {  	_ =	shalt  }
0x86: {  	_ =	shalt  }
0x87: {  	_ =	shalt  }
.Lfunc_end0:
.L_simem_size_0:
called_computation.2_lowered:
.L_overlay_start_0:
0x88: {  	s2 =	sld [smem:$0x3FD9]  }
0x89: {  	s3 =	sld [smem:$0x3FFE];
	_ =	sdelay $0x1  }
0x8a: {  	s1 =	srdreg.scid  }
0x8b: {  	s0 =	sand.u32 $0x1, s1  }
0x8c: {  	s17 =	sshll.u32 s0, $0xA;
	s2 =	sadd.s32 s3, s2  }
0x8d: {  	s2 =	sadd.s32 s2, s17  }
0x8e: {  	[smem:$0x3FBD] =	sst s2  }
0x8f: {  	_ = 	snop  }
0x90: {  	s18 =	sld [smem:$0x3FD0];
	(tm) =	ssettm $0x1  }
0x91: {  	s19 =	sld [smem:$0x3FFB];
	_ =	sdelay $0x3  }
0x92: {  	_ =	strace s19  }
0x93: {  	s2 =	sld [smem:$0x3FFC];
	_ =	sdelay $0x3  }
0x94: {  	_ =	strace s2  }
0x95: {  	s2 =	sld [smem:$0x3FFD];
	_ =	sdelay $0x3  }
0x96: {  	_ =	strace s2  }
0x97: {  	_ =	strace $0x8FFFFFFF  }
0x98: {  	s20 =	sld [smem:$0x3FDB];
	_ =	sdelay $0x1  }
0x99: {  	s4 =	simm.s32 $_scs_section_size  }
0x9a: {  	s5 =	simm.s32 $_size__tile_overlayer_lowered;
	s6 =	simm.s32 $_tile_overlayer_lowered  }
0x9b: {  	s7 =	simm.s32 $0x1BFF;
	s21 =	sshll.u32 s6, $0x1;
	s4 =	sadd.s32 s4, s20  }
0x9c: {  	s22 =	simm.s32 $0x0;
	s5 =	sshll.u32 s5, $0x1;
	s6 =	sadd.s32 s21, s4  }
0x9d: {  	[timem:s22], [sflag:s7] =	dma.local [hbm:s6], s5  }
0x9e: {  	_ =	swait.ge [sflag:s7], s5  }
0x9f: {  	s5 =	ssub.s32 $0x0, s5;
	[sflag:s7] =	ssyncset.done $0x0  }
0xa0: {  	[sflag:s7] =	ssyncadd.s32 s5;
	_ =	sdelay $0x1  }
0xa1: {  	s23 =	simm.s32 $0x1B8B  }
0xa2: {  	_ =	swait.ge [sflag:s23], $0x1  }
0xa3: {  	[sflag:s23] =	ssyncset.done $0x0  }
0xa4: {  	[sflag:s23] =	ssyncadd.s32 $0xFFFFFFFF  }
0xa5: {  	s5 =	sld [smem:$0x0]  }
0xa6: {  	s6 =	sand.u32 $0xFFFFFFFE, s1  }
0xa7: {  	p0 =	sne.s32 s1, s6  }
0xa8: {  	s6 =	sshll.u32 @p0 s6, $0xE  }
0xa9: {  	s6 =	sadd.s32 @p0 $0x11B8D, s6;
	s7 =	sshll.u32 @p0 s5, $0x11  }
0xaa: {  	s6 =	sor.u32 @p0 s7, s6  }
0xab: {  	[sflag:s6] =	ssyncadd.remote.s32 @p0 $0x1;
	_ =	sdelay $0x1  }
0xac: {  	s6 =	simm.s32 @p0 $0x1B8D  }
0xad: {  	_ =	swait.eq @p0 [sflag:s6], $0x1  }
0xae: {  	[sflag:s6] =	ssyncadd.s32 @p0 $0xFFFFFFFF  }
0xaf: {  	s7 =	sshll.u32 @!p0 s1, $0xE  }
0xb0: {  	s7 =	sor.u32 @!p0 $0x4000, s7;
	s6 =	simm.s32 @!p0 $0x1B8D  }
0xb1: {  	s5 =	sshll.u32 @!p0 s5, $0x11;
	s7 =	sadd.s32 @!p0 $0x11B8D, s7;
	_ =	swait.eq @!p0 [sflag:s6], $0x1  }
0xb2: {  	s5 =	sor.u32 @!p0 s5, s7;
	[sflag:s6] =	ssyncadd.s32 @!p0 $0xFFFFFFFF  }
0xb3: {  	s25 =	simm.s32 $0x1B8E;
	s24 =	sld [smem:$0x3FFE];
	[sflag:s5] =	ssyncadd.remote.s32 @!p0 $0x1  }
0xb4: {  	s26 =	simm.s32 $execute0_lowered;
	[smem:$0x3FD2] =	sst s25  }
0xb5: {  	s6 =	sshll.u32 s26, $0x1;
	_ =	strace $0x8000004C;
	[dreg:$0x1] =	wrdreg $0xFFFFFFFF  }
0xb6: {  	s28 =	simm.s32 $_size_execute0_lowered;
	s4 =	sadd.s32 s4, s6;
	[dreg:$0x0] =	wrdreg $0x0  }
0xb7: {  	s6 =	sshll.u32 s28, $0x1;
	[dreg:$0x2] =	wrdreg s4  }
0xb8: {  	[dreg:$0x3] =	wrdreg s6  }
0xb9: {  	[dreg:$0x4] =	wrdreg $0xC0  }
0xba: {  	_ =	task [dreg:s22], $0x5FFFF  }
0xbb: {  	[dreg:$0x1] =	wrdreg $0xFFFFFFFF  }
0xbc: {  	[dreg:$0x0] =	wrdreg $0x60  }
0xbd: {  	[dreg:$0x2] =	wrdreg s24  }
0xbe: {  	[dreg:$0x3] =	wrdreg s18  }
0xbf: {  	[dreg:$0x4] =	wrdreg $0xA8000  }
0xc0: {  	[dreg:$0x5] =	wrdreg $0xA  }
0xc1: {  	_ =	task.clear_ibuf [dreg:s22], $0x6FFFF;
	_ =	strace $0x9000004C  }
0xc2: {  	s29 =	simm.s32 $0xA;
	_ =	strace $0x8000004E  }
0xc3: {  	_ =	swait.ge [sflag:s29], $0x1  }
0xc4: {  	[sflag:s29] =	ssyncadd.s32 $0xFFFFFFFF  }
0xc5: {  	_ =	strace $0x9000004E  }
0xc6: {  	_ =	sfence  }
0xc7: {  	s30 =	sld [smem:$0x0];
	_ =	sdelay $0x2  }
0xc8: {  	s31 =	sshll.u32 s1, $0xD;
	s1 =	sshrl.u32 s1, $0x2  }
0xc9: {  	s4 =	sand.u32 $0x4000, s31;
	s1 =	sadd.s32 s1, s30  }
0xca: {  	s0 =	sor.u32 s4, s0;
	s1 =	sshll.u32 s1, $0x11  }
0xcb: {  	s0 =	sor.u32 s1, s0  }
0xcc: {  	s0 =	sadd.s32 $0x8F2B, s0  }
0xcd: {  	[sflag:s0] =	ssyncadd.remote.s32 $0x1  }
0xce: {  	_ =	sfence.sel $0xFFFF  }
0xcf: {  	[dreg:$0x0] =	wrdreg $0xFFFFFFFF;
	(pc) =	sbr.abs _section_cstart, $3  }
0xd0: {  	[dreg:$0x1] =	wrdreg $0xFFFFFFFF  }
0xd1: {  	_ =	task.clear_ibuf [dreg:s22], $0x2FFFF;
	_ =	strace $0x9FFFFFFF  }
0xd2: {  	(tm) =	ssettm $0x7FFFFFFF  }
0xd3: {  	_ =	shalt  }
tec
execute0_lowered:
.L_overlay_start_1:
0x0: {  	(tag) =	ssettag $0x1  }
0x1: {  	s0 =	rddreg [dreg:$0x0]  }
0x2: {  	s1 =	rddreg [dreg:$0x1];
	s3 =	srdreg.scid  }
0x3: {  	s2 =	rddreg [dreg:$0x2];
	s11 =	stileid.u32  }
0x4: {  	s29 =	simm.s32 $0x5;
	s30 =	simm.s32 $0x8000;
	s6 =	smul.u32 $0x14000, s11  }
0x5: {  	s31 =	simm.s32 $0x1;
	s5 =	sand.u32 $0x1, s3;
	s7 =	smul.u32 $0x50000, s11  }
0x6: {  	s3 =	simm.s32 $0x0;
	s12 =	sadd.s32 $0xA59000, s0;
	s26 =	smul.u32 $0x4E200, s11  }
0x7: {  	s8 =	sshll.u32 s11, $0x1;
	s4 =	smul.u32 $0x140000, s5;
	[smem:$0x7FF] =	sst s3  }
0x8: {  	s16 =	ssub.s32 $0x2, s5;
	s8 =	sor.u32 s5, s8;
	s5 =	smul.u32 $0x27100, s5  }
0x9: {  	_ =	strace $0x8000004D;
	s9 =	sshrl.u32 s16, $0x1;
	s24 =	smul.u32 $0x27100, s8  }
0xa: {  	s7 =	sshrl.u32 s7, $0x2;
	s10 =	sshll.u32 s8, $0xC;
	s25 =	smul.u32 $0x138800, s8  }
0xb: {  	s8 =	sadd.s32 s26, s12;
	s4 =	sadd.s32 s6, s4;
	s9 =	ssub.s32 s16, s9  }
0xc: {  	s1 =	sadd.s32 s1, s10;
	s6 =	simm.s32 $0x3;
	s4 =	sshrl.u32 s4, $0x3  }
0xd: {  	[dreg:$0x4] =	wrdreg s1;
	s0 =	sadd.s32 s4, s0;
	s4 =	sadd.s32 s7, s2  }
0xe: {  	s1 =	simm.s32 $0x9400;
	s7 =	sshrl.u32 s25, $0x3;
	s17 =	sadd.s32 $0x1400, s4  }
0xf: {  	s25 =	smax.u32 s9, $0x1;
	s18 =	sadd.s32 $0x2800, s4;
	[dreg:$0x5] =	wrdreg s17  }
0x10: {  	s19 =	sadd.s32 $0x3C00, s4;
	s20 =	sadd.s32 $0x5000, s4;
	[dreg:$0x6] =	wrdreg s18  }
0x11: {  	s21 =	sadd.s32 $0x6400, s4;
	s22 =	sadd.s32 $0x7800, s4;
	[dreg:$0x7] =	wrdreg s19  }
0x12: {  	s23 =	sadd.s32 $0x8C00, s4;
	s13 =	sadd.s32 $0xA000, s4;
	[dreg:$0x8] =	wrdreg s20  }
0x13: {  	s14 =	sadd.s32 $0xB400, s4;
	s15 =	sadd.s32 $0xC800, s4;
	[dreg:$0x9] =	wrdreg s21  }
0x14: {  	s16 =	sadd.s32 $0xDC00, s4;
	s7 =	sadd.s32 s12, s7;
	[dreg:$0xa] =	wrdreg s22  }
0x15: {  	s26 =	sadd.s32 $0x11800, s4;
	s28 =	sadd.s32 $0x12C00, s4;
	[dreg:$0xb] =	wrdreg s23  }
0x16: {  	s17 =	sadd.s32 $0xF000, s4;
	s18 =	sadd.s32 $0x10400, s4;
	s19 =	sadd.s32 s12, s24  }
0x17: {  	s20 =	sadd.s32 $0x280, s7;
	s21 =	sadd.s32 s5, s8;
	s22 =	sadd.s32 $0x500, s7  }
0x18: {  	s23 =	sadd.s32 $0x26E80, s7;
	s24 =	sadd.s32 $0x577000, s0;
	s0 =	simm.s32 $0x28  }
0x19: {  	v0 =	vimm.f32 $0.0e+00;
	s5 =	simm.s32 $0x2;
	s7 =	simm.s32 $0x4;
	s8 =	simm.s32 $0x0  }
.LBB2_1:
0x1a: {  	s9 =	rddreg [dreg:$0x4]  }
0x1b: {  	[tilespmem:s3], [sflag:$0x5] =	stream.linear.gather [hbm4b:s9+s3], $0x7D00, $0x38;
	[tilespmem:$0x1E800] =	vst v63  }
0x1c: {  	_ =	swait.ge [sflag:s29], $0x7D00  }
0x1d: {  	[sflag:s29] =	ssyncset.done $0x0  }
0x1e: {  	s10 =	simm.s32 $0x200;
	s9 =	simm.s32 $0x0;
	[sflag:s29] =	ssyncadd.s32 $0xFFFF8300  }
.LBB2_2:
0x1f: {  	p0 =	sne.s32 s10, $0x4E00;
	[tilespmem:s9+$0x8070] =	vst v0  }
0x20: {  	[tilespmem:s9+$0x8000] =	vst v0  }
0x21: {  	[tilespmem:s9+$0x8010] =	vst v0  }
.Ltmp0:
0x22: {  	[tilespmem:s9+$0x8020] =	vst v0;
	(pc) =	sbr.rel @p0 .LBB2_2-.Ltmp0, $4  }
0x23: {  	[tilespmem:s9+$0x8030] =	vst v0  }
0x24: {  	[tilespmem:s9+$0x8040] =	vst v0  }
0x25: {  	[tilespmem:s9+$0x8050] =	vst v0  }
0x26: {  	[tilespmem:s9+$0x8060] =	vst v0;
	s9 =	sshra.s32 s10, $0x2;
	s10 =	sadd.s32 $0x200, s10  }
0x27: {  	[tilespmem:s9+$0x8070] =	vst v0  }
0x28: {  	[tilespmem:s9+$0x8000] =	vst v0  }
0x29: {  	[tilespmem:s9+$0x8010] =	vst v0  }
0x2a: {  	[tilespmem:s9+$0x8020] =	vst v0  }
0x2b: {  	[tilespmem:s9+$0x8030] =	vst v0  }
0x2c: {  	[tilespmem:s9+$0x8040] =	vst v0  }
0x2d: {  	[tilespmem:s9+$0x8050] =	vst v0  }
0x2e: {  	[tilespmem:s9+$0x8060] =	vst v0  }
0x2f: {  	[spmem:s4] =	stream.linear.scatter [tilespmem:s30], [sflag:$0x5], $0x1400, $0x38;
	[tilespmem:$0x1E800] =	vst v63  }
0x30: {  	_ =	swait.ge [sflag:s29], $0x1400  }
0x31: {  	[sflag:s29] =	ssyncset.done $0x0  }
0x32: {  	s11 =	rddreg [dreg:$0x5];
	[sflag:s29] =	ssyncadd.s32 $0xFFFFEC00  }
0x33: {  	[spmem:s11] =	stream.linear.scatter [tilespmem:s30], [sflag:$0x5], $0x1400, $0x38;
	[tilespmem:$0x1E800] =	vst v63  }
0x34: {  	_ =	swait.ge [sflag:s29], $0x1400  }
0x35: {  	[sflag:s29] =	ssyncset.done $0x0  }
0x36: {  	s12 =	rddreg [dreg:$0x6];
	[sflag:s29] =	ssyncadd.s32 $0xFFFFEC00  }
0x37: {  	[spmem:s12] =	stream.linear.scatter [tilespmem:s30], [sflag:$0x5], $0x1400, $0x38;
	[tilespmem:$0x1E800] =	vst v63  }
0x38: {  	_ =	swait.ge [sflag:s29], $0x1400  }
0x39: {  	[sflag:s29] =	ssyncset.done $0x0  }
0x3a: {  	s10 =	rddreg [dreg:$0x7];
	[sflag:s29] =	ssyncadd.s32 $0xFFFFEC00  }
0x3b: {  	[spmem:s10] =	stream.linear.scatter [tilespmem:s30], [sflag:$0x5], $0x1400, $0x38;
	[tilespmem:$0x1E800] =	vst v63  }
0x3c: {  	_ =	swait.ge [sflag:s29], $0x1400  }
0x3d: {  	[sflag:s29] =	ssyncset.done $0x0  }
0x3e: {  	s11 =	rddreg [dreg:$0x8];
	[sflag:s29] =	ssyncadd.s32 $0xFFFFEC00  }
0x3f: {  	[spmem:s11] =	stream.linear.scatter [tilespmem:s30], [sflag:$0x5], $0x1400, $0x38;
	[tilespmem:$0x1E800] =	vst v63  }
0x40: {  	_ =	swait.ge [sflag:s29], $0x1400  }
0x41: {  	[sflag:s29] =	ssyncset.done $0x0  }
0x42: {  	s12 =	rddreg [dreg:$0x9];
	[sflag:s29] =	ssyncadd.s32 $0xFFFFEC00  }
0x43: {  	[spmem:s12] =	stream.linear.scatter [tilespmem:s30], [sflag:$0x5], $0x1400, $0x38;
	[tilespmem:$0x1E800] =	vst v63  }
0x44: {  	_ =	swait.ge [sflag:s29], $0x1400  }
0x45: {  	[sflag:s29] =	ssyncset.done $0x0  }
0x46: {  	s10 =	rddreg [dreg:$0xa];
	[sflag:s29] =	ssyncadd.s32 $0xFFFFEC00  }
0x47: {  	[spmem:s10] =	stream.linear.scatter [tilespmem:s30], [sflag:$0x5], $0x1400, $0x38;
	[tilespmem:$0x1E800] =	vst v63  }
0x48: {  	_ =	swait.ge [sflag:s29], $0x1400  }
0x49: {  	[sflag:s29] =	ssyncset.done $0x0  }
0x4a: {  	s11 =	rddreg [dreg:$0xb];
	[sflag:s29] =	ssyncadd.s32 $0xFFFFEC00  }
0x4b: {  	[spmem:s11] =	stream.linear.scatter [tilespmem:s30], [sflag:$0x5], $0x1400, $0x38;
	[tilespmem:$0x1E800] =	vst v63  }
0x4c: {  	_ =	swait.ge [sflag:s29], $0x1400  }
0x4d: {  	[sflag:s29] =	ssyncset.done $0x0  }
0x4e: {  	[sflag:s29] =	ssyncadd.s32 $0xFFFFEC00  }
0x4f: {  	[spmem:s13] =	stream.linear.scatter [tilespmem:s30], [sflag:$0x5], $0x1400, $0x38;
	[tilespmem:$0x1E800] =	vst v63  }
0x50: {  	_ =	swait.ge [sflag:s29], $0x1400  }
0x51: {  	[sflag:s29] =	ssyncset.done $0x0  }
0x52: {  	[sflag:s29] =	ssyncadd.s32 $0xFFFFEC00  }
0x53: {  	[spmem:s14] =	stream.linear.scatter [tilespmem:s30], [sflag:$0x5], $0x1400, $0x38;
	[tilespmem:$0x1E800] =	vst v63  }
0x54: {  	_ =	swait.ge [sflag:s29], $0x1400  }
0x55: {  	[sflag:s29] =	ssyncset.done $0x0  }
0x56: {  	[sflag:s29] =	ssyncadd.s32 $0xFFFFEC00  }
0x57: {  	[spmem:s15] =	stream.linear.scatter [tilespmem:s30], [sflag:$0x5], $0x1400, $0x38;
	[tilespmem:$0x1E800] =	vst v63  }
0x58: {  	_ =	swait.ge [sflag:s29], $0x1400  }
0x59: {  	[sflag:s29] =	ssyncset.done $0x0  }
0x5a: {  	[sflag:s29] =	ssyncadd.s32 $0xFFFFEC00  }
0x5b: {  	[spmem:s16] =	stream.linear.scatter [tilespmem:s30], [sflag:$0x5], $0x1400, $0x38;
	[tilespmem:$0x1E800] =	vst v63  }
0x5c: {  	_ =	swait.ge [sflag:s29], $0x1400  }
0x5d: {  	[sflag:s29] =	ssyncset.done $0x0  }
0x5e: {  	[sflag:s29] =	ssyncadd.s32 $0xFFFFEC00  }
0x5f: {  	[spmem:s17] =	stream.linear.scatter [tilespmem:s30], [sflag:$0x5], $0x1400, $0x38;
	[tilespmem:$0x1E800] =	vst v63  }
0x60: {  	_ =	swait.ge [sflag:s29], $0x1400  }
0x61: {  	[sflag:s29] =	ssyncset.done $0x0  }
0x62: {  	[sflag:s29] =	ssyncadd.s32 $0xFFFFEC00  }
0x63: {  	[spmem:s18] =	stream.linear.scatter [tilespmem:s30], [sflag:$0x5], $0x1400, $0x38;
	[tilespmem:$0x1E800] =	vst v63  }
0x64: {  	_ =	swait.ge [sflag:s29], $0x1400  }
0x65: {  	[sflag:s29] =	ssyncset.done $0x0  }
0x66: {  	[sflag:s29] =	ssyncadd.s32 $0xFFFFEC00  }
0x67: {  	[spmem:s26] =	stream.linear.scatter [tilespmem:s30], [sflag:$0x5], $0x1400, $0x38;
	[tilespmem:$0x1E800] =	vst v63  }
0x68: {  	_ =	swait.ge [sflag:s29], $0x1400  }
0x69: {  	[sflag:s29] =	ssyncset.done $0x0  }
0x6a: {  	[sflag:s29] =	ssyncadd.s32 $0xFFFFEC00  }
0x6b: {  	[spmem:s28] =	stream.linear.scatter [tilespmem:s30], [sflag:$0x5], $0x1400, $0x38;
	[tilespmem:$0x1E800] =	vst v63  }
0x6c: {  	_ =	swait.ge [sflag:s29], $0x1400  }
0x6d: {  	[sflag:s29] =	ssyncset.done $0x0  }
0x6e: {  	[sflag:s29] =	ssyncadd.s32 $0xFFFFEC00  }
0x6f: {  	s12 =	simm.s32 $0x0;
	[bflag:$0x0] =	sbarrier.arrive $0xFFFF  }
0x70: {  	[tilespmem:s30], [sflag:$0x1] =	stream.linear.gather [hbm4b:s19+s12], $0x1400, $0x38;
	[tilespmem:$0x1E800] =	vst v63  }
0x71: {  	_ =	swait.ge [sflag:s31], $0x1400  }
0x72: {  	[sflag:s31] =	ssyncset.done $0x0  }
0x73: {  	[sflag:s31] =	ssyncadd.s32 $0xFFFFEC00  }
0x74: {  	[spmem:s2] =	stream.indirect.scatter.add.f32 [tilespmem:s30], [sflag:$0x3], $0x80, s12, s0, $0xb8;
	[tilespmem:$0x1E800] =	vst v63  }
0x75: {  	_ = 	snop  }
0x76: {  	[tilespmem:s1], [sflag:$0x2] =	stream.linear.gather [hbm4b:s20+s12], $0x1400, $0x38;
	[tilespmem:$0x1E800] =	vst v63  }
0x77: {  	_ =	swait.ge [sflag:s5], $0x1400  }
0x78: {  	[sflag:s5] =	ssyncset.done $0x0  }
0x79: {  	s10 =	simm.s32 $0x80;
	[sflag:s5] =	ssyncadd.s32 $0xFFFFEC00  }
0x7a: {  	[spmem:s2] =	stream.indirect.scatter.add.f32 [tilespmem:s1], [sflag:$0x4], $0x80, s10, s0, $0xb8;
	[tilespmem:$0x1E800] =	vst v63  }
0x7b: {  	_ =	swait.ge [sflag:s6], $0x1400  }
0x7c: {  	[sflag:s6] =	ssyncset.done $0x0  }
0x7d: {  	[sflag:s6] =	ssyncadd.s32 $0xFFFFEC00  }
0x7e: {  	[tilespmem:s30], [sflag:$0x1] =	stream.linear.gather [hbm4b:s22+s12], $0x1400, $0x38;
	[tilespmem:$0x1E800] =	vst v63  }
0x7f: {  	_ =	swait.ge [sflag:s31], $0x1400  }
0x80: {  	[sflag:s31] =	ssyncset.done $0x0  }
0x81: {  	s10 =	simm.s32 $0x100;
	[sflag:s31] =	ssyncadd.s32 $0xFFFFEC00  }
0x82: {  	[spmem:s2] =	stream.indirect.scatter.add.f32 [tilespmem:s30], [sflag:$0x3], $0x80, s10, s0, $0xb8;
	[tilespmem:$0x1E800] =	vst v63  }
0x83: {  	_ =	swait.ge [sflag:s7], $0x1400  }
0x84: {  	s10 =	sadd.s32 $0x0, s21;
	[sflag:s7] =	ssyncset.done $0x0  }
0x85: {  	s11 =	sadd.s32 $0x780, s10;
	[sflag:s7] =	ssyncadd.s32 $0xFFFFEC00  }
0x86: {  	[tilespmem:s1], [sflag:$0x2] =	stream.linear.gather [hbm4b:s11+s3], $0x1400, $0x38;
	[tilespmem:$0x1E800] =	vst v63  }
0x87: {  	_ =	swait.ge [sflag:s5], $0x1400  }
0x88: {  	[sflag:s5] =	ssyncset.done $0x0  }
0x89: {  	s12 =	simm.s32 $0x180;
	[sflag:s5] =	ssyncadd.s32 $0xFFFFEC00  }
0x8a: {  	[spmem:s2] =	stream.indirect.scatter.add.f32 [tilespmem:s1], [sflag:$0x4], $0x80, s12, s0, $0xb8;
	[tilespmem:$0x1E800] =	vst v63  }
0x8b: {  	_ =	swait.ge [sflag:s6], $0x1400  }
0x8c: {  	s9 =	simm.s32 $0x500;
	[sflag:s6] =	ssyncset.done $0x0  }
0x8d: {  	s11 =	sadd.s32 $0xA00, s10;
	s10 =	simm.s32 $0x200;
	[sflag:s6] =	ssyncadd.s32 $0xFFFFEC00  }
.LBB2_4:
0x8e: {  	[tilespmem:s30], [sflag:$0x1] =	stream.linear.gather [hbm4b:s11+s3], $0x1400, $0x38;
	[tilespmem:$0x1E800] =	vst v63  }
0x8f: {  	s11 =	smov.u32 s9  }
0x90: {  	p0 =	sne.s32 s9, $0x26200;
	s9 =	sadd.s32 $0x500, s9;
	_ =	swait.ge [sflag:s31], $0x1400  }
0x91: {  	[sflag:s31] =	ssyncset.done $0x0  }
0x92: {  	[sflag:s31] =	ssyncadd.s32 $0xFFFFEC00  }
0x93: {  	[spmem:s2] =	stream.indirect.scatter.add.f32 [tilespmem:s30], [sflag:$0x3], $0x80, s10, s0, $0xb8;
	[tilespmem:$0x1E800] =	vst v63  }
0x94: {  	_ =	swait.ge [sflag:s7], $0x1400  }
0x95: {  	s11 =	sadd.s32 s11, s21;
	[sflag:s7] =	ssyncset.done $0x0  }
0x96: {  	s12 =	sadd.s32 $0x780, s11;
	[sflag:s7] =	ssyncadd.s32 $0xFFFFEC00  }
0x97: {  	[tilespmem:s1], [sflag:$0x2] =	stream.linear.gather [hbm4b:s12+s3], $0x1400, $0x38;
	[tilespmem:$0x1E800] =	vst v63  }
0x98: {  	_ =	swait.ge [sflag:s5], $0x1400  }
0x99: {  	[sflag:s5] =	ssyncset.done $0x0  }
.Ltmp1:
0x9a: {  	s12 =	sadd.s32 $0x80, s10;
	[sflag:s5] =	ssyncadd.s32 $0xFFFFEC00;
	(pc) =	sbr.rel @p0 .LBB2_4-.Ltmp1, $4  }
0x9b: {  	[spmem:s2] =	stream.indirect.scatter.add.f32 [tilespmem:s1], [sflag:$0x4], $0x80, s12, s0, $0xb8;
	[tilespmem:$0x1E800] =	vst v63  }
0x9c: {  	_ =	swait.ge [sflag:s6], $0x1400  }
0x9d: {  	[sflag:s6] =	ssyncset.done $0x0  }
0x9e: {  	s11 =	sadd.s32 $0xA00, s11;
	s10 =	sadd.s32 $0x100, s10;
	[sflag:s6] =	ssyncadd.s32 $0xFFFFEC00  }
0x9f: {  	[tilespmem:s30], [sflag:$0x1] =	stream.linear.gather [hbm4b:s11+s3], $0x1400, $0x38;
	[tilespmem:$0x1E800] =	vst v63  }
0xa0: {  	_ =	swait.ge [sflag:s31], $0x1400  }
0xa1: {  	[sflag:s31] =	ssyncset.done $0x0  }
0xa2: {  	s9 =	simm.s32 $0x7C00;
	[sflag:s31] =	ssyncadd.s32 $0xFFFFEC00  }
0xa3: {  	[spmem:s2] =	stream.indirect.scatter.add.f32 [tilespmem:s30], [sflag:$0x3], $0x80, s9, s0, $0xb8;
	[tilespmem:$0x1E800] =	vst v63  }
0xa4: {  	_ =	swait.ge [sflag:s7], $0x1400  }
0xa5: {  	[sflag:s7] =	ssyncset.done $0x0  }
0xa6: {  	[sflag:s7] =	ssyncadd.s32 $0xFFFFEC00  }
0xa7: {  	[tilespmem:s1], [sflag:$0x2] =	stream.linear.gather [hbm4b:s23+s3], $0x1400, $0x38;
	[tilespmem:$0x1E800] =	vst v63  }
0xa8: {  	_ =	swait.ge [sflag:s5], $0x1400  }
0xa9: {  	[sflag:s5] =	ssyncset.done $0x0  }
0xaa: {  	s11 =	simm.s32 $0x7C80;
	[sflag:s5] =	ssyncadd.s32 $0xFFFFEC00  }
0xab: {  	[spmem:s2] =	stream.indirect.scatter.add.f32 [tilespmem:s1], [sflag:$0x4], $0x80, s11, s0, $0xb8;
	[tilespmem:$0x1E800] =	vst v63  }
0xac: {  	_ =	swait.ge [sflag:s6], $0x1400  }
0xad: {  	[sflag:s6] =	ssyncset.done $0x0  }
0xae: {  	[sflag:s6] =	ssyncadd.s32 $0xFFFFEC00  }
0xaf: {  	s12 =	stileid.u32;
	_ =	swait.ge [sflag:s7], $0x1400  }
0xb0: {  	s10 =	sshrl.u32 s4, $0x3;
	s8 =	sadd.s32 $0x1, s8;
	[sflag:s7] =	ssyncset.done $0x0  }
0xb1: {  	p0 =	sne.s32 s8, s25;
	s9 =	sshll.u32 s12, $0x6;
	[sflag:s7] =	ssyncadd.s32 $0xFFFFEC00  }
.Ltmp2:
0xb2: {  	s9 =	sor.u32 $0x1C05, s9;
	[bflag:$0x0] =	sbarrier.arrive $0xFFFF;
	(pc) =	sbr.rel @p0 .LBB2_1-.Ltmp2, $4  }
0xb3: {  	[hbm:s24], [sflag:s9] =	dma.local [spmem:s10], $0x2800  }
0xb4: {  	_ =	swait.ge [sflag:s29], $0x2800  }
0xb5: {  	[sflag:s29] =	ssyncset.done $0x0  }
0xb6: {  	[sflag:s29] =	ssyncadd.s32 $0xFFFFD800  }
0xb7: {  	_ =	sfence.sel $0x180000  }
0xb8: {  	[bflag:$0x0] =	sbarrier.arrive $0xFFFF  }
0xb9: {  	_ =	strace $0x9000004D  }
0xba: {  	s0 =	stileid.u32;
	[bflag:$0x2] =	sbarrier.arrive $0xFFFF  }
0xbb: {  	p0 =	sne.s32 s0, $0x0;
	s0 =	rddreg [dreg:$0x3]  }
0xbc: {  	s0 =	sadd.s32 @!p0 $0x100000, s0  }
0xbd: {  	[sflag:s0] =	ssyncadd.tile.s32 @!p0 $0x1;
	_ =	shalt  }
.Lfunc_end2:
_tile_overlayer_lowered:
.L_overlay_start_2:
0xbe: {  	(tag) =	ssettag $0x2  }
0xbf: {  	s0 =	rddreg [dreg:$0x0];
	s2 =	stileid.u32  }
0xc0: {  	s1 =	rddreg [dreg:$0x1];
	p0 =	sne.s32 s2, $0x0  }
0xc1: {  	s3 =	rddreg [dreg:$0x2];
	[bflag:$0x3] =	sbarrier.arrive $0xFFFF;
	s2 =	simm.s32 @!p0 $0x1C05  }
0xc2: {  	[timem:s3], [sflag:s2] =	dma.local @!p0 [hbm:s0], s1  }
0xc3: {  	s0 =	simm.s32 @!p0 $0x5  }
0xc4: {  	_ =	swait.ge @!p0 [sflag:s0], s1  }
0xc5: {  	s1 =	ssub.s32 @!p0 $0x0, s1;
	[sflag:s0] =	ssyncset.done @!p0 $0x0  }
0xc6: {  	[sflag:s0] =	ssyncadd.s32 @!p0 s1  }
0xc7: {  	[bflag:$0x3] =	sbarrier.arrive $0xFFFF  }
0xc8: {  	_ =	shalt  }

// kernel: kernel.8.cloned.1.call-start
scs
__scs_entry_jumppad:
0x0: {  	(pc) =	sbr.rel $0x88, $3  }
0x1: {  	(tag) =	ssettag $0x0;
	lr =	simm.s32 $0x1  }
0x2: {  	[smem:$0x3F96] =	sst lr;
	_ =	strace $0xD0000000  }
0x3: {  	_ = 	snop  }
0x4: {  	_ = 	snop  }
0x5: {  	_ = 	snop  }
0x6: {  	_ = 	snop  }
0x7: {  	_ = 	snop  }
__scs_overlays_trampoline_lowered:
0x8: {  	[smem:$0x3FA5] =	sst s0  }
0x9: {  	[smem:$0x3FA6] =	sst s1  }
0xa: {  	[smem:$0x3FA7] =	sst s2  }
0xb: {  	[smem:$0x3FA8] =	sst s3  }
0xc: {  	[smem:$0x3FA9] =	sst s4  }
0xd: {  	[smem:$0x3FAA] =	sst s5  }
0xe: {  	[smem:$0x3FAB] =	sst s6  }
0xf: {  	[smem:$0x3FAC] =	sst s7  }
0x10: {  	[smem:$0x3FAD] =	sst s8  }
0x11: {  	[smem:$0x3FAE] =	sst s9;
	s0 =	simm.s32 @!p0 $0x0  }
0x12: {  	s1 =	sld [smem:$0x3F94];
	s0 =	simm.s32 @p0 $0x1  }
0x13: {  	[smem:$0x3FAF] =	sst s0;
	s0 =	simm.s32 @!p1 $0x0  }
0x14: {  	s2 =	sld [smem:$0x3F93];
	s0 =	simm.s32 @p1 $0x1  }
0x15: {  	[smem:$0x3FB0] =	sst s0;
	s0 =	simm.s32 @!p2 $0x0  }
0x16: {  	s3 =	sld [smem:$0x3FDB];
	s0 =	simm.s32 @p2 $0x1  }
0x17: {  	s4 =	simm.s32 $0x1BF5;
	[smem:$0x3FB2] =	sst s0  }
0x18: {  	s0 =	sld [smem:$0x3F95];
	_ =	swait.ge [sflag:s4], $0x0  }
0x19: {  	s7 =	sld [smem:$0x3F96]  }
0x1a: {  	s8 =	sadd.s32 $0xFFFFE003, lr  }
0x1b: {  	s9 =	sadd.s32 $0xFFFFFEF7, lr;
	s5 =	simm.s32 $0xFFFFFFFF;
	p2 =	slt.u32 s8, $0xFFFFF086  }
0x1c: {  	p1 =	slt.u32 s9, $0xF7A;
	s5 =	simm.s32 @!p2 $0x0  }
0x1d: {  	s5 =	simm.s32 @p1 $0x1;
	p0 =	seq.s32 s7, s2  }
0x1e: {  	s7 =	smul.u32 @!p0 $0xF7A, s2;
	p2 =	seq.s32 @!p0 s5, $0x0  }
0x1f: {  	s9 =	smul.u32 $0xF7A, s1;
	s8 =	simm.s32 @!p0 $0x1BF5;
	p2 =	por !p2, p0  }
0x20: {  	[sflag:s8] =	ssyncset.s32 @!p0 $0xFFFFF086;
	s6 =	sadd.s32 @!p0 s3, s7;
	s7 =	simm.s32 @!p0 $0x108  }
0x21: {  	s3 =	sadd.s32 s3, s9;
	s6 =	sadd.s32 @!p0 $0x88, s6;
	s7 =	simm.s32 @p2 $0x1082  }
0x22: {  	[simem:s7], [sflag:s8] =	dma.local @!p0 [hbm:s6], $0xF7A  }
0x23: {  	s9 =	sor.u32 $0xD0000000, s2;
	s6 =	simm.s32 $0x108;
	_ =	swait.ge @!p0 [sflag:s8], $0x0  }
0x24: {  	s3 =	sadd.s32 $0x88, s3;
	s6 =	simm.s32 @!p1 $0x1082;
	[sflag:s4] =	ssyncset.s32 $0xFFFFF086  }
0x25: {  	[simem:s6], [sflag:s4] =	dma.local [hbm:s3], $0xF7A  }
0x26: {  	[smem:$0x3F96] =	sst s1;
	(tag) =	ssettag s2;
	_ =	strace s9  }
0x27: {  	s1 =	sld [smem:$0x3FA6]  }
0x28: {  	s2 =	sld [smem:$0x3FA7]  }
0x29: {  	s4 =	sld [smem:$0x3FA9]  }
0x2a: {  	p0 =	seq.s32 s5, $0x0;
	s5 =	sld [smem:$0x3FAA]  }
0x2b: {  	s6 =	sld [smem:$0x3FAB]  }
0x2c: {  	s7 =	sld [smem:$0x3FAC]  }
0x2d: {  	s3 =	simm.s32 $0x108;
	s8 =	sld [smem:$0x3FAD]  }
0x2e: {  	s3 =	simm.s32 @!p0 $0x1082;
	s9 =	sld [smem:$0x3FAE]  }
0x2f: {  	lr =	sadd.s32 s0, s3;
	s0 =	sld [smem:$0x3FA5]  }
0x30: {  	s3 =	sld [smem:$0x3FA8]  }
0x31: {  	[smem:$0x3FB1] =	sst s10  }
0x32: {  	s10 =	sld [smem:$0x3FAF];
	_ =	sdelay $0x3  }
0x33: {  	p0 =	seq.s32 s10, $0x1;
	s10 =	sld [smem:$0x3FB1];
	_ =	sdelay $0x3  }
0x34: {  	[smem:$0x3FB1] =	sst s10  }
0x35: {  	s10 =	sld [smem:$0x3FB0];
	_ =	sdelay $0x3  }
0x36: {  	p1 =	seq.s32 s10, $0x1;
	s10 =	sld [smem:$0x3FB1];
	_ =	sdelay $0x3  }
0x37: {  	[smem:$0x3FB1] =	sst s10  }
0x38: {  	s10 =	sld [smem:$0x3FB2]  }
0x39: {  	_ = 	snop;
	(pc) =	sbr.ind lr, $3  }
0x3a: {  	_ = 	snop  }
0x3b: {  	_ = 	snop  }
0x3c: {  	p2 =	seq.s32 s10, $0x1;
	s10 =	sld [smem:$0x3FB1]  }
0x3d: {  	_ =	shalt  }
0x3e: {  	_ =	shalt  }
0x3f: {  	_ =	shalt  }
0x40: {  	_ =	shalt  }
0x41: {  	_ =	shalt  }
0x42: {  	_ =	shalt  }
0x43: {  	_ =	shalt  }
0x44: {  	_ =	shalt  }
0x45: {  	_ =	shalt  }
0x46: {  	_ =	shalt  }
0x47: {  	_ =	shalt  }
0x48: {  	_ =	shalt  }
0x49: {  	_ =	shalt  }
0x4a: {  	_ =	shalt  }
0x4b: {  	_ =	shalt  }
0x4c: {  	_ =	shalt  }
0x4d: {  	_ =	shalt  }
0x4e: {  	_ =	shalt  }
0x4f: {  	_ =	shalt  }
0x50: {  	_ =	shalt  }
0x51: {  	_ =	shalt  }
0x52: {  	_ =	shalt  }
0x53: {  	_ =	shalt  }
0x54: {  	_ =	shalt  }
0x55: {  	_ =	shalt  }
0x56: {  	_ =	shalt  }
0x57: {  	_ =	shalt  }
0x58: {  	_ =	shalt  }
0x59: {  	_ =	shalt  }
0x5a: {  	_ =	shalt  }
0x5b: {  	_ =	shalt  }
0x5c: {  	_ =	shalt  }
0x5d: {  	_ =	shalt  }
0x5e: {  	_ =	shalt  }
0x5f: {  	_ =	shalt  }
0x60: {  	_ =	shalt  }
0x61: {  	_ =	shalt  }
0x62: {  	_ =	shalt  }
0x63: {  	_ =	shalt  }
0x64: {  	_ =	shalt  }
0x65: {  	_ =	shalt  }
0x66: {  	_ =	shalt  }
0x67: {  	_ =	shalt  }
0x68: {  	_ =	shalt  }
0x69: {  	_ =	shalt  }
0x6a: {  	_ =	shalt  }
0x6b: {  	_ =	shalt  }
0x6c: {  	_ =	shalt  }
0x6d: {  	_ =	shalt  }
0x6e: {  	_ =	shalt  }
0x6f: {  	_ =	shalt  }
0x70: {  	_ =	shalt  }
0x71: {  	_ =	shalt  }
0x72: {  	_ =	shalt  }
0x73: {  	_ =	shalt  }
0x74: {  	_ =	shalt  }
0x75: {  	_ =	shalt  }
0x76: {  	_ =	shalt  }
0x77: {  	_ =	shalt  }
0x78: {  	_ =	shalt  }
0x79: {  	_ =	shalt  }
0x7a: {  	_ =	shalt  }
0x7b: {  	_ =	shalt  }
0x7c: {  	_ =	shalt  }
0x7d: {  	_ =	shalt  }
0x7e: {  	_ =	shalt  }
0x7f: {  	_ =	shalt  }
0x80: {  	_ =	shalt  }
0x81: {  	_ =	shalt  }
0x82: {  	_ =	shalt  }
0x83: {  	_ =	shalt  }
0x84: {  	_ =	shalt  }
0x85: {  	_ =	shalt  }
0x86: {  	_ =	shalt  }
0x87: {  	_ =	shalt  }
.Lfunc_end0:
.L_simem_size_0:
called_computation_lowered:
.L_overlay_start_0:
0x88: {  	s2 =	sld [smem:$0x3FD9]  }
0x89: {  	s3 =	sld [smem:$0x3FFE];
	_ =	sdelay $0x1  }
0x8a: {  	s1 =	srdreg.scid  }
0x8b: {  	s0 =	sand.u32 $0x1, s1  }
0x8c: {  	s16 =	sshll.u32 s0, $0xA;
	s2 =	sadd.s32 s3, s2  }
0x8d: {  	s2 =	sadd.s32 s2, s16  }
0x8e: {  	[smem:$0x3FBD] =	sst s2  }
0x8f: {  	_ = 	snop  }
0x90: {  	(tm) =	ssettm $0x1  }
0x91: {  	s17 =	sld [smem:$0x3FFB];
	_ =	sdelay $0x3  }
0x92: {  	_ =	strace s17  }
0x93: {  	s2 =	sld [smem:$0x3FFC];
	_ =	sdelay $0x3  }
0x94: {  	_ =	strace s2  }
0x95: {  	s2 =	sld [smem:$0x3FFD];
	_ =	sdelay $0x3  }
0x96: {  	_ =	strace s2  }
0x97: {  	_ =	strace $0x8FFFFFFF  }
0x98: {  	s18 =	sld [smem:$0x3FDB];
	_ =	sdelay $0x1  }
0x99: {  	s19 =	simm.s32 $_scs_section_size  }
0x9a: {  	s4 =	simm.s32 $_size__tile_overlayer_lowered;
	s5 =	simm.s32 $_tile_overlayer_lowered  }
0x9b: {  	s22 =	simm.s32 $0x1BFF;
	s21 =	sshll.u32 s5, $0x1;
	s2 =	sadd.s32 s19, s18  }
0x9c: {  	s6 =	simm.s32 $0x0;
	s20 =	sshll.u32 s4, $0x1;
	s4 =	sadd.s32 s21, s2  }
0x9d: {  	[timem:s6], [sflag:s22] =	dma.local [hbm:s4], s20  }
0x9e: {  	_ =	swait.ge [sflag:s22], s20  }
0x9f: {  	s3 =	ssub.s32 $0x0, s20;
	[sflag:s22] =	ssyncset.done $0x0  }
0xa0: {  	[sflag:s22] =	ssyncadd.s32 s3;
	_ =	sdelay $0x1  }
0xa1: {  	s23 =	simm.s32 $0x1B8B  }
0xa2: {  	_ =	swait.ge [sflag:s23], $0x1  }
0xa3: {  	[sflag:s23] =	ssyncset.done $0x0  }
0xa4: {  	s25 =	simm.s32 $0x1B8E;
	s24 =	sld [smem:$0x3FFE];
	[sflag:s23] =	ssyncadd.s32 $0xFFFFFFFF  }
0xa5: {  	s26 =	simm.s32 $execute0_lowered;
	[smem:$0x3FD2] =	sst s25  }
0xa6: {  	s4 =	sshll.u32 s26, $0x1;
	_ =	strace $0x80000046;
	[dreg:$0x1] =	wrdreg $0xFFFFFFFF  }
0xa7: {  	s28 =	simm.s32 $_size_execute0_lowered;
	s2 =	sadd.s32 s2, s4;
	[dreg:$0x0] =	wrdreg $0x0  }
0xa8: {  	s4 =	sshll.u32 s28, $0x1;
	[dreg:$0x2] =	wrdreg s2  }
0xa9: {  	[dreg:$0x3] =	wrdreg s4  }
0xaa: {  	[dreg:$0x4] =	wrdreg $0xC0  }
0xab: {  	_ =	task [dreg:s6], $0x5FFFF  }
0xac: {  	[dreg:$0x1] =	wrdreg $0xFFFFFFFF  }
0xad: {  	[dreg:$0x0] =	wrdreg $0x60  }
0xae: {  	[dreg:$0x2] =	wrdreg s24  }
0xaf: {  	[dreg:$0x3] =	wrdreg $0x51000  }
0xb0: {  	[dreg:$0x4] =	wrdreg $0xA  }
0xb1: {  	_ =	task.clear_ibuf [dreg:s6], $0x5FFFF;
	_ =	strace $0x90000046  }
0xb2: {  	s29 =	simm.s32 $0xA;
	_ =	strace $0x80000048  }
0xb3: {  	_ =	swait.ge [sflag:s29], $0x1  }
0xb4: {  	[sflag:s29] =	ssyncadd.s32 $0xFFFFFFFF  }
0xb5: {  	_ =	strace $0x90000048  }
0xb6: {  	_ =	sfence  }
0xb7: {  	s30 =	sld [smem:$0x0];
	_ =	sdelay $0x2  }
0xb8: {  	s31 =	sshll.u32 s1, $0xD;
	s1 =	sshrl.u32 s1, $0x2  }
0xb9: {  	s3 =	sand.u32 $0x4000, s31;
	s1 =	sadd.s32 s1, s30  }
0xba: {  	s0 =	sor.u32 s3, s0;
	s1 =	sshll.u32 s1, $0x11  }
0xbb: {  	s0 =	sor.u32 s1, s0  }
0xbc: {  	s0 =	sadd.s32 $0x8F2B, s0  }
0xbd: {  	[sflag:s0] =	ssyncadd.remote.s32 $0x1  }
0xbe: {  	_ =	sfence.sel $0xFFFF  }
0xbf: {  	[dreg:$0x0] =	wrdreg $0xFFFFFFFF;
	(pc) =	sbr.abs _section_cstart, $3  }
0xc0: {  	[dreg:$0x1] =	wrdreg $0xFFFFFFFF  }
0xc1: {  	_ =	task.clear_ibuf [dreg:s6], $0x2FFFF;
	_ =	strace $0x9FFFFFFF  }
0xc2: {  	(tm) =	ssettm $0x7FFFFFFF  }
0xc3: {  	_ =	shalt  }
tec
execute0_lowered:
.L_overlay_start_1:
0x0: {  	(tag) =	ssettag $0x1  }
0x1: {  	s5 =	rddreg [dreg:$0x0];
	s0 =	stileid.u32  }
0x2: {  	s2 =	rddreg [dreg:$0x1];
	s4 =	smul.u32 $0x2800, s0  }
0x3: {  	s3 =	simm.s32 $0x0;
	s7 =	srdreg.scid;
	s8 =	smul.u32 $0x50000, s0  }
0x4: {  	[smem:$0x7FF] =	sst s3;
	s12 =	sand.u32 $0x1, s7;
	s15 =	smul.u32 $0x4E200, s0  }
0x5: {  	s20 =	sshll.u32 s0, $0x1;
	s13 =	sadd.s32 $0x35000, s5;
	s18 =	smul.u32 $0x4E20, s0  }
0x6: {  	s22 =	sshll.u32 s0, $0x6;
	_ =	strace $0x80000047;
	s19 =	smul.u32 $0x2710, s12  }
0x7: {  	s21 =	ssub.s32 $0x2, s12;
	s7 =	sor.u32 s12, s20;
	s20 =	smul.u32 $0x27100, s12  }
0x8: {  	s6 =	sadd.s32 s4, s5;
	s4 =	sadd.s32 $0x3200, s5;
	s10 =	smul.u32 $0x2710, s7  }
0x9: {  	s9 =	sshrl.u32 s21, $0x1;
	s8 =	sshrl.u32 s8, $0x2;
	s24 =	smul.u32 $0x27100, s7  }
0xa: {  	s15 =	sadd.s32 s15, s13;
	s14 =	ssub.s32 s21, s9;
	s17 =	sadd.s32 s8, s2  }
0xb: {  	s5 =	sadd.s32 $0xD000, s6;
	s6 =	sor.u32 $0x1C04, s22;
	s30 =	sadd.s32 s19, s18  }
0xc: {  	s15 =	sadd.s32 s20, s15;
	s19 =	simm.s32 $0x50;
	s20 =	simm.s32 $0x100  }
0xd: {  	s21 =	simm.s32 $0x1;
	s22 =	simm.s32 $0x80;
	s23 =	sshrl.u32 s10, $0x3  }
0xe: {  	s11 =	sadd.s32 $0x50, s10;
	s8 =	sadd.s32 s13, s24;
	s16 =	sadd.s32 $0x26C0, s10  }
0xf: {  	s18 =	sadd.s32 $0xF0, s30;
	s17 =	sshrl.u32 s17, $0x3;
	s24 =	simm.s32 $0x2  }
0x10: {  	s7 =	sadd.s32 s4, s23;
	s25 =	sshrl.u32 s11, $0x3;
	s26 =	sshll.u32 s11, $0x4  }
0x11: {  	s28 =	sshrl.u32 s16, $0x3;
	s29 =	sshll.u32 s16, $0x4;
	s31 =	sshrl.u32 s18, $0x3  }
0x12: {  	s16 =	sadd.s32 $0xA0, s30;
	s18 =	simm.s32 $0x4;
	s23 =	simm.s32 $0x2900  }
0x13: {  	s9 =	sadd.s32 s4, s25;
	s10 =	sadd.s32 s13, s26;
	s11 =	sadd.s32 s4, s28  }
0x14: {  	s12 =	sadd.s32 s13, s29;
	s13 =	smax.u32 s14, $0x1;
	s14 =	sadd.s32 $0xF00, s15  }
0x15: {  	s15 =	sadd.s32 s31, s4;
	s25 =	simm.s32 $0x3;
	s26 =	simm.s32 $0x0  }
.LBB2_1:
0x16: {  	[spmem:s17], [sflag:s6] =	dma.local [hbm:s5], $0x2800  }
0x17: {  	_ =	swait.ge [sflag:s18], $0x2800  }
0x18: {  	[sflag:s18] =	ssyncset.done $0x0  }
0x19: {  	[sflag:s18] =	ssyncadd.s32 $0xFFFFD800  }
0x1a: {  	[bflag:$0x0] =	sbarrier.arrive $0xFFFF  }
0x1b: {  	[tilespmem:s3], [sflag:$0x4] =	stream.linear.gather [hbm4b:s7+s3], $0x50, $0x38;
	[tilespmem:$0x19100] =	vst v63  }
0x1c: {  	_ =	swait.ge [sflag:s18], $0x50  }
0x1d: {  	[sflag:s18] =	ssyncset.done $0x0  }
0x1e: {  	[sflag:s18] =	ssyncadd.s32 $0xFFFFFFB0  }
0x1f: {  	[tilespmem:s20], [sflag:$0x1] =	stream.indirect.gather [spmem:s2], $0x80, s3, s19, $0xb8;
	[tilespmem:$0x19100] =	vst v63  }
0x20: {  	_ =	swait.ge [sflag:s21], $0x2800  }
0x21: {  	[sflag:s21] =	ssyncset.done $0x0  }
0x22: {  	[sflag:s21] =	ssyncadd.s32 $0xFFFFD800  }
0x23: {  	[hbm4b:s8+s3] =	stream.linear.scatter [tilespmem:s20], [sflag:$0x2], $0x2800, $0x38;
	[tilespmem:$0x19100] =	vst v63  }
0x24: {  	_ = 	snop  }
0x25: {  	[tilespmem:s22], [sflag:$0x4] =	stream.linear.gather [hbm4b:s9+s3], $0x50, $0x38;
	[tilespmem:$0x19100] =	vst v63  }
0x26: {  	_ =	swait.ge [sflag:s18], $0x50  }
0x27: {  	[sflag:s18] =	ssyncset.done $0x0  }
0x28: {  	[sflag:s18] =	ssyncadd.s32 $0xFFFFFFB0  }
0x29: {  	[tilespmem:s23], [sflag:$0x1] =	stream.indirect.gather [spmem:s2], $0x80, s22, s19, $0xb8;
	[tilespmem:$0x19100] =	vst v63  }
0x2a: {  	_ =	swait.ge [sflag:s21], $0x2800  }
0x2b: {  	[sflag:s21] =	ssyncset.done $0x0  }
0x2c: {  	[sflag:s21] =	ssyncadd.s32 $0xFFFFD800  }
0x2d: {  	[hbm4b:s10+s3] =	stream.linear.scatter [tilespmem:s23], [sflag:$0x3], $0x2800, $0x38;
	[tilespmem:$0x19100] =	vst v63  }
0x2e: {  	_ =	swait.ge [sflag:s24], $0x2800  }
0x2f: {  	s28 =	sshrl.u32 s16, $0x3;
	[sflag:s24] =	ssyncset.done $0x0  }
0x30: {  	s28 =	sadd.s32 s4, s28;
	[sflag:s24] =	ssyncadd.s32 $0xFFFFD800  }
0x31: {  	[tilespmem:s3], [sflag:$0x4] =	stream.linear.gather [hbm4b:s28+s3], $0x50, $0x38;
	[tilespmem:$0x19100] =	vst v63  }
0x32: {  	_ =	swait.ge [sflag:s18], $0x50  }
0x33: {  	[sflag:s18] =	ssyncset.done $0x0  }
0x34: {  	[sflag:s18] =	ssyncadd.s32 $0xFFFFFFB0  }
0x35: {  	[tilespmem:s20], [sflag:$0x1] =	stream.indirect.gather [spmem:s2], $0x80, s3, s19, $0xb8;
	[tilespmem:$0x19100] =	vst v63  }
0x36: {  	_ =	swait.ge [sflag:s21], $0x2800  }
0x37: {  	[sflag:s21] =	ssyncset.done $0x0  }
0x38: {  	s28 =	sadd.s32 $0xFFFFFB00, s14;
	[sflag:s21] =	ssyncadd.s32 $0xFFFFD800  }
0x39: {  	[hbm4b:s28+s3] =	stream.linear.scatter [tilespmem:s20], [sflag:$0x2], $0x2800, $0x38;
	[tilespmem:$0x19100] =	vst v63  }
0x3a: {  	_ =	swait.ge [sflag:s25], $0x2800  }
0x3b: {  	[sflag:s25] =	ssyncset.done $0x0  }
0x3c: {  	s28 =	sadd.s32 $0x0, s15;
	[sflag:s25] =	ssyncadd.s32 $0xFFFFD800  }
0x3d: {  	[tilespmem:s22], [sflag:$0x4] =	stream.linear.gather [hbm4b:s28+s3], $0x50, $0x38;
	[tilespmem:$0x19100] =	vst v63  }
0x3e: {  	_ =	swait.ge [sflag:s18], $0x50  }
0x3f: {  	[sflag:s18] =	ssyncset.done $0x0  }
0x40: {  	[sflag:s18] =	ssyncadd.s32 $0xFFFFFFB0  }
0x41: {  	[tilespmem:s23], [sflag:$0x1] =	stream.indirect.gather [spmem:s2], $0x80, s22, s19, $0xb8;
	[tilespmem:$0x19100] =	vst v63  }
0x42: {  	_ =	swait.ge [sflag:s21], $0x2800  }
0x43: {  	s29 =	sadd.s32 $0xA00, s14;
	s30 =	sadd.s32 $0xA0, s16;
	[sflag:s21] =	ssyncset.done $0x0  }
0x44: {  	s31 =	smov.u32 s14;
	s28 =	simm.s32 $0x14;
	[sflag:s21] =	ssyncadd.s32 $0xFFFFD800  }
.LBB2_2:
0x45: {  	[hbm4b:s31+s3] =	stream.linear.scatter [tilespmem:s23], [sflag:$0x3], $0x2800, $0x38;
	[tilespmem:$0x19100] =	vst v63  }
0x46: {  	s0 =	smov.u32 s28;
	s31 =	smov.u32 s29  }
0x47: {  	p0 =	sne.s32 s28, $0x4B0;
	s28 =	sadd.s32 $0x14, s28;
	_ =	swait.ge [sflag:s24], $0x2800  }
0x48: {  	s1 =	sshrl.u32 s30, $0x3;
	[sflag:s24] =	ssyncset.done $0x0  }
0x49: {  	s1 =	sadd.s32 s4, s1;
	[sflag:s24] =	ssyncadd.s32 $0xFFFFD800  }
0x4a: {  	[tilespmem:s3], [sflag:$0x4] =	stream.linear.gather [hbm4b:s1+s3], $0x50, $0x38;
	[tilespmem:$0x19100] =	vst v63  }
0x4b: {  	_ =	swait.ge [sflag:s18], $0x50  }
0x4c: {  	[sflag:s18] =	ssyncset.done $0x0  }
0x4d: {  	[sflag:s18] =	ssyncadd.s32 $0xFFFFFFB0  }
0x4e: {  	[tilespmem:s20], [sflag:$0x1] =	stream.indirect.gather [spmem:s2], $0x80, s3, s19, $0xb8;
	[tilespmem:$0x19100] =	vst v63  }
0x4f: {  	_ =	swait.ge [sflag:s21], $0x2800  }
0x50: {  	[sflag:s21] =	ssyncset.done $0x0  }
0x51: {  	s1 =	sadd.s32 $0xFFFFFB00, s29;
	[sflag:s21] =	ssyncadd.s32 $0xFFFFD800  }
0x52: {  	[hbm4b:s1+s3] =	stream.linear.scatter [tilespmem:s20], [sflag:$0x2], $0x2800, $0x38;
	[tilespmem:$0x19100] =	vst v63  }
0x53: {  	_ =	swait.ge [sflag:s25], $0x2800  }
0x54: {  	[sflag:s25] =	ssyncset.done $0x0  }
0x55: {  	s0 =	sadd.s32 s0, s15;
	[sflag:s25] =	ssyncadd.s32 $0xFFFFD800  }
0x56: {  	[tilespmem:s22], [sflag:$0x4] =	stream.linear.gather [hbm4b:s0+s3], $0x50, $0x38;
	[tilespmem:$0x19100] =	vst v63  }
0x57: {  	_ =	swait.ge [sflag:s18], $0x50  }
0x58: {  	[sflag:s18] =	ssyncset.done $0x0  }
.Ltmp0:
0x59: {  	[sflag:s18] =	ssyncadd.s32 $0xFFFFFFB0;
	(pc) =	sbr.rel @p0 .LBB2_2-.Ltmp0, $4  }
0x5a: {  	[tilespmem:s23], [sflag:$0x1] =	stream.indirect.gather [spmem:s2], $0x80, s22, s19, $0xb8;
	[tilespmem:$0x19100] =	vst v63  }
0x5b: {  	_ =	swait.ge [sflag:s21], $0x2800  }
0x5c: {  	[sflag:s21] =	ssyncset.done $0x0  }
0x5d: {  	s30 =	sadd.s32 $0xA0, s30;
	s29 =	sadd.s32 $0xA00, s29;
	[sflag:s21] =	ssyncadd.s32 $0xFFFFD800  }
0x5e: {  	[hbm4b:s31+s3] =	stream.linear.scatter [tilespmem:s23], [sflag:$0x3], $0x2800, $0x38;
	[tilespmem:$0x19100] =	vst v63  }
0x5f: {  	_ =	swait.ge [sflag:s24], $0x2800  }
0x60: {  	[sflag:s24] =	ssyncset.done $0x0  }
0x61: {  	[sflag:s24] =	ssyncadd.s32 $0xFFFFD800  }
0x62: {  	[tilespmem:s3], [sflag:$0x4] =	stream.linear.gather [hbm4b:s11+s3], $0x50, $0x38;
	[tilespmem:$0x19100] =	vst v63  }
0x63: {  	_ =	swait.ge [sflag:s18], $0x50  }
0x64: {  	[sflag:s18] =	ssyncset.done $0x0  }
0x65: {  	[sflag:s18] =	ssyncadd.s32 $0xFFFFFFB0  }
0x66: {  	[tilespmem:s20], [sflag:$0x1] =	stream.indirect.gather [spmem:s2], $0x80, s3, s19, $0xb8;
	[tilespmem:$0x19100] =	vst v63  }
0x67: {  	_ =	swait.ge [sflag:s21], $0x2800  }
0x68: {  	[sflag:s21] =	ssyncset.done $0x0  }
0x69: {  	s26 =	sadd.s32 $0x1, s26;
	[sflag:s21] =	ssyncadd.s32 $0xFFFFD800  }
0x6a: {  	[hbm4b:s12+s3] =	stream.linear.scatter [tilespmem:s20], [sflag:$0x2], $0x2800, $0x38;
	[tilespmem:$0x19100] =	vst v63  }
0x6b: {  	p0 =	sne.s32 s26, s13;
	_ =	swait.ge [sflag:s25], $0x2800  }
.Ltmp1:
0x6c: {  	[sflag:s25] =	ssyncset.done $0x0;
	(pc) =	sbr.rel @p0 .LBB2_1-.Ltmp1, $4  }
0x6d: {  	[sflag:s25] =	ssyncadd.s32 $0xFFFFD800  }
0x6e: {  	_ =	swait.ge [sflag:s24], $0x2800  }
0x6f: {  	[sflag:s24] =	ssyncset.done $0x0  }
0x70: {  	[sflag:s24] =	ssyncadd.s32 $0xFFFFD800  }
0x71: {  	_ =	sfence.sel $0x180000  }
0x72: {  	[bflag:$0x0] =	sbarrier.arrive $0xFFFF  }
0x73: {  	_ =	strace $0x90000047  }
0x74: {  	s0 =	stileid.u32;
	[bflag:$0x2] =	sbarrier.arrive $0xFFFF  }
0x75: {  	p0 =	sne.s32 s0, $0x0;
	s0 =	rddreg [dreg:$0x2]  }
0x76: {  	s0 =	sadd.s32 @!p0 $0x100000, s0  }
0x77: {  	[sflag:s0] =	ssyncadd.tile.s32 @!p0 $0x1;
	_ =	shalt  }
.Lfunc_end2:
_tile_overlayer_lowered:
.L_overlay_start_2:
0x78: {  	(tag) =	ssettag $0x2  }
0x79: {  	s0 =	rddreg [dreg:$0x0];
	s2 =	stileid.u32  }
0x7a: {  	s1 =	rddreg [dreg:$0x1];
	p0 =	sne.s32 s2, $0x0  }
0x7b: {  	s3 =	rddreg [dreg:$0x2];
	[bflag:$0x3] =	sbarrier.arrive $0xFFFF;
	s2 =	simm.s32 @!p0 $0x1C04  }
0x7c: {  	[timem:s3], [sflag:s2] =	dma.local @!p0 [hbm:s0], s1  }
0x7d: {  	s0 =	simm.s32 @!p0 $0x4  }
0x7e: {  	_ =	swait.ge @!p0 [sflag:s0], s1  }
0x7f: {  	s1 =	ssub.s32 @!p0 $0x0, s1;
	[sflag:s0] =	ssyncset.done @!p0 $0x0  }
0x80: {  	[sflag:s0] =	ssyncadd.s32 @!p0 s1  }
0x81: {  	[bflag:$0x3] =	sbarrier.arrive $0xFFFF  }
0x82: {  	_ =	shalt  }

</sc_bundles>
